<compile_context>
chip_gen: v7x
topology: tpu7x:2x2x1
jax: 0.10.2.dev20260603
libtpu: 0.0.44.dev20260713+nightly
codegen_flags: <defaults>
</compile_context>

<pallas_src>
import functools

import jax
import jax.numpy as jnp
import numpy as np
from jax import lax
from jax.experimental import pallas as pl
from jax.experimental.pallas import tpu as pltpu
from jax.experimental.pallas import tpu_sc as plsc

N = 10000
E = 320000
FEAT = 128
H = 16
C = 8
NC = 10
G = 64
HC = H * C
TBL = HC + H
CHUNK = 80
NROWS = E // CHUNK
NWORK = 32
ROWS_PW = NROWS // NWORK
NPAD = 10112
NPT = NPAD // 16

_PERM = np.arange(HC).reshape(H, C).T.reshape(-1)

f32 = jnp.float32



def _dense1_body(x_ref, w_ref, as_ref, ad_ref, hs_out, ad_out):
    h = jnp.dot(x_ref[...], w_ref[...], preferred_element_type=f32)
    a_s = jnp.dot(h, as_ref[...], preferred_element_type=f32)
    hs_out[...] = jnp.concatenate([h, a_s], axis=1)
    ad_out[...] = jnp.dot(h, ad_ref[...], preferred_element_type=f32)


def _norm1_body(pp_ref, b_ref, o_ref):
    t = pp_ref[0] + pp_ref[1]
    num = t[:, :HC]
    r = 1.0 / (t[:, HC:] + 1e-16)
    rexp = jnp.concatenate([r] * C, axis=1)
    o = num * rexp + b_ref[...]
    o_ref[...] = jnp.where(o > 0, o, jnp.exp(o) - 1.0)


def _stats_body(o_ref, mu_ref, var_ref):
    o = o_ref[:N]
    mu = jnp.mean(o, axis=0, keepdims=True)
    mu_ref[...] = mu
    var_ref[...] = jnp.mean((o - mu) ** 2, axis=0, keepdims=True)


def _bnmm1_body(o_ref, mu_ref, var_ref, g_ref, be_ref, w2_ref, as2_ref,
                ad2_ref, hs_out, ad_out):
    ob = (o_ref[...] - mu_ref[...]) / jnp.sqrt(var_ref[...] + 1e-5) \
        * g_ref[...] + be_ref[...]
    h2 = jnp.dot(ob, w2_ref[...], preferred_element_type=f32)
    a_s = jnp.dot(h2, as2_ref[...], preferred_element_type=f32)
    hs_out[...] = jnp.concatenate([h2, a_s], axis=1)
    ad_out[...] = jnp.dot(h2, ad2_ref[...], preferred_element_type=f32)


def _norm2_body(pp_ref, mp_ref, b2_ref, o_ref):
    t = pp_ref[0] + pp_ref[1]
    num = t[:, :HC]
    r = 1.0 / (t[:, HC:] + 1e-16)
    rexp = jnp.concatenate([r] * C, axis=1)
    o_ref[...] = jnp.dot(num * rexp, mp_ref[...],
                         preferred_element_type=f32) + b2_ref[...]


def _final2_body(o_ref, g2_ref, be2_ref, batch_ref, wl_ref, bl_ref, out_ref):
    o = o_ref[:N]
    mu = jnp.mean(o, axis=0, keepdims=True)
    var = jnp.mean((o - mu) ** 2, axis=0, keepdims=True)
    ob = (o - mu) / jnp.sqrt(var + 1e-5) * g2_ref[...] + be2_ref[...]
    iot = lax.broadcasted_iota(jnp.int32, (G, N), 0)
    oh = (iot == batch_ref[...]).astype(f32)
    cnt = jnp.sum(oh, axis=1, keepdims=True)
    pooled = jnp.dot(oh, ob, preferred_element_type=f32)
    pooled = pooled / jnp.maximum(cnt, 1.0)
    out_ref[...] = jnp.dot(pooled, wl_ref[...], preferred_element_type=f32) \
        + bl_ref[...]



def _edge_body(hs_hbm, ad_hbm, src_hbm, dst_hbm, zero_hbm, out_hbm,
               src_v, dst_v, hs_rows, ad_rows, out_buf, acc,
               si0, si1, sg0, sg1):
    cid = lax.axis_index("c")
    sid = lax.axis_index("s")
    wid = cid * 16 + sid
    sems = ((si0, sg0), (si1, sg1))

    pltpu.sync_copy(zero_hbm.at[pl.ds(sid * NPT, NPT)],
                    acc.at[pl.ds(sid * NPT, NPT)])
    plsc.subcore_barrier()

    def issue_idx(row, b):
        pltpu.async_copy(src_hbm.at[row], src_v.at[b], sems[b][0])
        pltpu.async_copy(dst_hbm.at[pl.ds(row, 1)], dst_v.at[b], sems[b][0])

    def wait_idx_issue_gathers(b):
        pltpu.make_async_copy(src_hbm.at[0], src_v.at[b], sems[b][0]).wait()
        pltpu.make_async_copy(dst_hbm.at[pl.ds(0, 1)], dst_v.at[b],
                              sems[b][0]).wait()
        pltpu.async_copy(hs_hbm.at[src_v.at[b]], hs_rows.at[b], sems[b][1])
        pltpu.async_copy(ad_hbm.at[dst_v.at[b].at[0]], ad_rows.at[b],
                         sems[b][1])

    def wait_gathers(b):
        pltpu.make_async_copy(hs_hbm.at[src_v.at[b]], hs_rows.at[b],
                              sems[b][1]).wait()
        pltpu.make_async_copy(ad_hbm.at[dst_v.at[b].at[0]], ad_rows.at[b],
                              sems[b][1]).wait()

    def compute(b):
        @pl.loop(0, CHUNK)
        def _edge(i):
            a = hs_rows[b, i, pl.ds(HC, H)] + ad_rows[b, i, :]
            a = jnp.where(a > 0, a, 0.2 * a)
            p = jnp.exp(a)
            out_buf[i, pl.ds(HC, H)] = p
            for j in range(C):
                out_buf[i, pl.ds(16 * j, 16)] = \
                    hs_rows[b, i, pl.ds(16 * j, 16)] * p

    def sync_scatter(b):
        pltpu.sync_copy(out_buf, acc.at[dst_v.at[b].at[0]], add=True)

    base = wid * ROWS_PW
    issue_idx(base, 0)
    wait_idx_issue_gathers(0)

    @pl.loop(0, ROWS_PW - 1, step=2)
    def _pair(t):
        for b in (0, 1):
            k = t + b
            nb = 1 - b
            issue_idx(base + k + 1, nb)
            wait_idx_issue_gathers(nb)
            wait_gathers(b)
            compute(b)
            sync_scatter(b)

    wait_gathers(0)
    compute(0)
    sync_scatter(0)

    plsc.subcore_barrier()
    pltpu.sync_copy(acc.at[pl.ds(sid * NPT, NPT)],
                    out_hbm.at[cid, pl.ds(sid * NPT, NPT)])


_edge_kernel = functools.partial(
    pl.kernel,
    out_type=jax.ShapeDtypeStruct((2, NPAD, TBL), f32),
    mesh=plsc.VectorSubcoreMesh(core_axis_name="c", subcore_axis_name="s"),
    scratch_types=[
        pltpu.VMEM((2, CHUNK), jnp.int32),
        pltpu.VMEM((2, 1, CHUNK), jnp.int32),
        pltpu.VMEM((2, CHUNK, TBL), f32),
        pltpu.VMEM((2, CHUNK, H), f32),
        pltpu.VMEM((CHUNK, TBL), f32),
        pltpu.VMEM_SHARED((NPAD, TBL), f32),
        pltpu.SemaphoreType.DMA,
        pltpu.SemaphoreType.DMA,
        pltpu.SemaphoreType.DMA,
        pltpu.SemaphoreType.DMA,
    ],
    compiler_params=pltpu.CompilerParams(use_tc_tiling_on_sc=False),
)(_edge_body)



def kernel(x, edge_index, batch, W1, att_src1, att_dst1, b1, g1, be1,
           W2, att_src2, att_dst2, b2, g2, be2, Wl, bl):
    perm = jnp.asarray(_PERM)
    eye16 = jnp.eye(H, dtype=f32)

    def amat(att):
        return (att.T[:, :, None] * eye16[None, :, :]).reshape(HC, H)

    W1p = W1[:, perm]
    W2pp = W2[perm][:, perm]
    A1s, A1d = amat(att_src1), amat(att_dst1)
    A2s, A2d = amat(att_src2), amat(att_dst2)
    b1p = b1[perm].reshape(1, HC)
    g1p = g1[perm].reshape(1, HC)
    be1p = be1[perm].reshape(1, HC)
    Mp = jnp.broadcast_to(jnp.eye(C, dtype=f32)[:, None, :] / H,
                          (C, H, C)).reshape(HC, C)
    src2d = edge_index[0].astype(jnp.int32).reshape(NROWS, CHUNK)
    dst2d = edge_index[1].astype(jnp.int32).reshape(NROWS, CHUNK)
    zeros = jnp.zeros((NPAD, TBL), f32)
    batch2d = batch.astype(jnp.int32).reshape(1, N)

    hs1, ad1 = pl.pallas_call(
        _dense1_body,
        out_shape=(jax.ShapeDtypeStruct((N, TBL), f32),
                   jax.ShapeDtypeStruct((N, H), f32)),
    )(x, W1p, A1s, A1d)

    pp1 = _edge_kernel(hs1, ad1, src2d, dst2d, zeros)

    NB1 = 16
    BLK1 = NPAD // NB1
    o1 = pl.pallas_call(
        _norm1_body,
        grid=(NB1,),
        in_specs=[
            pl.BlockSpec((2, BLK1, TBL), lambda i: (0, i, 0)),
            pl.BlockSpec((1, HC), lambda i: (0, 0)),
        ],
        out_specs=pl.BlockSpec((BLK1, HC), lambda i: (i, 0)),
        out_shape=jax.ShapeDtypeStruct((NPAD, HC), f32),
    )(pp1, b1p)

    mu1, var1 = pl.pallas_call(
        _stats_body,
        out_shape=(jax.ShapeDtypeStruct((1, HC), f32),
                   jax.ShapeDtypeStruct((1, HC), f32)),
    )(o1)

    NB2 = 10
    BLK2 = N // NB2
    hs2, ad2 = pl.pallas_call(
        _bnmm1_body,
        grid=(NB2,),
        in_specs=[
            pl.BlockSpec((BLK2, HC), lambda i: (i, 0)),
            pl.BlockSpec((1, HC), lambda i: (0, 0)),
            pl.BlockSpec((1, HC), lambda i: (0, 0)),
            pl.BlockSpec((1, HC), lambda i: (0, 0)),
            pl.BlockSpec((1, HC), lambda i: (0, 0)),
            pl.BlockSpec((HC, HC), lambda i: (0, 0)),
            pl.BlockSpec((HC, H), lambda i: (0, 0)),
            pl.BlockSpec((HC, H), lambda i: (0, 0)),
        ],
        out_specs=(pl.BlockSpec((BLK2, TBL), lambda i: (i, 0)),
                   pl.BlockSpec((BLK2, H), lambda i: (i, 0))),
        out_shape=(jax.ShapeDtypeStruct((N, TBL), f32),
                   jax.ShapeDtypeStruct((N, H), f32)),
    )(o1[:N], mu1, var1, g1p, be1p, W2pp, A2s, A2d)

    pp2 = _edge_kernel(hs2, ad2, src2d, dst2d, zeros)

    o2 = pl.pallas_call(
        _norm2_body,
        grid=(NB1,),
        in_specs=[
            pl.BlockSpec((2, BLK1, TBL), lambda i: (0, i, 0)),
            pl.BlockSpec((HC, C), lambda i: (0, 0)),
            pl.BlockSpec((1, C), lambda i: (0, 0)),
        ],
        out_specs=pl.BlockSpec((BLK1, C), lambda i: (i, 0)),
        out_shape=jax.ShapeDtypeStruct((NPAD, C), f32),
    )(pp2, Mp, b2.reshape(1, C))

    out = pl.pallas_call(
        _final2_body,
        out_shape=jax.ShapeDtypeStruct((G, NC), f32),
    )(o2, g2.reshape(1, C), be2.reshape(1, C), batch2d, Wl, bl.reshape(1, NC))
    return out

# --- scband reference (transcript-rebuilt; emitter-appended) ---
"""Pipeline reference for scband-gat-48593259987027 (READ-ONLY COPY).

The authoritative reference and input builder live on the scoring server;
editing this copy changes nothing except your own understanding.
"""

import jax, jax.numpy as jnp
import numpy as np

N = 10000
E = 320000
FEAT = 128
H = 16
C = 8
NC = 10
G = 64


def _gat_conv(x, edge_index, W, att_src, att_dst, bias, concat):
    n = x.shape[0]
    h = (x @ W).reshape(n, H, C)
    a_s = (h * att_src[None, :, :]).sum(-1)  # [n, H]
    a_d = (h * att_dst[None, :, :]).sum(-1)  # [n, H]
    src = edge_index[0]
    dst = edge_index[1]
    alpha = a_s[src] + a_d[dst]  # [E, H]
    alpha = jnp.where(alpha > 0, alpha, 0.2 * alpha)  # LeakyReLU(0.2)
    amax = jax.ops.segment_max(alpha, dst, num_segments=n)
    amax = jnp.where(jnp.isfinite(amax), amax, 0.0)
    ex = jnp.exp(alpha - amax[dst])
    s = jax.ops.segment_sum(ex, dst, num_segments=n)
    att = ex / (s[dst] + 1e-16)
    msg = h[src] * att[:, :, None]  # [E, H, C]
    out = jax.ops.segment_sum(msg, dst, num_segments=n)  # [n, H, C]
    if concat:
        out = out.reshape(n, H * C)
    else:
        out = out.mean(axis=1)
    return out + bias


def _batchnorm(x, gamma, beta):
    mu = x.mean(axis=0)
    var = x.var(axis=0)
    return (x - mu) / jnp.sqrt(var + 1e-5) * gamma + beta


def _global_mean_pool(x, batch):
    s = jax.ops.segment_sum(x, batch, num_segments=G)
    cnt = jax.ops.segment_sum(jnp.ones((x.shape[0],), x.dtype), batch, num_segments=G)
    return s / jnp.maximum(cnt, 1.0)[:, None]


def setup_inputs(seed: int = 0):
    key = jax.random.key(seed)
    ks = jax.random.split(key, 20)
    x = jax.random.normal(ks[0], (N, FEAT), jnp.float32)
    edge_index = jax.random.randint(ks[1], (2, E), 0, N)
    batch = jnp.sort(jax.random.randint(ks[2], (N,), 0, G))
    sc = 0.1
    W1 = jax.random.normal(ks[3], (FEAT, H * C), jnp.float32) * sc
    att_src1 = jax.random.normal(ks[4], (H, C), jnp.float32) * sc
    att_dst1 = jax.random.normal(ks[5], (H, C), jnp.float32) * sc
    b1 = jnp.zeros((H * C,), jnp.float32)
    g1 = jnp.ones((H * C,), jnp.float32)
    be1 = jnp.zeros((H * C,), jnp.float32)
    W2 = jax.random.normal(ks[6], (H * C, H * C), jnp.float32) * sc
    att_src2 = jax.random.normal(ks[7], (H, C), jnp.float32) * sc
    att_dst2 = jax.random.normal(ks[8], (H, C), jnp.float32) * sc
    b2 = jnp.zeros((C,), jnp.float32)
    g2 = jnp.ones((C,), jnp.float32)
    be2 = jnp.zeros((C,), jnp.float32)
    Wl = jax.random.normal(ks[9], (C, NC), jnp.float32) * sc
    bl = jnp.zeros((NC,), jnp.float32)
    return {"x": x, "edge_index": edge_index, "batch": batch,
            "W1": W1, "att_src1": att_src1, "att_dst1": att_dst1, "b1": b1, "g1": g1, "be1": be1,
            "W2": W2, "att_src2": att_src2, "att_dst2": att_dst2, "b2": b2, "g2": g2, "be2": be2,
            "Wl": Wl, "bl": bl}


def reference(x, edge_index, batch, W1, att_src1, att_dst1, b1, g1, be1,
              W2, att_src2, att_dst2, b2, g2, be2, Wl, bl):
    # conv1 (heads=16, concat=True) -> elu -> bn1  (dropout is identity in eval)
    h = _gat_conv(x, edge_index, W1, att_src1, att_dst1, b1, concat=True)
    h = jax.nn.elu(h)
    h = _batchnorm(h, g1, be1)
    # conv2 (heads=16, concat=False) -> bn2
    h = _gat_conv(h, edge_index, W2, att_src2, att_dst2, b2, concat=False)
    h = _batchnorm(h, g2, be2)
    # global mean pool -> linear
    h = _global_mean_pool(h, batch)
    out = h @ Wl + bl
    return out

if __name__ == "__main__":
    import jax
    _d = setup_inputs()
    print(jax.jit(kernel)(*tuple(_d.values())))

</pallas_src>

<mosaic_0001>
#map = affine_map<(d0, d1) -> (0, 0)>
#map1 = affine_map<(d0, d1) -> (0, 0, 0)>
module attributes {stable_mosaic.version = 14 : i64} {
  func.func @_edge_body(%arg0: i32, %arg1: i32, %arg2: memref<10000x144xf32, #tpu.memory_space<hbm>>, %arg3: memref<10000x16xf32, #tpu.memory_space<hbm>>, %arg4: memref<4000x80xi32, #tpu.memory_space<hbm>>, %arg5: memref<4000x80xi32, #tpu.memory_space<hbm>>, %arg6: memref<10112x144xf32, #tpu.memory_space<hbm>>, %arg7: memref<2x10112x144xf32, #tpu.memory_space<hbm>>, %arg8: memref<2x80xi32, #tpu.memory_space<vmem>>, %arg9: memref<2x1x80xi32, #tpu.memory_space<vmem>>, %arg10: memref<2x80x144xf32, #tpu.memory_space<vmem>>, %arg11: memref<2x80x16xf32, #tpu.memory_space<vmem>>, %arg12: memref<80x144xf32, #tpu.memory_space<vmem>>, %arg13: memref<10112x144xf32, #tpu.memory_space<vmem_shared>>, %arg14: memref<!tpu.dma_semaphore, #tpu.memory_space<semaphore_mem>>, %arg15: memref<!tpu.dma_semaphore, #tpu.memory_space<semaphore_mem>>, %arg16: memref<!tpu.dma_semaphore, #tpu.memory_space<semaphore_mem>>, %arg17: memref<!tpu.dma_semaphore, #tpu.memory_space<semaphore_mem>>) attributes {dimension_semantics = [#tpu.dimension_semantics<core_parallel>, #tpu.dimension_semantics<subcore_parallel>], iteration_bounds = array<i64: 2, 16>, scalar_prefetch = 0 : i64, scratch_operands = 10 : i64, tpu.core_type = #tpu.core_type<sc_vector_subcore>, window_params = [{transform_indices = #map}, {transform_indices = #map}, {transform_indices = #map}, {transform_indices = #map}, {transform_indices = #map}, {transform_indices = #map1}]} {
    %mul3A = arith.constant 16 : i32
    %mul3A_0 = arith.muli %arg0, %mul3A : i32
    %add3A = arith.addi %mul3A_0, %arg1 : i32
    %mul3A_1 = arith.constant 632 : i32
    %mul3A_2 = arith.muli %arg1, %mul3A_1 : i32
    %mul3A_3 = arith.constant 632 : i32
    %mul3A_4 = arith.muli %arg1, %mul3A_3 : i32
    "tpu.region"() ({
      %run_scoped3A_133 = tpu.sem_alloc : memref<!tpu.dma_semaphore, #tpu.memory_space<semaphore_mem>>
      %dma_start3A_134 = arith.constant 0 : i32
      %dma_start3A_135 = tpu.memref_slice %arg13[%mul3A_4, %dma_start3A_134] : memref<10112x144xf32, #tpu.memory_space<vmem_shared>> -> memref<632x144xf32, #tpu.memory_space<vmem_shared>>
      %dma_start3A_136 = arith.constant 0 : i32
      %dma_start3A_137 = tpu.memref_slice %arg6[%mul3A_2, %dma_start3A_136] : memref<10112x144xf32, #tpu.memory_space<hbm>> -> memref<632x144xf32, #tpu.memory_space<hbm>>
      tpu.enqueue_dma source(%dma_start3A_137 : memref<632x144xf32, #tpu.memory_space<hbm>>) target(%dma_start3A_135 : memref<632x144xf32, #tpu.memory_space<vmem_shared>>) target_semaphore(%run_scoped3A_133 : memref<!tpu.dma_semaphore, #tpu.memory_space<semaphore_mem>>)
      %dma_wait3A_138 = arith.constant 0 : i32
      %dma_wait3A_139 = tpu.memref_slice %arg13[%mul3A_4, %dma_wait3A_138] : memref<10112x144xf32, #tpu.memory_space<vmem_shared>> -> memref<632x144xf32, #tpu.memory_space<vmem_shared>>
      %dma_wait3A_140 = arith.constant 0 : i32
      %dma_wait3A_141 = tpu.memref_slice %arg6[%mul3A_2, %dma_wait3A_140] : memref<10112x144xf32, #tpu.memory_space<hbm>> -> memref<632x144xf32, #tpu.memory_space<hbm>>
      tpu.wait_dma2 semaphore(%run_scoped3A_133 : memref<!tpu.dma_semaphore, #tpu.memory_space<semaphore_mem>>) src(%dma_wait3A_141 : memref<632x144xf32, #tpu.memory_space<hbm>>) dst(%dma_wait3A_139 : memref<632x144xf32, #tpu.memory_space<vmem_shared>>)
      tpu.yield
    }) : () -> ()
    %barrier3A = arith.constant 0 : index
    tpu.barrier barrier_id(%barrier3A)
    %mul3A_5 = arith.constant 125 : i32
    %mul3A_6 = arith.muli %add3A, %mul3A_5 : i32
    %dma_start3A = arith.constant 0 : i32
    %dma_start3A_7 = arith.constant 0 : i32
    %dma_start3A_8 = tpu.memref_slice %arg8[%dma_start3A, %dma_start3A_7] : memref<2x80xi32, #tpu.memory_space<vmem>> -> memref<1x80xi32, #tpu.memory_space<vmem>>
    %dma_start3A_9 = tpu.memref_squeeze %dma_start3A_8 : memref<1x80xi32, #tpu.memory_space<vmem>> -> memref<80xi32, #tpu.memory_space<vmem>>
    %dma_start3A_10 = arith.constant 0 : i32
    %dma_start3A_11 = tpu.memref_slice %arg4[%mul3A_6, %dma_start3A_10] : memref<4000x80xi32, #tpu.memory_space<hbm>> -> memref<1x80xi32, #tpu.memory_space<hbm>>
    %dma_start3A_12 = tpu.memref_squeeze %dma_start3A_11 : memref<1x80xi32, #tpu.memory_space<hbm>> -> memref<80xi32, #tpu.memory_space<hbm>>
    %dma_start3A_13 = arith.constant 0 : i32
    %dma_start3A_14 = tpu.memref_slice %arg8[%dma_start3A, %dma_start3A_13] : memref<2x80xi32, #tpu.memory_space<vmem>> -> memref<1x80xi32, #tpu.memory_space<vmem>>
    %dma_start3A_15 = tpu.memref_squeeze %dma_start3A_14 : memref<1x80xi32, #tpu.memory_space<vmem>> -> memref<80xi32, #tpu.memory_space<vmem>>
    %dma_start3A_16 = arith.constant 0 : i32
    %dma_start3A_17 = tpu.memref_slice %arg4[%mul3A_6, %dma_start3A_16] : memref<4000x80xi32, #tpu.memory_space<hbm>> -> memref<1x80xi32, #tpu.memory_space<hbm>>
    %dma_start3A_18 = tpu.memref_squeeze %dma_start3A_17 : memref<1x80xi32, #tpu.memory_space<hbm>> -> memref<80xi32, #tpu.memory_space<hbm>>
    tpu.enqueue_dma source(%dma_start3A_18 : memref<80xi32, #tpu.memory_space<hbm>>) target(%dma_start3A_15 : memref<80xi32, #tpu.memory_space<vmem>>) target_semaphore(%arg14 : memref<!tpu.dma_semaphore, #tpu.memory_space<semaphore_mem>>)
    %dma_start3A_19 = arith.constant 0 : i32
    %dma_start3A_20 = arith.constant 0 : i32
    %dma_start3A_21 = arith.constant 0 : i32
    %dma_start3A_22 = tpu.memref_slice %arg9[%dma_start3A_19, %dma_start3A_20, %dma_start3A_21] : memref<2x1x80xi32, #tpu.memory_space<vmem>> -> memref<1x1x80xi32, #tpu.memory_space<vmem>>
    %dma_start3A_23 = tpu.memref_squeeze %dma_start3A_22 : memref<1x1x80xi32, #tpu.memory_space<vmem>> -> memref<1x80xi32, #tpu.memory_space<vmem>>
    %dma_start3A_24 = arith.constant 0 : i32
    %dma_start3A_25 = tpu.memref_slice %arg5[%mul3A_6, %dma_start3A_24] : memref<4000x80xi32, #tpu.memory_space<hbm>> -> memref<1x80xi32, #tpu.memory_space<hbm>>
    %dma_start3A_26 = arith.constant 0 : i32
    %dma_start3A_27 = arith.constant 0 : i32
    %dma_start3A_28 = tpu.memref_slice %arg9[%dma_start3A_19, %dma_start3A_26, %dma_start3A_27] : memref<2x1x80xi32, #tpu.memory_space<vmem>> -> memref<1x1x80xi32, #tpu.memory_space<vmem>>
    %dma_start3A_29 = tpu.memref_squeeze %dma_start3A_28 : memref<1x1x80xi32, #tpu.memory_space<vmem>> -> memref<1x80xi32, #tpu.memory_space<vmem>>
    %dma_start3A_30 = arith.constant 0 : i32
    %dma_start3A_31 = tpu.memref_slice %arg5[%mul3A_6, %dma_start3A_30] : memref<4000x80xi32, #tpu.memory_space<hbm>> -> memref<1x80xi32, #tpu.memory_space<hbm>>
    tpu.enqueue_dma source(%dma_start3A_31 : memref<1x80xi32, #tpu.memory_space<hbm>>) target(%dma_start3A_29 : memref<1x80xi32, #tpu.memory_space<vmem>>) target_semaphore(%arg14 : memref<!tpu.dma_semaphore, #tpu.memory_space<semaphore_mem>>)
    %dma_wait3A = arith.constant 0 : i32
    %dma_wait3A_32 = arith.constant 0 : i32
    %dma_wait3A_33 = arith.constant 0 : i32
    %dma_wait3A_34 = tpu.memref_slice %arg8[%dma_wait3A_32, %dma_wait3A_33] : memref<2x80xi32, #tpu.memory_space<vmem>> -> memref<1x80xi32, #tpu.memory_space<vmem>>
    %dma_wait3A_35 = tpu.memref_squeeze %dma_wait3A_34 : memref<1x80xi32, #tpu.memory_space<vmem>> -> memref<80xi32, #tpu.memory_space<vmem>>
    %dma_wait3A_36 = arith.constant 0 : i32
    %dma_wait3A_37 = tpu.memref_slice %arg4[%dma_wait3A, %dma_wait3A_36] : memref<4000x80xi32, #tpu.memory_space<hbm>> -> memref<1x80xi32, #tpu.memory_space<hbm>>
    %dma_wait3A_38 = tpu.memref_squeeze %dma_wait3A_37 : memref<1x80xi32, #tpu.memory_space<hbm>> -> memref<80xi32, #tpu.memory_space<hbm>>
    %dma_wait3A_39 = arith.constant 0 : i32
    %dma_wait3A_40 = tpu.memref_slice %arg8[%dma_wait3A_32, %dma_wait3A_39] : memref<2x80xi32, #tpu.memory_space<vmem>> -> memref<1x80xi32, #tpu.memory_space<vmem>>
    %dma_wait3A_41 = tpu.memref_squeeze %dma_wait3A_40 : memref<1x80xi32, #tpu.memory_space<vmem>> -> memref<80xi32, #tpu.memory_space<vmem>>
    %dma_wait3A_42 = arith.constant 0 : i32
    %dma_wait3A_43 = tpu.memref_slice %arg4[%dma_wait3A, %dma_wait3A_42] : memref<4000x80xi32, #tpu.memory_space<hbm>> -> memref<1x80xi32, #tpu.memory_space<hbm>>
    %dma_wait3A_44 = tpu.memref_squeeze %dma_wait3A_43 : memref<1x80xi32, #tpu.memory_space<hbm>> -> memref<80xi32, #tpu.memory_space<hbm>>
    tpu.wait_dma2 semaphore(%arg14 : memref<!tpu.dma_semaphore, #tpu.memory_space<semaphore_mem>>) src(%dma_wait3A_44 : memref<80xi32, #tpu.memory_space<hbm>>) dst(%dma_wait3A_41 : memref<80xi32, #tpu.memory_space<vmem>>)
    %dma_wait3A_45 = arith.constant 0 : i32
    %dma_wait3A_46 = arith.constant 0 : i32
    %dma_wait3A_47 = arith.constant 0 : i32
    %dma_wait3A_48 = tpu.memref_slice %arg9[%dma_wait3A_45, %dma_wait3A_46, %dma_wait3A_47] : memref<2x1x80xi32, #tpu.memory_space<vmem>> -> memref<1x1x80xi32, #tpu.memory_space<vmem>>
    %dma_wait3A_49 = tpu.memref_squeeze %dma_wait3A_48 : memref<1x1x80xi32, #tpu.memory_space<vmem>> -> memref<1x80xi32, #tpu.memory_space<vmem>>
    %dma_wait3A_50 = arith.constant 0 : i32
    %dma_wait3A_51 = arith.constant 0 : i32
    %dma_wait3A_52 = tpu.memref_slice %arg5[%dma_wait3A_50, %dma_wait3A_51] : memref<4000x80xi32, #tpu.memory_space<hbm>> -> memref<1x80xi32, #tpu.memory_space<hbm>>
    %dma_wait3A_53 = arith.constant 0 : i32
    %dma_wait3A_54 = arith.constant 0 : i32
    %dma_wait3A_55 = tpu.memref_slice %arg9[%dma_wait3A_45, %dma_wait3A_53, %dma_wait3A_54] : memref<2x1x80xi32, #tpu.memory_space<vmem>> -> memref<1x1x80xi32, #tpu.memory_space<vmem>>
    %dma_wait3A_56 = tpu.memref_squeeze %dma_wait3A_55 : memref<1x1x80xi32, #tpu.memory_space<vmem>> -> memref<1x80xi32, #tpu.memory_space<vmem>>
    %dma_wait3A_57 = arith.constant 0 : i32
    %dma_wait3A_58 = arith.constant 0 : i32
    %dma_wait3A_59 = tpu.memref_slice %arg5[%dma_wait3A_57, %dma_wait3A_58] : memref<4000x80xi32, #tpu.memory_space<hbm>> -> memref<1x80xi32, #tpu.memory_space<hbm>>
    tpu.wait_dma2 semaphore(%arg14 : memref<!tpu.dma_semaphore, #tpu.memory_space<semaphore_mem>>) src(%dma_wait3A_59 : memref<1x80xi32, #tpu.memory_space<hbm>>) dst(%dma_wait3A_56 : memref<1x80xi32, #tpu.memory_space<vmem>>)
    %dma_start3A_60 = arith.constant 0 : i32
    %dma_start3A_61 = arith.constant 0 : i32
    %dma_start3A_62 = arith.constant 0 : i32
    %dma_start3A_63 = arith.constant 0 : i32
    %dma_start3A_64 = tpu.memref_slice %arg10[%dma_start3A_61, %dma_start3A_62, %dma_start3A_63] : memref<2x80x144xf32, #tpu.memory_space<vmem>> -> memref<1x80x144xf32, #tpu.memory_space<vmem>>
    %dma_start3A_65 = tpu.memref_squeeze %dma_start3A_64 : memref<1x80x144xf32, #tpu.memory_space<vmem>> -> memref<80x144xf32, #tpu.memory_space<vmem>>
    %dma_start3A_66 = arith.constant 0 : i32
    %dma_start3A_67 = tpu.memref_slice %arg8[%dma_start3A_60, %dma_start3A_66] : memref<2x80xi32, #tpu.memory_space<vmem>> -> memref<1x80xi32, #tpu.memory_space<vmem>>
    %dma_start3A_68 = tpu.memref_squeeze %dma_start3A_67 : memref<1x80xi32, #tpu.memory_space<vmem>> -> memref<80xi32, #tpu.memory_space<vmem>>
    %dma_start3A_69 = arith.constant 0 : i32
    %dma_start3A_70 = arith.constant 0 : i32
    %dma_start3A_71 = tpu.memref_slice %arg2[%dma_start3A_69, %dma_start3A_70] : memref<10000x144xf32, #tpu.memory_space<hbm>> -> memref<10000x144xf32, #tpu.memory_space<hbm>>
    tpu.enqueue_indirect_dma source(%dma_start3A_71 : memref<10000x144xf32, #tpu.memory_space<hbm>>) target(%dma_start3A_65 : memref<80x144xf32, #tpu.memory_space<vmem>>) offsets(%dma_start3A_68 : memref<80xi32, #tpu.memory_space<vmem>>) semaphore(%arg16 : memref<!tpu.dma_semaphore, #tpu.memory_space<semaphore_mem>>)
    %dma_start3A_72 = arith.constant 0 : i32
    %dma_start3A_73 = arith.constant 0 : i32
    %dma_start3A_74 = arith.constant 0 : i32
    %dma_start3A_75 = arith.constant 0 : i32
    %dma_start3A_76 = arith.constant 0 : i32
    %dma_start3A_77 = tpu.memref_slice %arg11[%dma_start3A_74, %dma_start3A_75, %dma_start3A_76] : memref<2x80x16xf32, #tpu.memory_space<vmem>> -> memref<1x80x16xf32, #tpu.memory_space<vmem>>
    %dma_start3A_78 = tpu.memref_squeeze %dma_start3A_77 : memref<1x80x16xf32, #tpu.memory_space<vmem>> -> memref<80x16xf32, #tpu.memory_space<vmem>>
    %dma_start3A_79 = arith.constant 0 : i32
    %dma_start3A_80 = arith.constant 0 : i32
    %dma_start3A_81 = tpu.memref_slice %arg9[%dma_start3A_72, %dma_start3A_79, %dma_start3A_80] : memref<2x1x80xi32, #tpu.memory_space<vmem>> -> memref<1x1x80xi32, #tpu.memory_space<vmem>>
    %dma_start3A_82 = tpu.memref_squeeze %dma_start3A_81 : memref<1x1x80xi32, #tpu.memory_space<vmem>> -> memref<1x80xi32, #tpu.memory_space<vmem>>
    %dma_start3A_83 = arith.constant 0 : i32
    %dma_start3A_84 = tpu.memref_slice %dma_start3A_82[%dma_start3A_73, %dma_start3A_83] : memref<1x80xi32, #tpu.memory_space<vmem>> -> memref<1x80xi32, #tpu.memory_space<vmem>>
    %dma_start3A_85 = tpu.memref_squeeze %dma_start3A_84 : memref<1x80xi32, #tpu.memory_space<vmem>> -> memref<80xi32, #tpu.memory_space<vmem>>
    %dma_start3A_86 = arith.constant 0 : i32
    %dma_start3A_87 = arith.constant 0 : i32
    %dma_start3A_88 = tpu.memref_slice %arg3[%dma_start3A_86, %dma_start3A_87] : memref<10000x16xf32, #tpu.memory_space<hbm>> -> memref<10000x16xf32, #tpu.memory_space<hbm>>
    tpu.enqueue_indirect_dma source(%dma_start3A_88 : memref<10000x16xf32, #tpu.memory_space<hbm>>) target(%dma_start3A_78 : memref<80x16xf32, #tpu.memory_space<vmem>>) offsets(%dma_start3A_85 : memref<80xi32, #tpu.memory_space<vmem>>) semaphore(%arg16 : memref<!tpu.dma_semaphore, #tpu.memory_space<semaphore_mem>>)
    %scan3A = arith.constant 0 : i32
    %scan3A_89 = arith.constant 62 : i32
    %scan3A_90 = arith.addi %scan3A, %scan3A_89 : i32
    %scan3A_91 = arith.constant 1 : i32
    scf.for %scan3A_133 = %scan3A to %scan3A_90 step %scan3A_91  : i32 {
      %mul3A_134 = arith.constant 2 : i32
      %mul3A_135 = arith.muli %scan3A_133, %mul3A_134 : i32
      %add3A_136 = arith.constant 0 : i32
      %add3A_137 = arith.addi %add3A_136, %mul3A_135 : i32
      %add3A_138 = arith.constant 0 : i32
      %add3A_139 = arith.addi %add3A_137, %add3A_138 : i32
      %add3A_140 = arith.addi %mul3A_6, %add3A_139 : i32
      %add3A_141 = arith.constant 1 : i32
      %add3A_142 = arith.addi %add3A_140, %add3A_141 : i32
      %dma_start3A_143 = arith.constant 1 : i32
      %dma_start3A_144 = arith.constant 0 : i32
      %dma_start3A_145 = tpu.memref_slice %arg8[%dma_start3A_143, %dma_start3A_144] : memref<2x80xi32, #tpu.memory_space<vmem>> -> memref<1x80xi32, #tpu.memory_space<vmem>>
      %dma_start3A_146 = tpu.memref_squeeze %dma_start3A_145 : memref<1x80xi32, #tpu.memory_space<vmem>> -> memref<80xi32, #tpu.memory_space<vmem>>
      %dma_start3A_147 = arith.constant 0 : i32
      %dma_start3A_148 = tpu.memref_slice %arg4[%add3A_142, %dma_start3A_147] : memref<4000x80xi32, #tpu.memory_space<hbm>> -> memref<1x80xi32, #tpu.memory_space<hbm>>
      %dma_start3A_149 = tpu.memref_squeeze %dma_start3A_148 : memref<1x80xi32, #tpu.memory_space<hbm>> -> memref<80xi32, #tpu.memory_space<hbm>>
      %dma_start3A_150 = arith.constant 0 : i32
      %dma_start3A_151 = tpu.memref_slice %arg8[%dma_start3A_143, %dma_start3A_150] : memref<2x80xi32, #tpu.memory_space<vmem>> -> memref<1x80xi32, #tpu.memory_space<vmem>>
      %dma_start3A_152 = tpu.memref_squeeze %dma_start3A_151 : memref<1x80xi32, #tpu.memory_space<vmem>> -> memref<80xi32, #tpu.memory_space<vmem>>
      %dma_start3A_153 = arith.constant 0 : i32
      %dma_start3A_154 = tpu.memref_slice %arg4[%add3A_142, %dma_start3A_153] : memref<4000x80xi32, #tpu.memory_space<hbm>> -> memref<1x80xi32, #tpu.memory_space<hbm>>
      %dma_start3A_155 = tpu.memref_squeeze %dma_start3A_154 : memref<1x80xi32, #tpu.memory_space<hbm>> -> memref<80xi32, #tpu.memory_space<hbm>>
      tpu.enqueue_dma source(%dma_start3A_155 : memref<80xi32, #tpu.memory_space<hbm>>) target(%dma_start3A_152 : memref<80xi32, #tpu.memory_space<vmem>>) target_semaphore(%arg15 : memref<!tpu.dma_semaphore, #tpu.memory_space<semaphore_mem>>)
      %dma_start3A_156 = arith.constant 1 : i32
      %dma_start3A_157 = arith.constant 0 : i32
      %dma_start3A_158 = arith.constant 0 : i32
      %dma_start3A_159 = tpu.memref_slice %arg9[%dma_start3A_156, %dma_start3A_157, %dma_start3A_158] : memref<2x1x80xi32, #tpu.memory_space<vmem>> -> memref<1x1x80xi32, #tpu.memory_space<vmem>>
      %dma_start3A_160 = tpu.memref_squeeze %dma_start3A_159 : memref<1x1x80xi32, #tpu.memory_space<vmem>> -> memref<1x80xi32, #tpu.memory_space<vmem>>
      %dma_start3A_161 = arith.constant 0 : i32
      %dma_start3A_162 = tpu.memref_slice %arg5[%add3A_142, %dma_start3A_161] : memref<4000x80xi32, #tpu.memory_space<hbm>> -> memref<1x80xi32, #tpu.memory_space<hbm>>
      %dma_start3A_163 = arith.constant 0 : i32
      %dma_start3A_164 = arith.constant 0 : i32
      %dma_start3A_165 = tpu.memref_slice %arg9[%dma_start3A_156, %dma_start3A_163, %dma_start3A_164] : memref<2x1x80xi32, #tpu.memory_space<vmem>> -> memref<1x1x80xi32, #tpu.memory_space<vmem>>
      %dma_start3A_166 = tpu.memref_squeeze %dma_start3A_165 : memref<1x1x80xi32, #tpu.memory_space<vmem>> -> memref<1x80xi32, #tpu.memory_space<vmem>>
      %dma_start3A_167 = arith.constant 0 : i32
      %dma_start3A_168 = tpu.memref_slice %arg5[%add3A_142, %dma_start3A_167] : memref<4000x80xi32, #tpu.memory_space<hbm>> -> memref<1x80xi32, #tpu.memory_space<hbm>>
      tpu.enqueue_dma source(%dma_start3A_168 : memref<1x80xi32, #tpu.memory_space<hbm>>) target(%dma_start3A_166 : memref<1x80xi32, #tpu.memory_space<vmem>>) target_semaphore(%arg15 : memref<!tpu.dma_semaphore, #tpu.memory_space<semaphore_mem>>)
      %dma_wait3A_169 = arith.constant 0 : i32
      %dma_wait3A_170 = arith.constant 1 : i32
      %dma_wait3A_171 = arith.constant 0 : i32
      %dma_wait3A_172 = tpu.memref_slice %arg8[%dma_wait3A_170, %dma_wait3A_171] : memref<2x80xi32, #tpu.memory_space<vmem>> -> memref<1x80xi32, #tpu.memory_space<vmem>>
      %dma_wait3A_173 = tpu.memref_squeeze %dma_wait3A_172 : memref<1x80xi32, #tpu.memory_space<vmem>> -> memref<80xi32, #tpu.memory_space<vmem>>
      %dma_wait3A_174 = arith.constant 0 : i32
      %dma_wait3A_175 = tpu.memref_slice %arg4[%dma_wait3A_169, %dma_wait3A_174] : memref<4000x80xi32, #tpu.memory_space<hbm>> -> memref<1x80xi32, #tpu.memory_space<hbm>>
      %dma_wait3A_176 = tpu.memref_squeeze %dma_wait3A_175 : memref<1x80xi32, #tpu.memory_space<hbm>> -> memref<80xi32, #tpu.memory_space<hbm>>
      %dma_wait3A_177 = arith.constant 0 : i32
      %dma_wait3A_178 = tpu.memref_slice %arg8[%dma_wait3A_170, %dma_wait3A_177] : memref<2x80xi32, #tpu.memory_space<vmem>> -> memref<1x80xi32, #tpu.memory_space<vmem>>
      %dma_wait3A_179 = tpu.memref_squeeze %dma_wait3A_178 : memref<1x80xi32, #tpu.memory_space<vmem>> -> memref<80xi32, #tpu.memory_space<vmem>>
      %dma_wait3A_180 = arith.constant 0 : i32
      %dma_wait3A_181 = tpu.memref_slice %arg4[%dma_wait3A_169, %dma_wait3A_180] : memref<4000x80xi32, #tpu.memory_space<hbm>> -> memref<1x80xi32, #tpu.memory_space<hbm>>
      %dma_wait3A_182 = tpu.memref_squeeze %dma_wait3A_181 : memref<1x80xi32, #tpu.memory_space<hbm>> -> memref<80xi32, #tpu.memory_space<hbm>>
      tpu.wait_dma2 semaphore(%arg15 : memref<!tpu.dma_semaphore, #tpu.memory_space<semaphore_mem>>) src(%dma_wait3A_182 : memref<80xi32, #tpu.memory_space<hbm>>) dst(%dma_wait3A_179 : memref<80xi32, #tpu.memory_space<vmem>>)
      %dma_wait3A_183 = arith.constant 1 : i32
      %dma_wait3A_184 = arith.constant 0 : i32
      %dma_wait3A_185 = arith.constant 0 : i32
      %dma_wait3A_186 = tpu.memref_slice %arg9[%dma_wait3A_183, %dma_wait3A_184, %dma_wait3A_185] : memref<2x1x80xi32, #tpu.memory_space<vmem>> -> memref<1x1x80xi32, #tpu.memory_space<vmem>>
      %dma_wait3A_187 = tpu.memref_squeeze %dma_wait3A_186 : memref<1x1x80xi32, #tpu.memory_space<vmem>> -> memref<1x80xi32, #tpu.memory_space<vmem>>
      %dma_wait3A_188 = arith.constant 0 : i32
      %dma_wait3A_189 = arith.constant 0 : i32
      %dma_wait3A_190 = tpu.memref_slice %arg5[%dma_wait3A_188, %dma_wait3A_189] : memref<4000x80xi32, #tpu.memory_space<hbm>> -> memref<1x80xi32, #tpu.memory_space<hbm>>
      %dma_wait3A_191 = arith.constant 0 : i32
      %dma_wait3A_192 = arith.constant 0 : i32
      %dma_wait3A_193 = tpu.memref_slice %arg9[%dma_wait3A_183, %dma_wait3A_191, %dma_wait3A_192] : memref<2x1x80xi32, #tpu.memory_space<vmem>> -> memref<1x1x80xi32, #tpu.memory_space<vmem>>
      %dma_wait3A_194 = tpu.memref_squeeze %dma_wait3A_193 : memref<1x1x80xi32, #tpu.memory_space<vmem>> -> memref<1x80xi32, #tpu.memory_space<vmem>>
      %dma_wait3A_195 = arith.constant 0 : i32
      %dma_wait3A_196 = arith.constant 0 : i32
      %dma_wait3A_197 = tpu.memref_slice %arg5[%dma_wait3A_195, %dma_wait3A_196] : memref<4000x80xi32, #tpu.memory_space<hbm>> -> memref<1x80xi32, #tpu.memory_space<hbm>>
      tpu.wait_dma2 semaphore(%arg15 : memref<!tpu.dma_semaphore, #tpu.memory_space<semaphore_mem>>) src(%dma_wait3A_197 : memref<1x80xi32, #tpu.memory_space<hbm>>) dst(%dma_wait3A_194 : memref<1x80xi32, #tpu.memory_space<vmem>>)
      %dma_start3A_198 = arith.constant 1 : i32
      %dma_start3A_199 = arith.constant 1 : i32
      %dma_start3A_200 = arith.constant 0 : i32
      %dma_start3A_201 = arith.constant 0 : i32
      %dma_start3A_202 = tpu.memref_slice %arg10[%dma_start3A_199, %dma_start3A_200, %dma_start3A_201] : memref<2x80x144xf32, #tpu.memory_space<vmem>> -> memref<1x80x144xf32, #tpu.memory_space<vmem>>
      %dma_start3A_203 = tpu.memref_squeeze %dma_start3A_202 : memref<1x80x144xf32, #tpu.memory_space<vmem>> -> memref<80x144xf32, #tpu.memory_space<vmem>>
      %dma_start3A_204 = arith.constant 0 : i32
      %dma_start3A_205 = tpu.memref_slice %arg8[%dma_start3A_198, %dma_start3A_204] : memref<2x80xi32, #tpu.memory_space<vmem>> -> memref<1x80xi32, #tpu.memory_space<vmem>>
      %dma_start3A_206 = tpu.memref_squeeze %dma_start3A_205 : memref<1x80xi32, #tpu.memory_space<vmem>> -> memref<80xi32, #tpu.memory_space<vmem>>
      %dma_start3A_207 = arith.constant 0 : i32
      %dma_start3A_208 = arith.constant 0 : i32
      %dma_start3A_209 = tpu.memref_slice %arg2[%dma_start3A_207, %dma_start3A_208] : memref<10000x144xf32, #tpu.memory_space<hbm>> -> memref<10000x144xf32, #tpu.memory_space<hbm>>
      tpu.enqueue_indirect_dma source(%dma_start3A_209 : memref<10000x144xf32, #tpu.memory_space<hbm>>) target(%dma_start3A_203 : memref<80x144xf32, #tpu.memory_space<vmem>>) offsets(%dma_start3A_206 : memref<80xi32, #tpu.memory_space<vmem>>) semaphore(%arg17 : memref<!tpu.dma_semaphore, #tpu.memory_space<semaphore_mem>>)
      %dma_start3A_210 = arith.constant 1 : i32
      %dma_start3A_211 = arith.constant 0 : i32
      %dma_start3A_212 = arith.constant 1 : i32
      %dma_start3A_213 = arith.constant 0 : i32
      %dma_start3A_214 = arith.constant 0 : i32
      %dma_start3A_215 = tpu.memref_slice %arg11[%dma_start3A_212, %dma_start3A_213, %dma_start3A_214] : memref<2x80x16xf32, #tpu.memory_space<vmem>> -> memref<1x80x16xf32, #tpu.memory_space<vmem>>
      %dma_start3A_216 = tpu.memref_squeeze %dma_start3A_215 : memref<1x80x16xf32, #tpu.memory_space<vmem>> -> memref<80x16xf32, #tpu.memory_space<vmem>>
      %dma_start3A_217 = arith.constant 0 : i32
      %dma_start3A_218 = arith.constant 0 : i32
      %dma_start3A_219 = tpu.memref_slice %arg9[%dma_start3A_210, %dma_start3A_217, %dma_start3A_218] : memref<2x1x80xi32, #tpu.memory_space<vmem>> -> memref<1x1x80xi32, #tpu.memory_space<vmem>>
      %dma_start3A_220 = tpu.memref_squeeze %dma_start3A_219 : memref<1x1x80xi32, #tpu.memory_space<vmem>> -> memref<1x80xi32, #tpu.memory_space<vmem>>
      %dma_start3A_221 = arith.constant 0 : i32
      %dma_start3A_222 = tpu.memref_slice %dma_start3A_220[%dma_start3A_211, %dma_start3A_221] : memref<1x80xi32, #tpu.memory_space<vmem>> -> memref<1x80xi32, #tpu.memory_space<vmem>>
      %dma_start3A_223 = tpu.memref_squeeze %dma_start3A_222 : memref<1x80xi32, #tpu.memory_space<vmem>> -> memref<80xi32, #tpu.memory_space<vmem>>
      %dma_start3A_224 = arith.constant 0 : i32
      %dma_start3A_225 = arith.constant 0 : i32
      %dma_start3A_226 = tpu.memref_slice %arg3[%dma_start3A_224, %dma_start3A_225] : memref<10000x16xf32, #tpu.memory_space<hbm>> -> memref<10000x16xf32, #tpu.memory_space<hbm>>
      tpu.enqueue_indirect_dma source(%dma_start3A_226 : memref<10000x16xf32, #tpu.memory_space<hbm>>) target(%dma_start3A_216 : memref<80x16xf32, #tpu.memory_space<vmem>>) offsets(%dma_start3A_223 : memref<80xi32, #tpu.memory_space<vmem>>) semaphore(%arg17 : memref<!tpu.dma_semaphore, #tpu.memory_space<semaphore_mem>>)
      %dma_wait3A_227 = arith.constant 0 : i32
      %dma_wait3A_228 = arith.constant 0 : i32
      %dma_wait3A_229 = arith.constant 0 : i32
      %dma_wait3A_230 = arith.constant 0 : i32
      %dma_wait3A_231 = tpu.memref_slice %arg10[%dma_wait3A_228, %dma_wait3A_229, %dma_wait3A_230] : memref<2x80x144xf32, #tpu.memory_space<vmem>> -> memref<1x80x144xf32, #tpu.memory_space<vmem>>
      %dma_wait3A_232 = tpu.memref_squeeze %dma_wait3A_231 : memref<1x80x144xf32, #tpu.memory_space<vmem>> -> memref<80x144xf32, #tpu.memory_space<vmem>>
      %dma_wait3A_233 = arith.constant 0 : i32
      %dma_wait3A_234 = tpu.memref_slice %arg8[%dma_wait3A_227, %dma_wait3A_233] : memref<2x80xi32, #tpu.memory_space<vmem>> -> memref<1x80xi32, #tpu.memory_space<vmem>>
      %dma_wait3A_235 = tpu.memref_squeeze %dma_wait3A_234 : memref<1x80xi32, #tpu.memory_space<vmem>> -> memref<80xi32, #tpu.memory_space<vmem>>
      %dma_wait3A_236 = arith.constant 0 : i32
      %dma_wait3A_237 = arith.constant 0 : i32
      %dma_wait3A_238 = tpu.memref_slice %arg2[%dma_wait3A_236, %dma_wait3A_237] : memref<10000x144xf32, #tpu.memory_space<hbm>> -> memref<10000x144xf32, #tpu.memory_space<hbm>>
      tpu.wait_indirect_dma semaphore(%arg16 : memref<!tpu.dma_semaphore, #tpu.memory_space<semaphore_mem>>) src(%dma_wait3A_238 : memref<10000x144xf32, #tpu.memory_space<hbm>>) dst(%dma_wait3A_232 : memref<80x144xf32, #tpu.memory_space<vmem>>)
      %dma_wait3A_239 = arith.constant 0 : i32
      %dma_wait3A_240 = arith.constant 0 : i32
      %dma_wait3A_241 = arith.constant 0 : i32
      %dma_wait3A_242 = arith.constant 0 : i32
      %dma_wait3A_243 = arith.constant 0 : i32
      %dma_wait3A_244 = tpu.memref_slice %arg11[%dma_wait3A_241, %dma_wait3A_242, %dma_wait3A_243] : memref<2x80x16xf32, #tpu.memory_space<vmem>> -> memref<1x80x16xf32, #tpu.memory_space<vmem>>
      %dma_wait3A_245 = tpu.memref_squeeze %dma_wait3A_244 : memref<1x80x16xf32, #tpu.memory_space<vmem>> -> memref<80x16xf32, #tpu.memory_space<vmem>>
      %dma_wait3A_246 = arith.constant 0 : i32
      %dma_wait3A_247 = arith.constant 0 : i32
      %dma_wait3A_248 = tpu.memref_slice %arg9[%dma_wait3A_239, %dma_wait3A_246, %dma_wait3A_247] : memref<2x1x80xi32, #tpu.memory_space<vmem>> -> memref<1x1x80xi32, #tpu.memory_space<vmem>>
      %dma_wait3A_249 = tpu.memref_squeeze %dma_wait3A_248 : memref<1x1x80xi32, #tpu.memory_space<vmem>> -> memref<1x80xi32, #tpu.memory_space<vmem>>
      %dma_wait3A_250 = arith.constant 0 : i32
      %dma_wait3A_251 = tpu.memref_slice %dma_wait3A_249[%dma_wait3A_240, %dma_wait3A_250] : memref<1x80xi32, #tpu.memory_space<vmem>> -> memref<1x80xi32, #tpu.memory_space<vmem>>
      %dma_wait3A_252 = tpu.memref_squeeze %dma_wait3A_251 : memref<1x80xi32, #tpu.memory_space<vmem>> -> memref<80xi32, #tpu.memory_space<vmem>>
      %dma_wait3A_253 = arith.constant 0 : i32
      %dma_wait3A_254 = arith.constant 0 : i32
      %dma_wait3A_255 = tpu.memref_slice %arg3[%dma_wait3A_253, %dma_wait3A_254] : memref<10000x16xf32, #tpu.memory_space<hbm>> -> memref<10000x16xf32, #tpu.memory_space<hbm>>
      tpu.wait_indirect_dma semaphore(%arg16 : memref<!tpu.dma_semaphore, #tpu.memory_space<semaphore_mem>>) src(%dma_wait3A_255 : memref<10000x16xf32, #tpu.memory_space<hbm>>) dst(%dma_wait3A_245 : memref<80x16xf32, #tpu.memory_space<vmem>>)
      %scan3A_256 = arith.constant 0 : i32
      %scan3A_257 = arith.constant 80 : i32
      %scan3A_258 = arith.addi %scan3A_256, %scan3A_257 : i32
      %scan3A_259 = arith.constant 1 : i32
      scf.for %scan3A_388 = %scan3A_256 to %scan3A_258 step %scan3A_259  : i32 {
        %mul3A_389 = arith.constant 1 : i32
        %mul3A_390 = arith.muli %scan3A_388, %mul3A_389 : i32
        %add3A_391 = arith.constant 0 : i32
        %add3A_392 = arith.addi %add3A_391, %mul3A_390 : i32
        %get3A = arith.constant 0 : i32
        %get3A_393 = arith.index_cast %get3A : i32 to index
        %get3A_394 = arith.index_cast %add3A_392 : i32 to index
        %get3A_395 = arith.constant 128 : index
        %get3A_396 = tpu.vector_load %arg10[%get3A_393, %get3A_394, %get3A_395] {strides = array<i32>} : memref<2x80x144xf32, #tpu.memory_space<vmem>>, vector<1x1x16xf32>,
        %get3A_397 = vector.shape_cast %get3A_396 : vector<1x1x16xf32> to vector<16xf32>
        %get3A_398 = arith.constant 0 : i32
        %get3A_399 = arith.index_cast %get3A_398 : i32 to index
        %get3A_400 = arith.index_cast %add3A_392 : i32 to index
        %get3A_401 = arith.constant 0 : index
        %get3A_402 = tpu.vector_load %arg11[%get3A_399, %get3A_400, %get3A_401] {strides = array<i32>} : memref<2x80x16xf32, #tpu.memory_space<vmem>>, vector<1x1x16xf32>,
        %get3A_403 = vector.shape_cast %get3A_402 : vector<1x1x16xf32> to vector<16xf32>
        %add3A_404 = arith.addf %get3A_397, %get3A_403 : vector<16xf32>
        %gt3A = arith.constant 0.000000e+00 : f32
        %gt3A_405 = vector.broadcast %gt3A : f32 to vector<16xf32>
        %gt3A_406 = arith.cmpf ogt, %add3A_404, %gt3A_405 : vector<16xf32>
        %mul3A_407 = arith.constant 2.000000e-01 : f32
        %mul3A_408 = vector.broadcast %mul3A_407 : f32 to vector<16xf32>
        %mul3A_409 = arith.mulf %mul3A_408, %add3A_404 : vector<16xf32>
        %select_n3A = arith.select %gt3A_406, %add3A_404, %mul3A_409 : vector<16xi1>, vector<16xf32>
        %exp3A = math.exp %select_n3A : vector<16xf32>
        %swap3A = arith.index_cast %add3A_392 : i32 to index
        %swap3A_410 = arith.constant 128 : index
        %swap3A_411 = tpu.vector_load %arg12[%swap3A, %swap3A_410] {strides = array<i32>} : memref<80x144xf32, #tpu.memory_space<vmem>>, vector<1x16xf32>,
        %swap3A_412 = vector.shape_cast %swap3A_411 : vector<1x16xf32> to vector<16xf32>
        %swap3A_413 = vector.shape_cast %exp3A : vector<16xf32> to vector<1x16xf32>
        tpu.vector_store %arg12[%swap3A, %swap3A_410], %swap3A_413 {strides = array<i32>} : memref<80x144xf32, #tpu.memory_space<vmem>>, vector<1x16xf32>,
        %get3A_414 = arith.constant 0 : i32
        %get3A_415 = arith.index_cast %get3A_414 : i32 to index
        %get3A_416 = arith.index_cast %add3A_392 : i32 to index
        %get3A_417 = arith.constant 0 : index
        %get3A_418 = tpu.vector_load %arg10[%get3A_415, %get3A_416, %get3A_417] {strides = array<i32>} : memref<2x80x144xf32, #tpu.memory_space<vmem>>, vector<1x1x16xf32>,
        %get3A_419 = vector.shape_cast %get3A_418 : vector<1x1x16xf32> to vector<16xf32>
        %mul3A_420 = arith.mulf %get3A_419, %exp3A : vector<16xf32>
        %swap3A_421 = arith.index_cast %add3A_392 : i32 to index
        %swap3A_422 = arith.constant 0 : index
        %swap3A_423 = tpu.vector_load %arg12[%swap3A_421, %swap3A_422] {strides = array<i32>} : memref<80x144xf32, #tpu.memory_space<vmem>>, vector<1x16xf32>,
        %swap3A_424 = vector.shape_cast %swap3A_423 : vector<1x16xf32> to vector<16xf32>
        %swap3A_425 = vector.shape_cast %mul3A_420 : vector<16xf32> to vector<1x16xf32>
        tpu.vector_store %arg12[%swap3A_421, %swap3A_422], %swap3A_425 {strides = array<i32>} : memref<80x144xf32, #tpu.memory_space<vmem>>, vector<1x16xf32>,
        %get3A_426 = arith.constant 0 : i32
        %get3A_427 = arith.index_cast %get3A_426 : i32 to index
        %get3A_428 = arith.index_cast %add3A_392 : i32 to index
        %get3A_429 = arith.constant 16 : index
        %get3A_430 = tpu.vector_load %arg10[%get3A_427, %get3A_428, %get3A_429] {strides = array<i32>} : memref<2x80x144xf32, #tpu.memory_space<vmem>>, vector<1x1x16xf32>,
        %get3A_431 = vector.shape_cast %get3A_430 : vector<1x1x16xf32> to vector<16xf32>
        %mul3A_432 = arith.mulf %get3A_431, %exp3A : vector<16xf32>
        %swap3A_433 = arith.index_cast %add3A_392 : i32 to index
        %swap3A_434 = arith.constant 16 : index
        %swap3A_435 = tpu.vector_load %arg12[%swap3A_433, %swap3A_434] {strides = array<i32>} : memref<80x144xf32, #tpu.memory_space<vmem>>, vector<1x16xf32>,
        %swap3A_436 = vector.shape_cast %swap3A_435 : vector<1x16xf32> to vector<16xf32>
        %swap3A_437 = vector.shape_cast %mul3A_432 : vector<16xf32> to vector<1x16xf32>
        tpu.vector_store %arg12[%swap3A_433, %swap3A_434], %swap3A_437 {strides = array<i32>} : memref<80x144xf32, #tpu.memory_space<vmem>>, vector<1x16xf32>,
        %get3A_438 = arith.constant 0 : i32
        %get3A_439 = arith.index_cast %get3A_438 : i32 to index
        %get3A_440 = arith.index_cast %add3A_392 : i32 to index
        %get3A_441 = arith.constant 32 : index
        %get3A_442 = tpu.vector_load %arg10[%get3A_439, %get3A_440, %get3A_441] {strides = array<i32>} : memref<2x80x144xf32, #tpu.memory_space<vmem>>, vector<1x1x16xf32>,
        %get3A_443 = vector.shape_cast %get3A_442 : vector<1x1x16xf32> to vector<16xf32>
        %mul3A_444 = arith.mulf %get3A_443, %exp3A : vector<16xf32>
        %swap3A_445 = arith.index_cast %add3A_392 : i32 to index
        %swap3A_446 = arith.constant 32 : index
        %swap3A_447 = tpu.vector_load %arg12[%swap3A_445, %swap3A_446] {strides = array<i32>} : memref<80x144xf32, #tpu.memory_space<vmem>>, vector<1x16xf32>,
        %swap3A_448 = vector.shape_cast %swap3A_447 : vector<1x16xf32> to vector<16xf32>
        %swap3A_449 = vector.shape_cast %mul3A_444 : vector<16xf32> to vector<1x16xf32>
        tpu.vector_store %arg12[%swap3A_445, %swap3A_446], %swap3A_449 {strides = array<i32>} : memref<80x144xf32, #tpu.memory_space<vmem>>, vector<1x16xf32>,
        %get3A_450 = arith.constant 0 : i32
        %get3A_451 = arith.index_cast %get3A_450 : i32 to index
        %get3A_452 = arith.index_cast %add3A_392 : i32 to index
        %get3A_453 = arith.constant 48 : index
        %get3A_454 = tpu.vector_load %arg10[%get3A_451, %get3A_452, %get3A_453] {strides = array<i32>} : memref<2x80x144xf32, #tpu.memory_space<vmem>>, vector<1x1x16xf32>,
        %get3A_455 = vector.shape_cast %get3A_454 : vector<1x1x16xf32> to vector<16xf32>
        %mul3A_456 = arith.mulf %get3A_455, %exp3A : vector<16xf32>
        %swap3A_457 = arith.index_cast %add3A_392 : i32 to index
        %swap3A_458 = arith.constant 48 : index
        %swap3A_459 = tpu.vector_load %arg12[%swap3A_457, %swap3A_458] {strides = array<i32>} : memref<80x144xf32, #tpu.memory_space<vmem>>, vector<1x16xf32>,
        %swap3A_460 = vector.shape_cast %swap3A_459 : vector<1x16xf32> to vector<16xf32>
        %swap3A_461 = vector.shape_cast %mul3A_456 : vector<16xf32> to vector<1x16xf32>
        tpu.vector_store %arg12[%swap3A_457, %swap3A_458], %swap3A_461 {strides = array<i32>} : memref<80x144xf32, #tpu.memory_space<vmem>>, vector<1x16xf32>,
        %get3A_462 = arith.constant 0 : i32
        %get3A_463 = arith.index_cast %get3A_462 : i32 to index
        %get3A_464 = arith.index_cast %add3A_392 : i32 to index
        %get3A_465 = arith.constant 64 : index
        %get3A_466 = tpu.vector_load %arg10[%get3A_463, %get3A_464, %get3A_465] {strides = array<i32>} : memref<2x80x144xf32, #tpu.memory_space<vmem>>, vector<1x1x16xf32>,
        %get3A_467 = vector.shape_cast %get3A_466 : vector<1x1x16xf32> to vector<16xf32>
        %mul3A_468 = arith.mulf %get3A_467, %exp3A : vector<16xf32>
        %swap3A_469 = arith.index_cast %add3A_392 : i32 to index
        %swap3A_470 = arith.constant 64 : index
        %swap3A_471 = tpu.vector_load %arg12[%swap3A_469, %swap3A_470] {strides = array<i32>} : memref<80x144xf32, #tpu.memory_space<vmem>>, vector<1x16xf32>,
        %swap3A_472 = vector.shape_cast %swap3A_471 : vector<1x16xf32> to vector<16xf32>
        %swap3A_473 = vector.shape_cast %mul3A_468 : vector<16xf32> to vector<1x16xf32>
        tpu.vector_store %arg12[%swap3A_469, %swap3A_470], %swap3A_473 {strides = array<i32>} : memref<80x144xf32, #tpu.memory_space<vmem>>, vector<1x16xf32>,
        %get3A_474 = arith.constant 0 : i32
        %get3A_475 = arith.index_cast %get3A_474 : i32 to index
        %get3A_476 = arith.index_cast %add3A_392 : i32 to index
        %get3A_477 = arith.constant 80 : index
        %get3A_478 = tpu.vector_load %arg10[%get3A_475, %get3A_476, %get3A_477] {strides = array<i32>} : memref<2x80x144xf32, #tpu.memory_space<vmem>>, vector<1x1x16xf32>,
        %get3A_479 = vector.shape_cast %get3A_478 : vector<1x1x16xf32> to vector<16xf32>
        %mul3A_480 = arith.mulf %get3A_479, %exp3A : vector<16xf32>
        %swap3A_481 = arith.index_cast %add3A_392 : i32 to index
        %swap3A_482 = arith.constant 80 : index
        %swap3A_483 = tpu.vector_load %arg12[%swap3A_481, %swap3A_482] {strides = array<i32>} : memref<80x144xf32, #tpu.memory_space<vmem>>, vector<1x16xf32>,
        %swap3A_484 = vector.shape_cast %swap3A_483 : vector<1x16xf32> to vector<16xf32>
        %swap3A_485 = vector.shape_cast %mul3A_480 : vector<16xf32> to vector<1x16xf32>
        tpu.vector_store %arg12[%swap3A_481, %swap3A_482], %swap3A_485 {strides = array<i32>} : memref<80x144xf32, #tpu.memory_space<vmem>>, vector<1x16xf32>,
        %get3A_486 = arith.constant 0 : i32
        %get3A_487 = arith.index_cast %get3A_486 : i32 to index
        %get3A_488 = arith.index_cast %add3A_392 : i32 to index
        %get3A_489 = arith.constant 96 : index
        %get3A_490 = tpu.vector_load %arg10[%get3A_487, %get3A_488, %get3A_489] {strides = array<i32>} : memref<2x80x144xf32, #tpu.memory_space<vmem>>, vector<1x1x16xf32>,
        %get3A_491 = vector.shape_cast %get3A_490 : vector<1x1x16xf32> to vector<16xf32>
        %mul3A_492 = arith.mulf %get3A_491, %exp3A : vector<16xf32>
        %swap3A_493 = arith.index_cast %add3A_392 : i32 to index
        %swap3A_494 = arith.constant 96 : index
        %swap3A_495 = tpu.vector_load %arg12[%swap3A_493, %swap3A_494] {strides = array<i32>} : memref<80x144xf32, #tpu.memory_space<vmem>>, vector<1x16xf32>,
        %swap3A_496 = vector.shape_cast %swap3A_495 : vector<1x16xf32> to vector<16xf32>
        %swap3A_497 = vector.shape_cast %mul3A_492 : vector<16xf32> to vector<1x16xf32>
        tpu.vector_store %arg12[%swap3A_493, %swap3A_494], %swap3A_497 {strides = array<i32>} : memref<80x144xf32, #tpu.memory_space<vmem>>, vector<1x16xf32>,
        %get3A_498 = arith.constant 0 : i32
        %get3A_499 = arith.index_cast %get3A_498 : i32 to index
        %get3A_500 = arith.index_cast %add3A_392 : i32 to index
        %get3A_501 = arith.constant 112 : index
        %get3A_502 = tpu.vector_load %arg10[%get3A_499, %get3A_500, %get3A_501] {strides = array<i32>} : memref<2x80x144xf32, #tpu.memory_space<vmem>>, vector<1x1x16xf32>,
        %get3A_503 = vector.shape_cast %get3A_502 : vector<1x1x16xf32> to vector<16xf32>
        %mul3A_504 = arith.mulf %get3A_503, %exp3A : vector<16xf32>
        %swap3A_505 = arith.index_cast %add3A_392 : i32 to index
        %swap3A_506 = arith.constant 112 : index
        %swap3A_507 = tpu.vector_load %arg12[%swap3A_505, %swap3A_506] {strides = array<i32>} : memref<80x144xf32, #tpu.memory_space<vmem>>, vector<1x16xf32>,
        %swap3A_508 = vector.shape_cast %swap3A_507 : vector<1x16xf32> to vector<16xf32>
        %swap3A_509 = vector.shape_cast %mul3A_504 : vector<16xf32> to vector<1x16xf32>
        tpu.vector_store %arg12[%swap3A_505, %swap3A_506], %swap3A_509 {strides = array<i32>} : memref<80x144xf32, #tpu.memory_space<vmem>>, vector<1x16xf32>,
      }
      %scan3A_260 = arith.constant 80 : i32
      %run_scoped3A_261 = arith.constant 0 : i32
      %run_scoped3A_262 = arith.constant 0 : i32
      "tpu.region"() ({
        %run_scoped3A_388 = tpu.sem_alloc : memref<!tpu.dma_semaphore, #tpu.memory_space<semaphore_mem>>
        %dma_start3A_389 = arith.constant 0 : i32
        %dma_start3A_390 = arith.constant 0 : i32
        %dma_start3A_391 = tpu.memref_slice %arg9[%run_scoped3A_261, %dma_start3A_389, %dma_start3A_390] : memref<2x1x80xi32, #tpu.memory_space<vmem>> -> memref<1x1x80xi32, #tpu.memory_space<vmem>>
        %dma_start3A_392 = tpu.memref_squeeze %dma_start3A_391 : memref<1x1x80xi32, #tpu.memory_space<vmem>> -> memref<1x80xi32, #tpu.memory_space<vmem>>
        %dma_start3A_393 = arith.constant 0 : i32
        %dma_start3A_394 = tpu.memref_slice %dma_start3A_392[%run_scoped3A_262, %dma_start3A_393] : memref<1x80xi32, #tpu.memory_space<vmem>> -> memref<1x80xi32, #tpu.memory_space<vmem>>
        %dma_start3A_395 = tpu.memref_squeeze %dma_start3A_394 : memref<1x80xi32, #tpu.memory_space<vmem>> -> memref<80xi32, #tpu.memory_space<vmem>>
        %dma_start3A_396 = arith.constant 0 : i32
        %dma_start3A_397 = arith.constant 0 : i32
        %dma_start3A_398 = tpu.memref_slice %arg13[%dma_start3A_396, %dma_start3A_397] : memref<10112x144xf32, #tpu.memory_space<vmem_shared>> -> memref<10112x144xf32, #tpu.memory_space<vmem_shared>>
        tpu.enqueue_indirect_dma source(%arg12 : memref<80x144xf32, #tpu.memory_space<vmem>>) target(%dma_start3A_398 : memref<10112x144xf32, #tpu.memory_space<vmem_shared>>) offsets(%dma_start3A_395 : memref<80xi32, #tpu.memory_space<vmem>>) semaphore(%run_scoped3A_388 : memref<!tpu.dma_semaphore, #tpu.memory_space<semaphore_mem>>) {add = true}
        %dma_wait3A_399 = arith.constant 0 : i32
        %dma_wait3A_400 = arith.constant 0 : i32
        %dma_wait3A_401 = tpu.memref_slice %arg9[%run_scoped3A_261, %dma_wait3A_399, %dma_wait3A_400] : memref<2x1x80xi32, #tpu.memory_space<vmem>> -> memref<1x1x80xi32, #tpu.memory_space<vmem>>
        %dma_wait3A_402 = tpu.memref_squeeze %dma_wait3A_401 : memref<1x1x80xi32, #tpu.memory_space<vmem>> -> memref<1x80xi32, #tpu.memory_space<vmem>>
        %dma_wait3A_403 = arith.constant 0 : i32
        %dma_wait3A_404 = tpu.memref_slice %dma_wait3A_402[%run_scoped3A_262, %dma_wait3A_403] : memref<1x80xi32, #tpu.memory_space<vmem>> -> memref<1x80xi32, #tpu.memory_space<vmem>>
        %dma_wait3A_405 = tpu.memref_squeeze %dma_wait3A_404 : memref<1x80xi32, #tpu.memory_space<vmem>> -> memref<80xi32, #tpu.memory_space<vmem>>
        %dma_wait3A_406 = arith.constant 0 : i32
        %dma_wait3A_407 = arith.constant 0 : i32
        %dma_wait3A_408 = tpu.memref_slice %arg13[%dma_wait3A_406, %dma_wait3A_407] : memref<10112x144xf32, #tpu.memory_space<vmem_shared>> -> memref<10112x144xf32, #tpu.memory_space<vmem_shared>>
        tpu.wait_indirect_dma semaphore(%run_scoped3A_388 : memref<!tpu.dma_semaphore, #tpu.memory_space<semaphore_mem>>) src(%arg12 : memref<80x144xf32, #tpu.memory_space<vmem>>) dst(%dma_wait3A_408 : memref<10112x144xf32, #tpu.memory_space<vmem_shared>>)
        tpu.yield
      }) : () -> ()
      %add3A_263 = arith.constant 1 : i32
      %add3A_264 = arith.addi %add3A_137, %add3A_263 : i32
      %add3A_265 = arith.addi %mul3A_6, %add3A_264 : i32
      %add3A_266 = arith.constant 1 : i32
      %add3A_267 = arith.addi %add3A_265, %add3A_266 : i32
      %dma_start3A_268 = arith.constant 0 : i32
      %dma_start3A_269 = arith.constant 0 : i32
      %dma_start3A_270 = tpu.memref_slice %arg8[%dma_start3A_268, %dma_start3A_269] : memref<2x80xi32, #tpu.memory_space<vmem>> -> memref<1x80xi32, #tpu.memory_space<vmem>>
      %dma_start3A_271 = tpu.memref_squeeze %dma_start3A_270 : memref<1x80xi32, #tpu.memory_space<vmem>> -> memref<80xi32, #tpu.memory_space<vmem>>
      %dma_start3A_272 = arith.constant 0 : i32
      %dma_start3A_273 = tpu.memref_slice %arg4[%add3A_267, %dma_start3A_272] : memref<4000x80xi32, #tpu.memory_space<hbm>> -> memref<1x80xi32, #tpu.memory_space<hbm>>
      %dma_start3A_274 = tpu.memref_squeeze %dma_start3A_273 : memref<1x80xi32, #tpu.memory_space<hbm>> -> memref<80xi32, #tpu.memory_space<hbm>>
      %dma_start3A_275 = arith.constant 0 : i32
      %dma_start3A_276 = tpu.memref_slice %arg8[%dma_start3A_268, %dma_start3A_275] : memref<2x80xi32, #tpu.memory_space<vmem>> -> memref<1x80xi32, #tpu.memory_space<vmem>>
      %dma_start3A_277 = tpu.memref_squeeze %dma_start3A_276 : memref<1x80xi32, #tpu.memory_space<vmem>> -> memref<80xi32, #tpu.memory_space<vmem>>
      %dma_start3A_278 = arith.constant 0 : i32
      %dma_start3A_279 = tpu.memref_slice %arg4[%add3A_267, %dma_start3A_278] : memref<4000x80xi32, #tpu.memory_space<hbm>> -> memref<1x80xi32, #tpu.memory_space<hbm>>
      %dma_start3A_280 = tpu.memref_squeeze %dma_start3A_279 : memref<1x80xi32, #tpu.memory_space<hbm>> -> memref<80xi32, #tpu.memory_space<hbm>>
      tpu.enqueue_dma source(%dma_start3A_280 : memref<80xi32, #tpu.memory_space<hbm>>) target(%dma_start3A_277 : memref<80xi32, #tpu.memory_space<vmem>>) target_semaphore(%arg14 : memref<!tpu.dma_semaphore, #tpu.memory_space<semaphore_mem>>)
      %dma_start3A_281 = arith.constant 0 : i32
      %dma_start3A_282 = arith.constant 0 : i32
      %dma_start3A_283 = arith.constant 0 : i32
      %dma_start3A_284 = tpu.memref_slice %arg9[%dma_start3A_281, %dma_start3A_282, %dma_start3A_283] : memref<2x1x80xi32, #tpu.memory_space<vmem>> -> memref<1x1x80xi32, #tpu.memory_space<vmem>>
      %dma_start3A_285 = tpu.memref_squeeze %dma_start3A_284 : memref<1x1x80xi32, #tpu.memory_space<vmem>> -> memref<1x80xi32, #tpu.memory_space<vmem>>
      %dma_start3A_286 = arith.constant 0 : i32
      %dma_start3A_287 = tpu.memref_slice %arg5[%add3A_267, %dma_start3A_286] : memref<4000x80xi32, #tpu.memory_space<hbm>> -> memref<1x80xi32, #tpu.memory_space<hbm>>
      %dma_start3A_288 = arith.constant 0 : i32
      %dma_start3A_289 = arith.constant 0 : i32
      %dma_start3A_290 = tpu.memref_slice %arg9[%dma_start3A_281, %dma_start3A_288, %dma_start3A_289] : memref<2x1x80xi32, #tpu.memory_space<vmem>> -> memref<1x1x80xi32, #tpu.memory_space<vmem>>
      %dma_start3A_291 = tpu.memref_squeeze %dma_start3A_290 : memref<1x1x80xi32, #tpu.memory_space<vmem>> -> memref<1x80xi32, #tpu.memory_space<vmem>>
      %dma_start3A_292 = arith.constant 0 : i32
      %dma_start3A_293 = tpu.memref_slice %arg5[%add3A_267, %dma_start3A_292] : memref<4000x80xi32, #tpu.memory_space<hbm>> -> memref<1x80xi32, #tpu.memory_space<hbm>>
      tpu.enqueue_dma source(%dma_start3A_293 : memref<1x80xi32, #tpu.memory_space<hbm>>) target(%dma_start3A_291 : memref<1x80xi32, #tpu.memory_space<vmem>>) target_semaphore(%arg14 : memref<!tpu.dma_semaphore, #tpu.memory_space<semaphore_mem>>)
      %dma_wait3A_294 = arith.constant 0 : i32
      %dma_wait3A_295 = arith.constant 0 : i32
      %dma_wait3A_296 = arith.constant 0 : i32
      %dma_wait3A_297 = tpu.memref_slice %arg8[%dma_wait3A_295, %dma_wait3A_296] : memref<2x80xi32, #tpu.memory_space<vmem>> -> memref<1x80xi32, #tpu.memory_space<vmem>>
      %dma_wait3A_298 = tpu.memref_squeeze %dma_wait3A_297 : memref<1x80xi32, #tpu.memory_space<vmem>> -> memref<80xi32, #tpu.memory_space<vmem>>
      %dma_wait3A_299 = arith.constant 0 : i32
      %dma_wait3A_300 = tpu.memref_slice %arg4[%dma_wait3A_294, %dma_wait3A_299] : memref<4000x80xi32, #tpu.memory_space<hbm>> -> memref<1x80xi32, #tpu.memory_space<hbm>>
      %dma_wait3A_301 = tpu.memref_squeeze %dma_wait3A_300 : memref<1x80xi32, #tpu.memory_space<hbm>> -> memref<80xi32, #tpu.memory_space<hbm>>
      %dma_wait3A_302 = arith.constant 0 : i32
      %dma_wait3A_303 = tpu.memref_slice %arg8[%dma_wait3A_295, %dma_wait3A_302] : memref<2x80xi32, #tpu.memory_space<vmem>> -> memref<1x80xi32, #tpu.memory_space<vmem>>
      %dma_wait3A_304 = tpu.memref_squeeze %dma_wait3A_303 : memref<1x80xi32, #tpu.memory_space<vmem>> -> memref<80xi32, #tpu.memory_space<vmem>>
      %dma_wait3A_305 = arith.constant 0 : i32
      %dma_wait3A_306 = tpu.memref_slice %arg4[%dma_wait3A_294, %dma_wait3A_305] : memref<4000x80xi32, #tpu.memory_space<hbm>> -> memref<1x80xi32, #tpu.memory_space<hbm>>
      %dma_wait3A_307 = tpu.memref_squeeze %dma_wait3A_306 : memref<1x80xi32, #tpu.memory_space<hbm>> -> memref<80xi32, #tpu.memory_space<hbm>>
      tpu.wait_dma2 semaphore(%arg14 : memref<!tpu.dma_semaphore, #tpu.memory_space<semaphore_mem>>) src(%dma_wait3A_307 : memref<80xi32, #tpu.memory_space<hbm>>) dst(%dma_wait3A_304 : memref<80xi32, #tpu.memory_space<vmem>>)
      %dma_wait3A_308 = arith.constant 0 : i32
      %dma_wait3A_309 = arith.constant 0 : i32
      %dma_wait3A_310 = arith.constant 0 : i32
      %dma_wait3A_311 = tpu.memref_slice %arg9[%dma_wait3A_308, %dma_wait3A_309, %dma_wait3A_310] : memref<2x1x80xi32, #tpu.memory_space<vmem>> -> memref<1x1x80xi32, #tpu.memory_space<vmem>>
      %dma_wait3A_312 = tpu.memref_squeeze %dma_wait3A_311 : memref<1x1x80xi32, #tpu.memory_space<vmem>> -> memref<1x80xi32, #tpu.memory_space<vmem>>
      %dma_wait3A_313 = arith.constant 0 : i32
      %dma_wait3A_314 = arith.constant 0 : i32
      %dma_wait3A_315 = tpu.memref_slice %arg5[%dma_wait3A_313, %dma_wait3A_314] : memref<4000x80xi32, #tpu.memory_space<hbm>> -> memref<1x80xi32, #tpu.memory_space<hbm>>
      %dma_wait3A_316 = arith.constant 0 : i32
      %dma_wait3A_317 = arith.constant 0 : i32
      %dma_wait3A_318 = tpu.memref_slice %arg9[%dma_wait3A_308, %dma_wait3A_316, %dma_wait3A_317] : memref<2x1x80xi32, #tpu.memory_space<vmem>> -> memref<1x1x80xi32, #tpu.memory_space<vmem>>
      %dma_wait3A_319 = tpu.memref_squeeze %dma_wait3A_318 : memref<1x1x80xi32, #tpu.memory_space<vmem>> -> memref<1x80xi32, #tpu.memory_space<vmem>>
      %dma_wait3A_320 = arith.constant 0 : i32
      %dma_wait3A_321 = arith.constant 0 : i32
      %dma_wait3A_322 = tpu.memref_slice %arg5[%dma_wait3A_320, %dma_wait3A_321] : memref<4000x80xi32, #tpu.memory_space<hbm>> -> memref<1x80xi32, #tpu.memory_space<hbm>>
      tpu.wait_dma2 semaphore(%arg14 : memref<!tpu.dma_semaphore, #tpu.memory_space<semaphore_mem>>) src(%dma_wait3A_322 : memref<1x80xi32, #tpu.memory_space<hbm>>) dst(%dma_wait3A_319 : memref<1x80xi32, #tpu.memory_space<vmem>>)
      %dma_start3A_323 = arith.constant 0 : i32
      %dma_start3A_324 = arith.constant 0 : i32
      %dma_start3A_325 = arith.constant 0 : i32
      %dma_start3A_326 = arith.constant 0 : i32
      %dma_start3A_327 = tpu.memref_slice %arg10[%dma_start3A_324, %dma_start3A_325, %dma_start3A_326] : memref<2x80x144xf32, #tpu.memory_space<vmem>> -> memref<1x80x144xf32, #tpu.memory_space<vmem>>
      %dma_start3A_328 = tpu.memref_squeeze %dma_start3A_327 : memref<1x80x144xf32, #tpu.memory_space<vmem>> -> memref<80x144xf32, #tpu.memory_space<vmem>>
      %dma_start3A_329 = arith.constant 0 : i32
      %dma_start3A_330 = tpu.memref_slice %arg8[%dma_start3A_323, %dma_start3A_329] : memref<2x80xi32, #tpu.memory_space<vmem>> -> memref<1x80xi32, #tpu.memory_space<vmem>>
      %dma_start3A_331 = tpu.memref_squeeze %dma_start3A_330 : memref<1x80xi32, #tpu.memory_space<vmem>> -> memref<80xi32, #tpu.memory_space<vmem>>
      %dma_start3A_332 = arith.constant 0 : i32
      %dma_start3A_333 = arith.constant 0 : i32
      %dma_start3A_334 = tpu.memref_slice %arg2[%dma_start3A_332, %dma_start3A_333] : memref<10000x144xf32, #tpu.memory_space<hbm>> -> memref<10000x144xf32, #tpu.memory_space<hbm>>
      tpu.enqueue_indirect_dma source(%dma_start3A_334 : memref<10000x144xf32, #tpu.memory_space<hbm>>) target(%dma_start3A_328 : memref<80x144xf32, #tpu.memory_space<vmem>>) offsets(%dma_start3A_331 : memref<80xi32, #tpu.memory_space<vmem>>) semaphore(%arg16 : memref<!tpu.dma_semaphore, #tpu.memory_space<semaphore_mem>>)
      %dma_start3A_335 = arith.constant 0 : i32
      %dma_start3A_336 = arith.constant 0 : i32
      %dma_start3A_337 = arith.constant 0 : i32
      %dma_start3A_338 = arith.constant 0 : i32
      %dma_start3A_339 = arith.constant 0 : i32
      %dma_start3A_340 = tpu.memref_slice %arg11[%dma_start3A_337, %dma_start3A_338, %dma_start3A_339] : memref<2x80x16xf32, #tpu.memory_space<vmem>> -> memref<1x80x16xf32, #tpu.memory_space<vmem>>
      %dma_start3A_341 = tpu.memref_squeeze %dma_start3A_340 : memref<1x80x16xf32, #tpu.memory_space<vmem>> -> memref<80x16xf32, #tpu.memory_space<vmem>>
      %dma_start3A_342 = arith.constant 0 : i32
      %dma_start3A_343 = arith.constant 0 : i32
      %dma_start3A_344 = tpu.memref_slice %arg9[%dma_start3A_335, %dma_start3A_342, %dma_start3A_343] : memref<2x1x80xi32, #tpu.memory_space<vmem>> -> memref<1x1x80xi32, #tpu.memory_space<vmem>>
      %dma_start3A_345 = tpu.memref_squeeze %dma_start3A_344 : memref<1x1x80xi32, #tpu.memory_space<vmem>> -> memref<1x80xi32, #tpu.memory_space<vmem>>
      %dma_start3A_346 = arith.constant 0 : i32
      %dma_start3A_347 = tpu.memref_slice %dma_start3A_345[%dma_start3A_336, %dma_start3A_346] : memref<1x80xi32, #tpu.memory_space<vmem>> -> memref<1x80xi32, #tpu.memory_space<vmem>>
      %dma_start3A_348 = tpu.memref_squeeze %dma_start3A_347 : memref<1x80xi32, #tpu.memory_space<vmem>> -> memref<80xi32, #tpu.memory_space<vmem>>
      %dma_start3A_349 = arith.constant 0 : i32
      %dma_start3A_350 = arith.constant 0 : i32
      %dma_start3A_351 = tpu.memref_slice %arg3[%dma_start3A_349, %dma_start3A_350] : memref<10000x16xf32, #tpu.memory_space<hbm>> -> memref<10000x16xf32, #tpu.memory_space<hbm>>
      tpu.enqueue_indirect_dma source(%dma_start3A_351 : memref<10000x16xf32, #tpu.memory_space<hbm>>) target(%dma_start3A_341 : memref<80x16xf32, #tpu.memory_space<vmem>>) offsets(%dma_start3A_348 : memref<80xi32, #tpu.memory_space<vmem>>) semaphore(%arg16 : memref<!tpu.dma_semaphore, #tpu.memory_space<semaphore_mem>>)
      %dma_wait3A_352 = arith.constant 1 : i32
      %dma_wait3A_353 = arith.constant 1 : i32
      %dma_wait3A_354 = arith.constant 0 : i32
      %dma_wait3A_355 = arith.constant 0 : i32
      %dma_wait3A_356 = tpu.memref_slice %arg10[%dma_wait3A_353, %dma_wait3A_354, %dma_wait3A_355] : memref<2x80x144xf32, #tpu.memory_space<vmem>> -> memref<1x80x144xf32, #tpu.memory_space<vmem>>
      %dma_wait3A_357 = tpu.memref_squeeze %dma_wait3A_356 : memref<1x80x144xf32, #tpu.memory_space<vmem>> -> memref<80x144xf32, #tpu.memory_space<vmem>>
      %dma_wait3A_358 = arith.constant 0 : i32
      %dma_wait3A_359 = tpu.memref_slice %arg8[%dma_wait3A_352, %dma_wait3A_358] : memref<2x80xi32, #tpu.memory_space<vmem>> -> memref<1x80xi32, #tpu.memory_space<vmem>>
      %dma_wait3A_360 = tpu.memref_squeeze %dma_wait3A_359 : memref<1x80xi32, #tpu.memory_space<vmem>> -> memref<80xi32, #tpu.memory_space<vmem>>
      %dma_wait3A_361 = arith.constant 0 : i32
      %dma_wait3A_362 = arith.constant 0 : i32
      %dma_wait3A_363 = tpu.memref_slice %arg2[%dma_wait3A_361, %dma_wait3A_362] : memref<10000x144xf32, #tpu.memory_space<hbm>> -> memref<10000x144xf32, #tpu.memory_space<hbm>>
      tpu.wait_indirect_dma semaphore(%arg17 : memref<!tpu.dma_semaphore, #tpu.memory_space<semaphore_mem>>) src(%dma_wait3A_363 : memref<10000x144xf32, #tpu.memory_space<hbm>>) dst(%dma_wait3A_357 : memref<80x144xf32, #tpu.memory_space<vmem>>)
      %dma_wait3A_364 = arith.constant 1 : i32
      %dma_wait3A_365 = arith.constant 0 : i32
      %dma_wait3A_366 = arith.constant 1 : i32
      %dma_wait3A_367 = arith.constant 0 : i32
      %dma_wait3A_368 = arith.constant 0 : i32
      %dma_wait3A_369 = tpu.memref_slice %arg11[%dma_wait3A_366, %dma_wait3A_367, %dma_wait3A_368] : memref<2x80x16xf32, #tpu.memory_space<vmem>> -> memref<1x80x16xf32, #tpu.memory_space<vmem>>
      %dma_wait3A_370 = tpu.memref_squeeze %dma_wait3A_369 : memref<1x80x16xf32, #tpu.memory_space<vmem>> -> memref<80x16xf32, #tpu.memory_space<vmem>>
      %dma_wait3A_371 = arith.constant 0 : i32
      %dma_wait3A_372 = arith.constant 0 : i32
      %dma_wait3A_373 = tpu.memref_slice %arg9[%dma_wait3A_364, %dma_wait3A_371, %dma_wait3A_372] : memref<2x1x80xi32, #tpu.memory_space<vmem>> -> memref<1x1x80xi32, #tpu.memory_space<vmem>>
      %dma_wait3A_374 = tpu.memref_squeeze %dma_wait3A_373 : memref<1x1x80xi32, #tpu.memory_space<vmem>> -> memref<1x80xi32, #tpu.memory_space<vmem>>
      %dma_wait3A_375 = arith.constant 0 : i32
      %dma_wait3A_376 = tpu.memref_slice %dma_wait3A_374[%dma_wait3A_365, %dma_wait3A_375] : memref<1x80xi32, #tpu.memory_space<vmem>> -> memref<1x80xi32, #tpu.memory_space<vmem>>
      %dma_wait3A_377 = tpu.memref_squeeze %dma_wait3A_376 : memref<1x80xi32, #tpu.memory_space<vmem>> -> memref<80xi32, #tpu.memory_space<vmem>>
      %dma_wait3A_378 = arith.constant 0 : i32
      %dma_wait3A_379 = arith.constant 0 : i32
      %dma_wait3A_380 = tpu.memref_slice %arg3[%dma_wait3A_378, %dma_wait3A_379] : memref<10000x16xf32, #tpu.memory_space<hbm>> -> memref<10000x16xf32, #tpu.memory_space<hbm>>
      tpu.wait_indirect_dma semaphore(%arg17 : memref<!tpu.dma_semaphore, #tpu.memory_space<semaphore_mem>>) src(%dma_wait3A_380 : memref<10000x16xf32, #tpu.memory_space<hbm>>) dst(%dma_wait3A_370 : memref<80x16xf32, #tpu.memory_space<vmem>>)
      %scan3A_381 = arith.constant 0 : i32
      %scan3A_382 = arith.constant 80 : i32
      %scan3A_383 = arith.addi %scan3A_381, %scan3A_382 : i32
      %scan3A_384 = arith.constant 1 : i32
      scf.for %scan3A_388 = %scan3A_381 to %scan3A_383 step %scan3A_384  : i32 {
        %mul3A_389 = arith.constant 1 : i32
        %mul3A_390 = arith.muli %scan3A_388, %mul3A_389 : i32
        %add3A_391 = arith.constant 0 : i32
        %add3A_392 = arith.addi %add3A_391, %mul3A_390 : i32
        %get3A = arith.constant 1 : i32
        %get3A_393 = arith.index_cast %get3A : i32 to index
        %get3A_394 = arith.index_cast %add3A_392 : i32 to index
        %get3A_395 = arith.constant 128 : index
        %get3A_396 = tpu.vector_load %arg10[%get3A_393, %get3A_394, %get3A_395] {strides = array<i32>} : memref<2x80x144xf32, #tpu.memory_space<vmem>>, vector<1x1x16xf32>,
        %get3A_397 = vector.shape_cast %get3A_396 : vector<1x1x16xf32> to vector<16xf32>
        %get3A_398 = arith.constant 1 : i32
        %get3A_399 = arith.index_cast %get3A_398 : i32 to index
        %get3A_400 = arith.index_cast %add3A_392 : i32 to index
        %get3A_401 = arith.constant 0 : index
        %get3A_402 = tpu.vector_load %arg11[%get3A_399, %get3A_400, %get3A_401] {strides = array<i32>} : memref<2x80x16xf32, #tpu.memory_space<vmem>>, vector<1x1x16xf32>,
        %get3A_403 = vector.shape_cast %get3A_402 : vector<1x1x16xf32> to vector<16xf32>
        %add3A_404 = arith.addf %get3A_397, %get3A_403 : vector<16xf32>
        %gt3A = arith.constant 0.000000e+00 : f32
        %gt3A_405 = vector.broadcast %gt3A : f32 to vector<16xf32>
        %gt3A_406 = arith.cmpf ogt, %add3A_404, %gt3A_405 : vector<16xf32>
        %mul3A_407 = arith.constant 2.000000e-01 : f32
        %mul3A_408 = vector.broadcast %mul3A_407 : f32 to vector<16xf32>
        %mul3A_409 = arith.mulf %mul3A_408, %add3A_404 : vector<16xf32>
        %select_n3A = arith.select %gt3A_406, %add3A_404, %mul3A_409 : vector<16xi1>, vector<16xf32>
        %exp3A = math.exp %select_n3A : vector<16xf32>
        %swap3A = arith.index_cast %add3A_392 : i32 to index
        %swap3A_410 = arith.constant 128 : index
        %swap3A_411 = tpu.vector_load %arg12[%swap3A, %swap3A_410] {strides = array<i32>} : memref<80x144xf32, #tpu.memory_space<vmem>>, vector<1x16xf32>,
        %swap3A_412 = vector.shape_cast %swap3A_411 : vector<1x16xf32> to vector<16xf32>
        %swap3A_413 = vector.shape_cast %exp3A : vector<16xf32> to vector<1x16xf32>
        tpu.vector_store %arg12[%swap3A, %swap3A_410], %swap3A_413 {strides = array<i32>} : memref<80x144xf32, #tpu.memory_space<vmem>>, vector<1x16xf32>,
        %get3A_414 = arith.constant 1 : i32
        %get3A_415 = arith.index_cast %get3A_414 : i32 to index
        %get3A_416 = arith.index_cast %add3A_392 : i32 to index
        %get3A_417 = arith.constant 0 : index
        %get3A_418 = tpu.vector_load %arg10[%get3A_415, %get3A_416, %get3A_417] {strides = array<i32>} : memref<2x80x144xf32, #tpu.memory_space<vmem>>, vector<1x1x16xf32>,
        %get3A_419 = vector.shape_cast %get3A_418 : vector<1x1x16xf32> to vector<16xf32>
        %mul3A_420 = arith.mulf %get3A_419, %exp3A : vector<16xf32>
        %swap3A_421 = arith.index_cast %add3A_392 : i32 to index
        %swap3A_422 = arith.constant 0 : index
        %swap3A_423 = tpu.vector_load %arg12[%swap3A_421, %swap3A_422] {strides = array<i32>} : memref<80x144xf32, #tpu.memory_space<vmem>>, vector<1x16xf32>,
        %swap3A_424 = vector.shape_cast %swap3A_423 : vector<1x16xf32> to vector<16xf32>
        %swap3A_425 = vector.shape_cast %mul3A_420 : vector<16xf32> to vector<1x16xf32>
        tpu.vector_store %arg12[%swap3A_421, %swap3A_422], %swap3A_425 {strides = array<i32>} : memref<80x144xf32, #tpu.memory_space<vmem>>, vector<1x16xf32>,
        %get3A_426 = arith.constant 1 : i32
        %get3A_427 = arith.index_cast %get3A_426 : i32 to index
        %get3A_428 = arith.index_cast %add3A_392 : i32 to index
        %get3A_429 = arith.constant 16 : index
        %get3A_430 = tpu.vector_load %arg10[%get3A_427, %get3A_428, %get3A_429] {strides = array<i32>} : memref<2x80x144xf32, #tpu.memory_space<vmem>>, vector<1x1x16xf32>,
        %get3A_431 = vector.shape_cast %get3A_430 : vector<1x1x16xf32> to vector<16xf32>
        %mul3A_432 = arith.mulf %get3A_431, %exp3A : vector<16xf32>
        %swap3A_433 = arith.index_cast %add3A_392 : i32 to index
        %swap3A_434 = arith.constant 16 : index
        %swap3A_435 = tpu.vector_load %arg12[%swap3A_433, %swap3A_434] {strides = array<i32>} : memref<80x144xf32, #tpu.memory_space<vmem>>, vector<1x16xf32>,
        %swap3A_436 = vector.shape_cast %swap3A_435 : vector<1x16xf32> to vector<16xf32>
        %swap3A_437 = vector.shape_cast %mul3A_432 : vector<16xf32> to vector<1x16xf32>
        tpu.vector_store %arg12[%swap3A_433, %swap3A_434], %swap3A_437 {strides = array<i32>} : memref<80x144xf32, #tpu.memory_space<vmem>>, vector<1x16xf32>,
        %get3A_438 = arith.constant 1 : i32
        %get3A_439 = arith.index_cast %get3A_438 : i32 to index
        %get3A_440 = arith.index_cast %add3A_392 : i32 to index
        %get3A_441 = arith.constant 32 : index
        %get3A_442 = tpu.vector_load %arg10[%get3A_439, %get3A_440, %get3A_441] {strides = array<i32>} : memref<2x80x144xf32, #tpu.memory_space<vmem>>, vector<1x1x16xf32>,
        %get3A_443 = vector.shape_cast %get3A_442 : vector<1x1x16xf32> to vector<16xf32>
        %mul3A_444 = arith.mulf %get3A_443, %exp3A : vector<16xf32>
        %swap3A_445 = arith.index_cast %add3A_392 : i32 to index
        %swap3A_446 = arith.constant 32 : index
        %swap3A_447 = tpu.vector_load %arg12[%swap3A_445, %swap3A_446] {strides = array<i32>} : memref<80x144xf32, #tpu.memory_space<vmem>>, vector<1x16xf32>,
        %swap3A_448 = vector.shape_cast %swap3A_447 : vector<1x16xf32> to vector<16xf32>
        %swap3A_449 = vector.shape_cast %mul3A_444 : vector<16xf32> to vector<1x16xf32>
        tpu.vector_store %arg12[%swap3A_445, %swap3A_446], %swap3A_449 {strides = array<i32>} : memref<80x144xf32, #tpu.memory_space<vmem>>, vector<1x16xf32>,
        %get3A_450 = arith.constant 1 : i32
        %get3A_451 = arith.index_cast %get3A_450 : i32 to index
        %get3A_452 = arith.index_cast %add3A_392 : i32 to index
        %get3A_453 = arith.constant 48 : index
        %get3A_454 = tpu.vector_load %arg10[%get3A_451, %get3A_452, %get3A_453] {strides = array<i32>} : memref<2x80x144xf32, #tpu.memory_space<vmem>>, vector<1x1x16xf32>,
        %get3A_455 = vector.shape_cast %get3A_454 : vector<1x1x16xf32> to vector<16xf32>
        %mul3A_456 = arith.mulf %get3A_455, %exp3A : vector<16xf32>
        %swap3A_457 = arith.index_cast %add3A_392 : i32 to index
        %swap3A_458 = arith.constant 48 : index
        %swap3A_459 = tpu.vector_load %arg12[%swap3A_457, %swap3A_458] {strides = array<i32>} : memref<80x144xf32, #tpu.memory_space<vmem>>, vector<1x16xf32>,
        %swap3A_460 = vector.shape_cast %swap3A_459 : vector<1x16xf32> to vector<16xf32>
        %swap3A_461 = vector.shape_cast %mul3A_456 : vector<16xf32> to vector<1x16xf32>
        tpu.vector_store %arg12[%swap3A_457, %swap3A_458], %swap3A_461 {strides = array<i32>} : memref<80x144xf32, #tpu.memory_space<vmem>>, vector<1x16xf32>,
        %get3A_462 = arith.constant 1 : i32
        %get3A_463 = arith.index_cast %get3A_462 : i32 to index
        %get3A_464 = arith.index_cast %add3A_392 : i32 to index
        %get3A_465 = arith.constant 64 : index
        %get3A_466 = tpu.vector_load %arg10[%get3A_463, %get3A_464, %get3A_465] {strides = array<i32>} : memref<2x80x144xf32, #tpu.memory_space<vmem>>, vector<1x1x16xf32>,
        %get3A_467 = vector.shape_cast %get3A_466 : vector<1x1x16xf32> to vector<16xf32>
        %mul3A_468 = arith.mulf %get3A_467, %exp3A : vector<16xf32>
        %swap3A_469 = arith.index_cast %add3A_392 : i32 to index
        %swap3A_470 = arith.constant 64 : index
        %swap3A_471 = tpu.vector_load %arg12[%swap3A_469, %swap3A_470] {strides = array<i32>} : memref<80x144xf32, #tpu.memory_space<vmem>>, vector<1x16xf32>,
        %swap3A_472 = vector.shape_cast %swap3A_471 : vector<1x16xf32> to vector<16xf32>
        %swap3A_473 = vector.shape_cast %mul3A_468 : vector<16xf32> to vector<1x16xf32>
        tpu.vector_store %arg12[%swap3A_469, %swap3A_470], %swap3A_473 {strides = array<i32>} : memref<80x144xf32, #tpu.memory_space<vmem>>, vector<1x16xf32>,
        %get3A_474 = arith.constant 1 : i32
        %get3A_475 = arith.index_cast %get3A_474 : i32 to index
        %get3A_476 = arith.index_cast %add3A_392 : i32 to index
        %get3A_477 = arith.constant 80 : index
        %get3A_478 = tpu.vector_load %arg10[%get3A_475, %get3A_476, %get3A_477] {strides = array<i32>} : memref<2x80x144xf32, #tpu.memory_space<vmem>>, vector<1x1x16xf32>,
        %get3A_479 = vector.shape_cast %get3A_478 : vector<1x1x16xf32> to vector<16xf32>
        %mul3A_480 = arith.mulf %get3A_479, %exp3A : vector<16xf32>
        %swap3A_481 = arith.index_cast %add3A_392 : i32 to index
        %swap3A_482 = arith.constant 80 : index
        %swap3A_483 = tpu.vector_load %arg12[%swap3A_481, %swap3A_482] {strides = array<i32>} : memref<80x144xf32, #tpu.memory_space<vmem>>, vector<1x16xf32>,
        %swap3A_484 = vector.shape_cast %swap3A_483 : vector<1x16xf32> to vector<16xf32>
        %swap3A_485 = vector.shape_cast %mul3A_480 : vector<16xf32> to vector<1x16xf32>
        tpu.vector_store %arg12[%swap3A_481, %swap3A_482], %swap3A_485 {strides = array<i32>} : memref<80x144xf32, #tpu.memory_space<vmem>>, vector<1x16xf32>,
        %get3A_486 = arith.constant 1 : i32
        %get3A_487 = arith.index_cast %get3A_486 : i32 to index
        %get3A_488 = arith.index_cast %add3A_392 : i32 to index
        %get3A_489 = arith.constant 96 : index
        %get3A_490 = tpu.vector_load %arg10[%get3A_487, %get3A_488, %get3A_489] {strides = array<i32>} : memref<2x80x144xf32, #tpu.memory_space<vmem>>, vector<1x1x16xf32>,
        %get3A_491 = vector.shape_cast %get3A_490 : vector<1x1x16xf32> to vector<16xf32>
        %mul3A_492 = arith.mulf %get3A_491, %exp3A : vector<16xf32>
        %swap3A_493 = arith.index_cast %add3A_392 : i32 to index
        %swap3A_494 = arith.constant 96 : index
        %swap3A_495 = tpu.vector_load %arg12[%swap3A_493, %swap3A_494] {strides = array<i32>} : memref<80x144xf32, #tpu.memory_space<vmem>>, vector<1x16xf32>,
        %swap3A_496 = vector.shape_cast %swap3A_495 : vector<1x16xf32> to vector<16xf32>
        %swap3A_497 = vector.shape_cast %mul3A_492 : vector<16xf32> to vector<1x16xf32>
        tpu.vector_store %arg12[%swap3A_493, %swap3A_494], %swap3A_497 {strides = array<i32>} : memref<80x144xf32, #tpu.memory_space<vmem>>, vector<1x16xf32>,
        %get3A_498 = arith.constant 1 : i32
        %get3A_499 = arith.index_cast %get3A_498 : i32 to index
        %get3A_500 = arith.index_cast %add3A_392 : i32 to index
        %get3A_501 = arith.constant 112 : index
        %get3A_502 = tpu.vector_load %arg10[%get3A_499, %get3A_500, %get3A_501] {strides = array<i32>} : memref<2x80x144xf32, #tpu.memory_space<vmem>>, vector<1x1x16xf32>,
        %get3A_503 = vector.shape_cast %get3A_502 : vector<1x1x16xf32> to vector<16xf32>
        %mul3A_504 = arith.mulf %get3A_503, %exp3A : vector<16xf32>
        %swap3A_505 = arith.index_cast %add3A_392 : i32 to index
        %swap3A_506 = arith.constant 112 : index
        %swap3A_507 = tpu.vector_load %arg12[%swap3A_505, %swap3A_506] {strides = array<i32>} : memref<80x144xf32, #tpu.memory_space<vmem>>, vector<1x16xf32>,
        %swap3A_508 = vector.shape_cast %swap3A_507 : vector<1x16xf32> to vector<16xf32>
        %swap3A_509 = vector.shape_cast %mul3A_504 : vector<16xf32> to vector<1x16xf32>
        tpu.vector_store %arg12[%swap3A_505, %swap3A_506], %swap3A_509 {strides = array<i32>} : memref<80x144xf32, #tpu.memory_space<vmem>>, vector<1x16xf32>,
      }
      %scan3A_385 = arith.constant 80 : i32
      %run_scoped3A_386 = arith.constant 1 : i32
      %run_scoped3A_387 = arith.constant 0 : i32
      "tpu.region"() ({
        %run_scoped3A_388 = tpu.sem_alloc : memref<!tpu.dma_semaphore, #tpu.memory_space<semaphore_mem>>
        %dma_start3A_389 = arith.constant 0 : i32
        %dma_start3A_390 = arith.constant 0 : i32
        %dma_start3A_391 = tpu.memref_slice %arg9[%run_scoped3A_386, %dma_start3A_389, %dma_start3A_390] : memref<2x1x80xi32, #tpu.memory_space<vmem>> -> memref<1x1x80xi32, #tpu.memory_space<vmem>>
        %dma_start3A_392 = tpu.memref_squeeze %dma_start3A_391 : memref<1x1x80xi32, #tpu.memory_space<vmem>> -> memref<1x80xi32, #tpu.memory_space<vmem>>
        %dma_start3A_393 = arith.constant 0 : i32
        %dma_start3A_394 = tpu.memref_slice %dma_start3A_392[%run_scoped3A_387, %dma_start3A_393] : memref<1x80xi32, #tpu.memory_space<vmem>> -> memref<1x80xi32, #tpu.memory_space<vmem>>
        %dma_start3A_395 = tpu.memref_squeeze %dma_start3A_394 : memref<1x80xi32, #tpu.memory_space<vmem>> -> memref<80xi32, #tpu.memory_space<vmem>>
        %dma_start3A_396 = arith.constant 0 : i32
        %dma_start3A_397 = arith.constant 0 : i32
        %dma_start3A_398 = tpu.memref_slice %arg13[%dma_start3A_396, %dma_start3A_397] : memref<10112x144xf32, #tpu.memory_space<vmem_shared>> -> memref<10112x144xf32, #tpu.memory_space<vmem_shared>>
        tpu.enqueue_indirect_dma source(%arg12 : memref<80x144xf32, #tpu.memory_space<vmem>>) target(%dma_start3A_398 : memref<10112x144xf32, #tpu.memory_space<vmem_shared>>) offsets(%dma_start3A_395 : memref<80xi32, #tpu.memory_space<vmem>>) semaphore(%run_scoped3A_388 : memref<!tpu.dma_semaphore, #tpu.memory_space<semaphore_mem>>) {add = true}
        %dma_wait3A_399 = arith.constant 0 : i32
        %dma_wait3A_400 = arith.constant 0 : i32
        %dma_wait3A_401 = tpu.memref_slice %arg9[%run_scoped3A_386, %dma_wait3A_399, %dma_wait3A_400] : memref<2x1x80xi32, #tpu.memory_space<vmem>> -> memref<1x1x80xi32, #tpu.memory_space<vmem>>
        %dma_wait3A_402 = tpu.memref_squeeze %dma_wait3A_401 : memref<1x1x80xi32, #tpu.memory_space<vmem>> -> memref<1x80xi32, #tpu.memory_space<vmem>>
        %dma_wait3A_403 = arith.constant 0 : i32
        %dma_wait3A_404 = tpu.memref_slice %dma_wait3A_402[%run_scoped3A_387, %dma_wait3A_403] : memref<1x80xi32, #tpu.memory_space<vmem>> -> memref<1x80xi32, #tpu.memory_space<vmem>>
        %dma_wait3A_405 = tpu.memref_squeeze %dma_wait3A_404 : memref<1x80xi32, #tpu.memory_space<vmem>> -> memref<80xi32, #tpu.memory_space<vmem>>
        %dma_wait3A_406 = arith.constant 0 : i32
        %dma_wait3A_407 = arith.constant 0 : i32
        %dma_wait3A_408 = tpu.memref_slice %arg13[%dma_wait3A_406, %dma_wait3A_407] : memref<10112x144xf32, #tpu.memory_space<vmem_shared>> -> memref<10112x144xf32, #tpu.memory_space<vmem_shared>>
        tpu.wait_indirect_dma semaphore(%run_scoped3A_388 : memref<!tpu.dma_semaphore, #tpu.memory_space<semaphore_mem>>) src(%arg12 : memref<80x144xf32, #tpu.memory_space<vmem>>) dst(%dma_wait3A_408 : memref<10112x144xf32, #tpu.memory_space<vmem_shared>>)
        tpu.yield
      }) : () -> ()
    }
    %scan3A_92 = arith.constant 62 : i32
    %dma_wait3A_93 = arith.constant 0 : i32
    %dma_wait3A_94 = arith.constant 0 : i32
    %dma_wait3A_95 = arith.constant 0 : i32
    %dma_wait3A_96 = arith.constant 0 : i32
    %dma_wait3A_97 = tpu.memref_slice %arg10[%dma_wait3A_94, %dma_wait3A_95, %dma_wait3A_96] : memref<2x80x144xf32, #tpu.memory_space<vmem>> -> memref<1x80x144xf32, #tpu.memory_space<vmem>>
    %dma_wait3A_98 = tpu.memref_squeeze %dma_wait3A_97 : memref<1x80x144xf32, #tpu.memory_space<vmem>> -> memref<80x144xf32, #tpu.memory_space<vmem>>
    %dma_wait3A_99 = arith.constant 0 : i32
    %dma_wait3A_100 = tpu.memref_slice %arg8[%dma_wait3A_93, %dma_wait3A_99] : memref<2x80xi32, #tpu.memory_space<vmem>> -> memref<1x80xi32, #tpu.memory_space<vmem>>
    %dma_wait3A_101 = tpu.memref_squeeze %dma_wait3A_100 : memref<1x80xi32, #tpu.memory_space<vmem>> -> memref<80xi32, #tpu.memory_space<vmem>>
    %dma_wait3A_102 = arith.constant 0 : i32
    %dma_wait3A_103 = arith.constant 0 : i32
    %dma_wait3A_104 = tpu.memref_slice %arg2[%dma_wait3A_102, %dma_wait3A_103] : memref<10000x144xf32, #tpu.memory_space<hbm>> -> memref<10000x144xf32, #tpu.memory_space<hbm>>
    tpu.wait_indirect_dma semaphore(%arg16 : memref<!tpu.dma_semaphore, #tpu.memory_space<semaphore_mem>>) src(%dma_wait3A_104 : memref<10000x144xf32, #tpu.memory_space<hbm>>) dst(%dma_wait3A_98 : memref<80x144xf32, #tpu.memory_space<vmem>>)
    %dma_wait3A_105 = arith.constant 0 : i32
    %dma_wait3A_106 = arith.constant 0 : i32
    %dma_wait3A_107 = arith.constant 0 : i32
    %dma_wait3A_108 = arith.constant 0 : i32
    %dma_wait3A_109 = arith.constant 0 : i32
    %dma_wait3A_110 = tpu.memref_slice %arg11[%dma_wait3A_107, %dma_wait3A_108, %dma_wait3A_109] : memref<2x80x16xf32, #tpu.memory_space<vmem>> -> memref<1x80x16xf32, #tpu.memory_space<vmem>>
    %dma_wait3A_111 = tpu.memref_squeeze %dma_wait3A_110 : memref<1x80x16xf32, #tpu.memory_space<vmem>> -> memref<80x16xf32, #tpu.memory_space<vmem>>
    %dma_wait3A_112 = arith.constant 0 : i32
    %dma_wait3A_113 = arith.constant 0 : i32
    %dma_wait3A_114 = tpu.memref_slice %arg9[%dma_wait3A_105, %dma_wait3A_112, %dma_wait3A_113] : memref<2x1x80xi32, #tpu.memory_space<vmem>> -> memref<1x1x80xi32, #tpu.memory_space<vmem>>
    %dma_wait3A_115 = tpu.memref_squeeze %dma_wait3A_114 : memref<1x1x80xi32, #tpu.memory_space<vmem>> -> memref<1x80xi32, #tpu.memory_space<vmem>>
    %dma_wait3A_116 = arith.constant 0 : i32
    %dma_wait3A_117 = tpu.memref_slice %dma_wait3A_115[%dma_wait3A_106, %dma_wait3A_116] : memref<1x80xi32, #tpu.memory_space<vmem>> -> memref<1x80xi32, #tpu.memory_space<vmem>>
    %dma_wait3A_118 = tpu.memref_squeeze %dma_wait3A_117 : memref<1x80xi32, #tpu.memory_space<vmem>> -> memref<80xi32, #tpu.memory_space<vmem>>
    %dma_wait3A_119 = arith.constant 0 : i32
    %dma_wait3A_120 = arith.constant 0 : i32
    %dma_wait3A_121 = tpu.memref_slice %arg3[%dma_wait3A_119, %dma_wait3A_120] : memref<10000x16xf32, #tpu.memory_space<hbm>> -> memref<10000x16xf32, #tpu.memory_space<hbm>>
    tpu.wait_indirect_dma semaphore(%arg16 : memref<!tpu.dma_semaphore, #tpu.memory_space<semaphore_mem>>) src(%dma_wait3A_121 : memref<10000x16xf32, #tpu.memory_space<hbm>>) dst(%dma_wait3A_111 : memref<80x16xf32, #tpu.memory_space<vmem>>)
    %scan3A_122 = arith.constant 0 : i32
    %scan3A_123 = arith.constant 80 : i32
    %scan3A_124 = arith.addi %scan3A_122, %scan3A_123 : i32
    %scan3A_125 = arith.constant 1 : i32
    scf.for %scan3A_133 = %scan3A_122 to %scan3A_124 step %scan3A_125  : i32 {
      %mul3A_134 = arith.constant 1 : i32
      %mul3A_135 = arith.muli %scan3A_133, %mul3A_134 : i32
      %add3A_136 = arith.constant 0 : i32
      %add3A_137 = arith.addi %add3A_136, %mul3A_135 : i32
      %get3A = arith.constant 0 : i32
      %get3A_138 = arith.index_cast %get3A : i32 to index
      %get3A_139 = arith.index_cast %add3A_137 : i32 to index
      %get3A_140 = arith.constant 128 : index
      %get3A_141 = tpu.vector_load %arg10[%get3A_138, %get3A_139, %get3A_140] {strides = array<i32>} : memref<2x80x144xf32, #tpu.memory_space<vmem>>, vector<1x1x16xf32>,
      %get3A_142 = vector.shape_cast %get3A_141 : vector<1x1x16xf32> to vector<16xf32>
      %get3A_143 = arith.constant 0 : i32
      %get3A_144 = arith.index_cast %get3A_143 : i32 to index
      %get3A_145 = arith.index_cast %add3A_137 : i32 to index
      %get3A_146 = arith.constant 0 : index
      %get3A_147 = tpu.vector_load %arg11[%get3A_144, %get3A_145, %get3A_146] {strides = array<i32>} : memref<2x80x16xf32, #tpu.memory_space<vmem>>, vector<1x1x16xf32>,
      %get3A_148 = vector.shape_cast %get3A_147 : vector<1x1x16xf32> to vector<16xf32>
      %add3A_149 = arith.addf %get3A_142, %get3A_148 : vector<16xf32>
      %gt3A = arith.constant 0.000000e+00 : f32
      %gt3A_150 = vector.broadcast %gt3A : f32 to vector<16xf32>
      %gt3A_151 = arith.cmpf ogt, %add3A_149, %gt3A_150 : vector<16xf32>
      %mul3A_152 = arith.constant 2.000000e-01 : f32
      %mul3A_153 = vector.broadcast %mul3A_152 : f32 to vector<16xf32>
      %mul3A_154 = arith.mulf %mul3A_153, %add3A_149 : vector<16xf32>
      %select_n3A = arith.select %gt3A_151, %add3A_149, %mul3A_154 : vector<16xi1>, vector<16xf32>
      %exp3A = math.exp %select_n3A : vector<16xf32>
      %swap3A = arith.index_cast %add3A_137 : i32 to index
      %swap3A_155 = arith.constant 128 : index
      %swap3A_156 = tpu.vector_load %arg12[%swap3A, %swap3A_155] {strides = array<i32>} : memref<80x144xf32, #tpu.memory_space<vmem>>, vector<1x16xf32>,
      %swap3A_157 = vector.shape_cast %swap3A_156 : vector<1x16xf32> to vector<16xf32>
      %swap3A_158 = vector.shape_cast %exp3A : vector<16xf32> to vector<1x16xf32>
      tpu.vector_store %arg12[%swap3A, %swap3A_155], %swap3A_158 {strides = array<i32>} : memref<80x144xf32, #tpu.memory_space<vmem>>, vector<1x16xf32>,
      %get3A_159 = arith.constant 0 : i32
      %get3A_160 = arith.index_cast %get3A_159 : i32 to index
      %get3A_161 = arith.index_cast %add3A_137 : i32 to index
      %get3A_162 = arith.constant 0 : index
      %get3A_163 = tpu.vector_load %arg10[%get3A_160, %get3A_161, %get3A_162] {strides = array<i32>} : memref<2x80x144xf32, #tpu.memory_space<vmem>>, vector<1x1x16xf32>,
      %get3A_164 = vector.shape_cast %get3A_163 : vector<1x1x16xf32> to vector<16xf32>
      %mul3A_165 = arith.mulf %get3A_164, %exp3A : vector<16xf32>
      %swap3A_166 = arith.index_cast %add3A_137 : i32 to index
      %swap3A_167 = arith.constant 0 : index
      %swap3A_168 = tpu.vector_load %arg12[%swap3A_166, %swap3A_167] {strides = array<i32>} : memref<80x144xf32, #tpu.memory_space<vmem>>, vector<1x16xf32>,
      %swap3A_169 = vector.shape_cast %swap3A_168 : vector<1x16xf32> to vector<16xf32>
      %swap3A_170 = vector.shape_cast %mul3A_165 : vector<16xf32> to vector<1x16xf32>
      tpu.vector_store %arg12[%swap3A_166, %swap3A_167], %swap3A_170 {strides = array<i32>} : memref<80x144xf32, #tpu.memory_space<vmem>>, vector<1x16xf32>,
      %get3A_171 = arith.constant 0 : i32
      %get3A_172 = arith.index_cast %get3A_171 : i32 to index
      %get3A_173 = arith.index_cast %add3A_137 : i32 to index
      %get3A_174 = arith.constant 16 : index
      %get3A_175 = tpu.vector_load %arg10[%get3A_172, %get3A_173, %get3A_174] {strides = array<i32>} : memref<2x80x144xf32, #tpu.memory_space<vmem>>, vector<1x1x16xf32>,
      %get3A_176 = vector.shape_cast %get3A_175 : vector<1x1x16xf32> to vector<16xf32>
      %mul3A_177 = arith.mulf %get3A_176, %exp3A : vector<16xf32>
      %swap3A_178 = arith.index_cast %add3A_137 : i32 to index
      %swap3A_179 = arith.constant 16 : index
      %swap3A_180 = tpu.vector_load %arg12[%swap3A_178, %swap3A_179] {strides = array<i32>} : memref<80x144xf32, #tpu.memory_space<vmem>>, vector<1x16xf32>,
      %swap3A_181 = vector.shape_cast %swap3A_180 : vector<1x16xf32> to vector<16xf32>
      %swap3A_182 = vector.shape_cast %mul3A_177 : vector<16xf32> to vector<1x16xf32>
      tpu.vector_store %arg12[%swap3A_178, %swap3A_179], %swap3A_182 {strides = array<i32>} : memref<80x144xf32, #tpu.memory_space<vmem>>, vector<1x16xf32>,
      %get3A_183 = arith.constant 0 : i32
      %get3A_184 = arith.index_cast %get3A_183 : i32 to index
      %get3A_185 = arith.index_cast %add3A_137 : i32 to index
      %get3A_186 = arith.constant 32 : index
      %get3A_187 = tpu.vector_load %arg10[%get3A_184, %get3A_185, %get3A_186] {strides = array<i32>} : memref<2x80x144xf32, #tpu.memory_space<vmem>>, vector<1x1x16xf32>,
      %get3A_188 = vector.shape_cast %get3A_187 : vector<1x1x16xf32> to vector<16xf32>
      %mul3A_189 = arith.mulf %get3A_188, %exp3A : vector<16xf32>
      %swap3A_190 = arith.index_cast %add3A_137 : i32 to index
      %swap3A_191 = arith.constant 32 : index
      %swap3A_192 = tpu.vector_load %arg12[%swap3A_190, %swap3A_191] {strides = array<i32>} : memref<80x144xf32, #tpu.memory_space<vmem>>, vector<1x16xf32>,
      %swap3A_193 = vector.shape_cast %swap3A_192 : vector<1x16xf32> to vector<16xf32>
      %swap3A_194 = vector.shape_cast %mul3A_189 : vector<16xf32> to vector<1x16xf32>
      tpu.vector_store %arg12[%swap3A_190, %swap3A_191], %swap3A_194 {strides = array<i32>} : memref<80x144xf32, #tpu.memory_space<vmem>>, vector<1x16xf32>,
      %get3A_195 = arith.constant 0 : i32
      %get3A_196 = arith.index_cast %get3A_195 : i32 to index
      %get3A_197 = arith.index_cast %add3A_137 : i32 to index
      %get3A_198 = arith.constant 48 : index
      %get3A_199 = tpu.vector_load %arg10[%get3A_196, %get3A_197, %get3A_198] {strides = array<i32>} : memref<2x80x144xf32, #tpu.memory_space<vmem>>, vector<1x1x16xf32>,
      %get3A_200 = vector.shape_cast %get3A_199 : vector<1x1x16xf32> to vector<16xf32>
      %mul3A_201 = arith.mulf %get3A_200, %exp3A : vector<16xf32>
      %swap3A_202 = arith.index_cast %add3A_137 : i32 to index
      %swap3A_203 = arith.constant 48 : index
      %swap3A_204 = tpu.vector_load %arg12[%swap3A_202, %swap3A_203] {strides = array<i32>} : memref<80x144xf32, #tpu.memory_space<vmem>>, vector<1x16xf32>,
      %swap3A_205 = vector.shape_cast %swap3A_204 : vector<1x16xf32> to vector<16xf32>
      %swap3A_206 = vector.shape_cast %mul3A_201 : vector<16xf32> to vector<1x16xf32>
      tpu.vector_store %arg12[%swap3A_202, %swap3A_203], %swap3A_206 {strides = array<i32>} : memref<80x144xf32, #tpu.memory_space<vmem>>, vector<1x16xf32>,
      %get3A_207 = arith.constant 0 : i32
      %get3A_208 = arith.index_cast %get3A_207 : i32 to index
      %get3A_209 = arith.index_cast %add3A_137 : i32 to index
      %get3A_210 = arith.constant 64 : index
      %get3A_211 = tpu.vector_load %arg10[%get3A_208, %get3A_209, %get3A_210] {strides = array<i32>} : memref<2x80x144xf32, #tpu.memory_space<vmem>>, vector<1x1x16xf32>,
      %get3A_212 = vector.shape_cast %get3A_211 : vector<1x1x16xf32> to vector<16xf32>
      %mul3A_213 = arith.mulf %get3A_212, %exp3A : vector<16xf32>
      %swap3A_214 = arith.index_cast %add3A_137 : i32 to index
      %swap3A_215 = arith.constant 64 : index
      %swap3A_216 = tpu.vector_load %arg12[%swap3A_214, %swap3A_215] {strides = array<i32>} : memref<80x144xf32, #tpu.memory_space<vmem>>, vector<1x16xf32>,
      %swap3A_217 = vector.shape_cast %swap3A_216 : vector<1x16xf32> to vector<16xf32>
      %swap3A_218 = vector.shape_cast %mul3A_213 : vector<16xf32> to vector<1x16xf32>
      tpu.vector_store %arg12[%swap3A_214, %swap3A_215], %swap3A_218 {strides = array<i32>} : memref<80x144xf32, #tpu.memory_space<vmem>>, vector<1x16xf32>,
      %get3A_219 = arith.constant 0 : i32
      %get3A_220 = arith.index_cast %get3A_219 : i32 to index
      %get3A_221 = arith.index_cast %add3A_137 : i32 to index
      %get3A_222 = arith.constant 80 : index
      %get3A_223 = tpu.vector_load %arg10[%get3A_220, %get3A_221, %get3A_222] {strides = array<i32>} : memref<2x80x144xf32, #tpu.memory_space<vmem>>, vector<1x1x16xf32>,
      %get3A_224 = vector.shape_cast %get3A_223 : vector<1x1x16xf32> to vector<16xf32>
      %mul3A_225 = arith.mulf %get3A_224, %exp3A : vector<16xf32>
      %swap3A_226 = arith.index_cast %add3A_137 : i32 to index
      %swap3A_227 = arith.constant 80 : index
      %swap3A_228 = tpu.vector_load %arg12[%swap3A_226, %swap3A_227] {strides = array<i32>} : memref<80x144xf32, #tpu.memory_space<vmem>>, vector<1x16xf32>,
      %swap3A_229 = vector.shape_cast %swap3A_228 : vector<1x16xf32> to vector<16xf32>
      %swap3A_230 = vector.shape_cast %mul3A_225 : vector<16xf32> to vector<1x16xf32>
      tpu.vector_store %arg12[%swap3A_226, %swap3A_227], %swap3A_230 {strides = array<i32>} : memref<80x144xf32, #tpu.memory_space<vmem>>, vector<1x16xf32>,
      %get3A_231 = arith.constant 0 : i32
      %get3A_232 = arith.index_cast %get3A_231 : i32 to index
      %get3A_233 = arith.index_cast %add3A_137 : i32 to index
      %get3A_234 = arith.constant 96 : index
      %get3A_235 = tpu.vector_load %arg10[%get3A_232, %get3A_233, %get3A_234] {strides = array<i32>} : memref<2x80x144xf32, #tpu.memory_space<vmem>>, vector<1x1x16xf32>,
      %get3A_236 = vector.shape_cast %get3A_235 : vector<1x1x16xf32> to vector<16xf32>
      %mul3A_237 = arith.mulf %get3A_236, %exp3A : vector<16xf32>
      %swap3A_238 = arith.index_cast %add3A_137 : i32 to index
      %swap3A_239 = arith.constant 96 : index
      %swap3A_240 = tpu.vector_load %arg12[%swap3A_238, %swap3A_239] {strides = array<i32>} : memref<80x144xf32, #tpu.memory_space<vmem>>, vector<1x16xf32>,
      %swap3A_241 = vector.shape_cast %swap3A_240 : vector<1x16xf32> to vector<16xf32>
      %swap3A_242 = vector.shape_cast %mul3A_237 : vector<16xf32> to vector<1x16xf32>
      tpu.vector_store %arg12[%swap3A_238, %swap3A_239], %swap3A_242 {strides = array<i32>} : memref<80x144xf32, #tpu.memory_space<vmem>>, vector<1x16xf32>,
      %get3A_243 = arith.constant 0 : i32
      %get3A_244 = arith.index_cast %get3A_243 : i32 to index
      %get3A_245 = arith.index_cast %add3A_137 : i32 to index
      %get3A_246 = arith.constant 112 : index
      %get3A_247 = tpu.vector_load %arg10[%get3A_244, %get3A_245, %get3A_246] {strides = array<i32>} : memref<2x80x144xf32, #tpu.memory_space<vmem>>, vector<1x1x16xf32>,
      %get3A_248 = vector.shape_cast %get3A_247 : vector<1x1x16xf32> to vector<16xf32>
      %mul3A_249 = arith.mulf %get3A_248, %exp3A : vector<16xf32>
      %swap3A_250 = arith.index_cast %add3A_137 : i32 to index
      %swap3A_251 = arith.constant 112 : index
      %swap3A_252 = tpu.vector_load %arg12[%swap3A_250, %swap3A_251] {strides = array<i32>} : memref<80x144xf32, #tpu.memory_space<vmem>>, vector<1x16xf32>,
      %swap3A_253 = vector.shape_cast %swap3A_252 : vector<1x16xf32> to vector<16xf32>
      %swap3A_254 = vector.shape_cast %mul3A_249 : vector<16xf32> to vector<1x16xf32>
      tpu.vector_store %arg12[%swap3A_250, %swap3A_251], %swap3A_254 {strides = array<i32>} : memref<80x144xf32, #tpu.memory_space<vmem>>, vector<1x16xf32>,
    }
    %scan3A_126 = arith.constant 80 : i32
    %run_scoped3A = arith.constant 0 : i32
    %run_scoped3A_127 = arith.constant 0 : i32
    "tpu.region"() ({
      %run_scoped3A_133 = tpu.sem_alloc : memref<!tpu.dma_semaphore, #tpu.memory_space<semaphore_mem>>
      %dma_start3A_134 = arith.constant 0 : i32
      %dma_start3A_135 = arith.constant 0 : i32
      %dma_start3A_136 = tpu.memref_slice %arg9[%run_scoped3A, %dma_start3A_134, %dma_start3A_135] : memref<2x1x80xi32, #tpu.memory_space<vmem>> -> memref<1x1x80xi32, #tpu.memory_space<vmem>>
      %dma_start3A_137 = tpu.memref_squeeze %dma_start3A_136 : memref<1x1x80xi32, #tpu.memory_space<vmem>> -> memref<1x80xi32, #tpu.memory_space<vmem>>
      %dma_start3A_138 = arith.constant 0 : i32
      %dma_start3A_139 = tpu.memref_slice %dma_start3A_137[%run_scoped3A_127, %dma_start3A_138] : memref<1x80xi32, #tpu.memory_space<vmem>> -> memref<1x80xi32, #tpu.memory_space<vmem>>
      %dma_start3A_140 = tpu.memref_squeeze %dma_start3A_139 : memref<1x80xi32, #tpu.memory_space<vmem>> -> memref<80xi32, #tpu.memory_space<vmem>>
      %dma_start3A_141 = arith.constant 0 : i32
      %dma_start3A_142 = arith.constant 0 : i32
      %dma_start3A_143 = tpu.memref_slice %arg13[%dma_start3A_141, %dma_start3A_142] : memref<10112x144xf32, #tpu.memory_space<vmem_shared>> -> memref<10112x144xf32, #tpu.memory_space<vmem_shared>>
      tpu.enqueue_indirect_dma source(%arg12 : memref<80x144xf32, #tpu.memory_space<vmem>>) target(%dma_start3A_143 : memref<10112x144xf32, #tpu.memory_space<vmem_shared>>) offsets(%dma_start3A_140 : memref<80xi32, #tpu.memory_space<vmem>>) semaphore(%run_scoped3A_133 : memref<!tpu.dma_semaphore, #tpu.memory_space<semaphore_mem>>) {add = true}
      %dma_wait3A_144 = arith.constant 0 : i32
      %dma_wait3A_145 = arith.constant 0 : i32
      %dma_wait3A_146 = tpu.memref_slice %arg9[%run_scoped3A, %dma_wait3A_144, %dma_wait3A_145] : memref<2x1x80xi32, #tpu.memory_space<vmem>> -> memref<1x1x80xi32, #tpu.memory_space<vmem>>
      %dma_wait3A_147 = tpu.memref_squeeze %dma_wait3A_146 : memref<1x1x80xi32, #tpu.memory_space<vmem>> -> memref<1x80xi32, #tpu.memory_space<vmem>>
      %dma_wait3A_148 = arith.constant 0 : i32
      %dma_wait3A_149 = tpu.memref_slice %dma_wait3A_147[%run_scoped3A_127, %dma_wait3A_148] : memref<1x80xi32, #tpu.memory_space<vmem>> -> memref<1x80xi32, #tpu.memory_space<vmem>>
      %dma_wait3A_150 = tpu.memref_squeeze %dma_wait3A_149 : memref<1x80xi32, #tpu.memory_space<vmem>> -> memref<80xi32, #tpu.memory_space<vmem>>
      %dma_wait3A_151 = arith.constant 0 : i32
      %dma_wait3A_152 = arith.constant 0 : i32
      %dma_wait3A_153 = tpu.memref_slice %arg13[%dma_wait3A_151, %dma_wait3A_152] : memref<10112x144xf32, #tpu.memory_space<vmem_shared>> -> memref<10112x144xf32, #tpu.memory_space<vmem_shared>>
      tpu.wait_indirect_dma semaphore(%run_scoped3A_133 : memref<!tpu.dma_semaphore, #tpu.memory_space<semaphore_mem>>) src(%arg12 : memref<80x144xf32, #tpu.memory_space<vmem>>) dst(%dma_wait3A_153 : memref<10112x144xf32, #tpu.memory_space<vmem_shared>>)
      tpu.yield
    }) : () -> ()
    %barrier3A_128 = arith.constant 0 : index
    tpu.barrier barrier_id(%barrier3A_128)
    %mul3A_129 = arith.constant 632 : i32
    %mul3A_130 = arith.muli %arg1, %mul3A_129 : i32
    %mul3A_131 = arith.constant 632 : i32
    %mul3A_132 = arith.muli %arg1, %mul3A_131 : i32
    "tpu.region"() ({
      %run_scoped3A_133 = tpu.sem_alloc : memref<!tpu.dma_semaphore, #tpu.memory_space<semaphore_mem>>
      %dma_start3A_134 = arith.constant 0 : i32
      %dma_start3A_135 = tpu.memref_slice %arg7[%arg0, %mul3A_132, %dma_start3A_134] : memref<2x10112x144xf32, #tpu.memory_space<hbm>> -> memref<1x632x144xf32, #tpu.memory_space<hbm>>
      %dma_start3A_136 = tpu.memref_squeeze %dma_start3A_135 : memref<1x632x144xf32, #tpu.memory_space<hbm>> -> memref<632x144xf32, #tpu.memory_space<hbm>>
      %dma_start3A_137 = arith.constant 0 : i32
      %dma_start3A_138 = tpu.memref_slice %arg13[%mul3A_130, %dma_start3A_137] : memref<10112x144xf32, #tpu.memory_space<vmem_shared>> -> memref<632x144xf32, #tpu.memory_space<vmem_shared>>
      tpu.enqueue_dma source(%dma_start3A_138 : memref<632x144xf32, #tpu.memory_space<vmem_shared>>) target(%dma_start3A_136 : memref<632x144xf32, #tpu.memory_space<hbm>>) target_semaphore(%run_scoped3A_133 : memref<!tpu.dma_semaphore, #tpu.memory_space<semaphore_mem>>)
      %dma_wait3A_139 = arith.constant 0 : i32
      %dma_wait3A_140 = tpu.memref_slice %arg7[%arg0, %mul3A_132, %dma_wait3A_139] : memref<2x10112x144xf32, #tpu.memory_space<hbm>> -> memref<1x632x144xf32, #tpu.memory_space<hbm>>
      %dma_wait3A_141 = tpu.memref_squeeze %dma_wait3A_140 : memref<1x632x144xf32, #tpu.memory_space<hbm>> -> memref<632x144xf32, #tpu.memory_space<hbm>>
      %dma_wait3A_142 = arith.constant 0 : i32
      %dma_wait3A_143 = tpu.memref_slice %arg13[%mul3A_130, %dma_wait3A_142] : memref<10112x144xf32, #tpu.memory_space<vmem_shared>> -> memref<632x144xf32, #tpu.memory_space<vmem_shared>>
      tpu.wait_dma2 semaphore(%run_scoped3A_133 : memref<!tpu.dma_semaphore, #tpu.memory_space<semaphore_mem>>) src(%dma_wait3A_143 : memref<632x144xf32, #tpu.memory_space<vmem_shared>>) dst(%dma_wait3A_141 : memref<632x144xf32, #tpu.memory_space<hbm>>)
      tpu.yield
    }) : () -> ()
    return
  }
}

#map = affine_map<(d0, d1) -> (0, 0)>
#map1 = affine_map<(d0, d1) -> (0, 0, 0)>
module attributes {stable_mosaic.version = 14 : i64} {
  func.func @_edge_body(%arg0: i32, %arg1: i32, %arg2: memref<10000x144xf32, #tpu.memory_space<hbm>>, %arg3: memref<10000x16xf32, #tpu.memory_space<hbm>>, %arg4: memref<4000x80xi32, #tpu.memory_space<hbm>>, %arg5: memref<4000x80xi32, #tpu.memory_space<hbm>>, %arg6: memref<10112x144xf32, #tpu.memory_space<hbm>>, %arg7: memref<2x10112x144xf32, #tpu.memory_space<hbm>>, %arg8: memref<2x80xi32, #tpu.memory_space<vmem>>, %arg9: memref<2x1x80xi32, #tpu.memory_space<vmem>>, %arg10: memref<2x80x144xf32, #tpu.memory_space<vmem>>, %arg11: memref<2x80x16xf32, #tpu.memory_space<vmem>>, %arg12: memref<80x144xf32, #tpu.memory_space<vmem>>, %arg13: memref<10112x144xf32, #tpu.memory_space<vmem_shared>>, %arg14: memref<!tpu.dma_semaphore, #tpu.memory_space<semaphore_mem>>, %arg15: memref<!tpu.dma_semaphore, #tpu.memory_space<semaphore_mem>>, %arg16: memref<!tpu.dma_semaphore, #tpu.memory_space<semaphore_mem>>, %arg17: memref<!tpu.dma_semaphore, #tpu.memory_space<semaphore_mem>>) attributes {dimension_semantics = [#tpu.dimension_semantics<core_parallel>, #tpu.dimension_semantics<subcore_parallel>], iteration_bounds = array<i64: 2, 16>, scalar_prefetch = 0 : i64, scratch_operands = 10 : i64, tpu.core_type = #tpu.core_type<sc_vector_subcore>, window_params = [{transform_indices = #map}, {transform_indices = #map}, {transform_indices = #map}, {transform_indices = #map}, {transform_indices = #map}, {transform_indices = #map1}]} {
    %mul3A = arith.constant 16 : i32
    %mul3A_0 = arith.muli %arg0, %mul3A : i32
    %add3A = arith.addi %mul3A_0, %arg1 : i32
    %mul3A_1 = arith.constant 632 : i32
    %mul3A_2 = arith.muli %arg1, %mul3A_1 : i32
    %mul3A_3 = arith.constant 632 : i32
    %mul3A_4 = arith.muli %arg1, %mul3A_3 : i32
    "tpu.region"() ({
      %run_scoped3A_133 = tpu.sem_alloc : memref<!tpu.dma_semaphore, #tpu.memory_space<semaphore_mem>>
      %dma_start3A_134 = arith.constant 0 : i32
      %dma_start3A_135 = tpu.memref_slice %arg13[%mul3A_4, %dma_start3A_134] : memref<10112x144xf32, #tpu.memory_space<vmem_shared>> -> memref<632x144xf32, #tpu.memory_space<vmem_shared>>
      %dma_start3A_136 = arith.constant 0 : i32
      %dma_start3A_137 = tpu.memref_slice %arg6[%mul3A_2, %dma_start3A_136] : memref<10112x144xf32, #tpu.memory_space<hbm>> -> memref<632x144xf32, #tpu.memory_space<hbm>>
      tpu.enqueue_dma source(%dma_start3A_137 : memref<632x144xf32, #tpu.memory_space<hbm>>) target(%dma_start3A_135 : memref<632x144xf32, #tpu.memory_space<vmem_shared>>) target_semaphore(%run_scoped3A_133 : memref<!tpu.dma_semaphore, #tpu.memory_space<semaphore_mem>>)
      %dma_wait3A_138 = arith.constant 0 : i32
      %dma_wait3A_139 = tpu.memref_slice %arg13[%mul3A_4, %dma_wait3A_138] : memref<10112x144xf32, #tpu.memory_space<vmem_shared>> -> memref<632x144xf32, #tpu.memory_space<vmem_shared>>
      %dma_wait3A_140 = arith.constant 0 : i32
      %dma_wait3A_141 = tpu.memref_slice %arg6[%mul3A_2, %dma_wait3A_140] : memref<10112x144xf32, #tpu.memory_space<hbm>> -> memref<632x144xf32, #tpu.memory_space<hbm>>
      tpu.wait_dma2 semaphore(%run_scoped3A_133 : memref<!tpu.dma_semaphore, #tpu.memory_space<semaphore_mem>>) src(%dma_wait3A_141 : memref<632x144xf32, #tpu.memory_space<hbm>>) dst(%dma_wait3A_139 : memref<632x144xf32, #tpu.memory_space<vmem_shared>>)
      tpu.yield
    }) : () -> ()
    %barrier3A = arith.constant 0 : index
    tpu.barrier barrier_id(%barrier3A)
    %mul3A_5 = arith.constant 125 : i32
    %mul3A_6 = arith.muli %add3A, %mul3A_5 : i32
    %dma_start3A = arith.constant 0 : i32
    %dma_start3A_7 = arith.constant 0 : i32
    %dma_start3A_8 = tpu.memref_slice %arg8[%dma_start3A, %dma_start3A_7] : memref<2x80xi32, #tpu.memory_space<vmem>> -> memref<1x80xi32, #tpu.memory_space<vmem>>
    %dma_start3A_9 = tpu.memref_squeeze %dma_start3A_8 : memref<1x80xi32, #tpu.memory_space<vmem>> -> memref<80xi32, #tpu.memory_space<vmem>>
    %dma_start3A_10 = arith.constant 0 : i32
    %dma_start3A_11 = tpu.memref_slice %arg4[%mul3A_6, %dma_start3A_10] : memref<4000x80xi32, #tpu.memory_space<hbm>> -> memref<1x80xi32, #tpu.memory_space<hbm>>
    %dma_start3A_12 = tpu.memref_squeeze %dma_start3A_11 : memref<1x80xi32, #tpu.memory_space<hbm>> -> memref<80xi32, #tpu.memory_space<hbm>>
    %dma_start3A_13 = arith.constant 0 : i32
    %dma_start3A_14 = tpu.memref_slice %arg8[%dma_start3A, %dma_start3A_13] : memref<2x80xi32, #tpu.memory_space<vmem>> -> memref<1x80xi32, #tpu.memory_space<vmem>>
    %dma_start3A_15 = tpu.memref_squeeze %dma_start3A_14 : memref<1x80xi32, #tpu.memory_space<vmem>> -> memref<80xi32, #tpu.memory_space<vmem>>
    %dma_start3A_16 = arith.constant 0 : i32
    %dma_start3A_17 = tpu.memref_slice %arg4[%mul3A_6, %dma_start3A_16] : memref<4000x80xi32, #tpu.memory_space<hbm>> -> memref<1x80xi32, #tpu.memory_space<hbm>>
    %dma_start3A_18 = tpu.memref_squeeze %dma_start3A_17 : memref<1x80xi32, #tpu.memory_space<hbm>> -> memref<80xi32, #tpu.memory_space<hbm>>
    tpu.enqueue_dma source(%dma_start3A_18 : memref<80xi32, #tpu.memory_space<hbm>>) target(%dma_start3A_15 : memref<80xi32, #tpu.memory_space<vmem>>) target_semaphore(%arg14 : memref<!tpu.dma_semaphore, #tpu.memory_space<semaphore_mem>>)
    %dma_start3A_19 = arith.constant 0 : i32
    %dma_start3A_20 = arith.constant 0 : i32
    %dma_start3A_21 = arith.constant 0 : i32
    %dma_start3A_22 = tpu.memref_slice %arg9[%dma_start3A_19, %dma_start3A_20, %dma_start3A_21] : memref<2x1x80xi32, #tpu.memory_space<vmem>> -> memref<1x1x80xi32, #tpu.memory_space<vmem>>
    %dma_start3A_23 = tpu.memref_squeeze %dma_start3A_22 : memref<1x1x80xi32, #tpu.memory_space<vmem>> -> memref<1x80xi32, #tpu.memory_space<vmem>>
    %dma_start3A_24 = arith.constant 0 : i32
    %dma_start3A_25 = tpu.memref_slice %arg5[%mul3A_6, %dma_start3A_24] : memref<4000x80xi32, #tpu.memory_space<hbm>> -> memref<1x80xi32, #tpu.memory_space<hbm>>
    %dma_start3A_26 = arith.constant 0 : i32
    %dma_start3A_27 = arith.constant 0 : i32
    %dma_start3A_28 = tpu.memref_slice %arg9[%dma_start3A_19, %dma_start3A_26, %dma_start3A_27] : memref<2x1x80xi32, #tpu.memory_space<vmem>> -> memref<1x1x80xi32, #tpu.memory_space<vmem>>
    %dma_start3A_29 = tpu.memref_squeeze %dma_start3A_28 : memref<1x1x80xi32, #tpu.memory_space<vmem>> -> memref<1x80xi32, #tpu.memory_space<vmem>>
    %dma_start3A_30 = arith.constant 0 : i32
    %dma_start3A_31 = tpu.memref_slice %arg5[%mul3A_6, %dma_start3A_30] : memref<4000x80xi32, #tpu.memory_space<hbm>> -> memref<1x80xi32, #tpu.memory_space<hbm>>
    tpu.enqueue_dma source(%dma_start3A_31 : memref<1x80xi32, #tpu.memory_space<hbm>>) target(%dma_start3A_29 : memref<1x80xi32, #tpu.memory_space<vmem>>) target_semaphore(%arg14 : memref<!tpu.dma_semaphore, #tpu.memory_space<semaphore_mem>>)
    %dma_wait3A = arith.constant 0 : i32
    %dma_wait3A_32 = arith.constant 0 : i32
    %dma_wait3A_33 = arith.constant 0 : i32
    %dma_wait3A_34 = tpu.memref_slice %arg8[%dma_wait3A_32, %dma_wait3A_33] : memref<2x80xi32, #tpu.memory_space<vmem>> -> memref<1x80xi32, #tpu.memory_space<vmem>>
    %dma_wait3A_35 = tpu.memref_squeeze %dma_wait3A_34 : memref<1x80xi32, #tpu.memory_space<vmem>> -> memref<80xi32, #tpu.memory_space<vmem>>
    %dma_wait3A_36 = arith.constant 0 : i32
    %dma_wait3A_37 = tpu.memref_slice %arg4[%dma_wait3A, %dma_wait3A_36] : memref<4000x80xi32, #tpu.memory_space<hbm>> -> memref<1x80xi32, #tpu.memory_space<hbm>>
    %dma_wait3A_38 = tpu.memref_squeeze %dma_wait3A_37 : memref<1x80xi32, #tpu.memory_space<hbm>> -> memref<80xi32, #tpu.memory_space<hbm>>
    %dma_wait3A_39 = arith.constant 0 : i32
    %dma_wait3A_40 = tpu.memref_slice %arg8[%dma_wait3A_32, %dma_wait3A_39] : memref<2x80xi32, #tpu.memory_space<vmem>> -> memref<1x80xi32, #tpu.memory_space<vmem>>
    %dma_wait3A_41 = tpu.memref_squeeze %dma_wait3A_40 : memref<1x80xi32, #tpu.memory_space<vmem>> -> memref<80xi32, #tpu.memory_space<vmem>>
    %dma_wait3A_42 = arith.constant 0 : i32
    %dma_wait3A_43 = tpu.memref_slice %arg4[%dma_wait3A, %dma_wait3A_42] : memref<4000x80xi32, #tpu.memory_space<hbm>> -> memref<1x80xi32, #tpu.memory_space<hbm>>
    %dma_wait3A_44 = tpu.memref_squeeze %dma_wait3A_43 : memref<1x80xi32, #tpu.memory_space<hbm>> -> memref<80xi32, #tpu.memory_space<hbm>>
    tpu.wait_dma2 semaphore(%arg14 : memref<!tpu.dma_semaphore, #tpu.memory_space<semaphore_mem>>) src(%dma_wait3A_44 : memref<80xi32, #tpu.memory_space<hbm>>) dst(%dma_wait3A_41 : memref<80xi32, #tpu.memory_space<vmem>>)
    %dma_wait3A_45 = arith.constant 0 : i32
    %dma_wait3A_46 = arith.constant 0 : i32
    %dma_wait3A_47 = arith.constant 0 : i32
    %dma_wait3A_48 = tpu.memref_slice %arg9[%dma_wait3A_45, %dma_wait3A_46, %dma_wait3A_47] : memref<2x1x80xi32, #tpu.memory_space<vmem>> -> memref<1x1x80xi32, #tpu.memory_space<vmem>>
    %dma_wait3A_49 = tpu.memref_squeeze %dma_wait3A_48 : memref<1x1x80xi32, #tpu.memory_space<vmem>> -> memref<1x80xi32, #tpu.memory_space<vmem>>
    %dma_wait3A_50 = arith.constant 0 : i32
    %dma_wait3A_51 = arith.constant 0 : i32
    %dma_wait3A_52 = tpu.memref_slice %arg5[%dma_wait3A_50, %dma_wait3A_51] : memref<4000x80xi32, #tpu.memory_space<hbm>> -> memref<1x80xi32, #tpu.memory_space<hbm>>
    %dma_wait3A_53 = arith.constant 0 : i32
    %dma_wait3A_54 = arith.constant 0 : i32
    %dma_wait3A_55 = tpu.memref_slice %arg9[%dma_wait3A_45, %dma_wait3A_53, %dma_wait3A_54] : memref<2x1x80xi32, #tpu.memory_space<vmem>> -> memref<1x1x80xi32, #tpu.memory_space<vmem>>
    %dma_wait3A_56 = tpu.memref_squeeze %dma_wait3A_55 : memref<1x1x80xi32, #tpu.memory_space<vmem>> -> memref<1x80xi32, #tpu.memory_space<vmem>>
    %dma_wait3A_57 = arith.constant 0 : i32
    %dma_wait3A_58 = arith.constant 0 : i32
    %dma_wait3A_59 = tpu.memref_slice %arg5[%dma_wait3A_57, %dma_wait3A_58] : memref<4000x80xi32, #tpu.memory_space<hbm>> -> memref<1x80xi32, #tpu.memory_space<hbm>>
    tpu.wait_dma2 semaphore(%arg14 : memref<!tpu.dma_semaphore, #tpu.memory_space<semaphore_mem>>) src(%dma_wait3A_59 : memref<1x80xi32, #tpu.memory_space<hbm>>) dst(%dma_wait3A_56 : memref<1x80xi32, #tpu.memory_space<vmem>>)
    %dma_start3A_60 = arith.constant 0 : i32
    %dma_start3A_61 = arith.constant 0 : i32
    %dma_start3A_62 = arith.constant 0 : i32
    %dma_start3A_63 = arith.constant 0 : i32
    %dma_start3A_64 = tpu.memref_slice %arg10[%dma_start3A_61, %dma_start3A_62, %dma_start3A_63] : memref<2x80x144xf32, #tpu.memory_space<vmem>> -> memref<1x80x144xf32, #tpu.memory_space<vmem>>
    %dma_start3A_65 = tpu.memref_squeeze %dma_start3A_64 : memref<1x80x144xf32, #tpu.memory_space<vmem>> -> memref<80x144xf32, #tpu.memory_space<vmem>>
    %dma_start3A_66 = arith.constant 0 : i32
    %dma_start3A_67 = tpu.memref_slice %arg8[%dma_start3A_60, %dma_start3A_66] : memref<2x80xi32, #tpu.memory_space<vmem>> -> memref<1x80xi32, #tpu.memory_space<vmem>>
    %dma_start3A_68 = tpu.memref_squeeze %dma_start3A_67 : memref<1x80xi32, #tpu.memory_space<vmem>> -> memref<80xi32, #tpu.memory_space<vmem>>
    %dma_start3A_69 = arith.constant 0 : i32
    %dma_start3A_70 = arith.constant 0 : i32
    %dma_start3A_71 = tpu.memref_slice %arg2[%dma_start3A_69, %dma_start3A_70] : memref<10000x144xf32, #tpu.memory_space<hbm>> -> memref<10000x144xf32, #tpu.memory_space<hbm>>
    tpu.enqueue_indirect_dma source(%dma_start3A_71 : memref<10000x144xf32, #tpu.memory_space<hbm>>) target(%dma_start3A_65 : memref<80x144xf32, #tpu.memory_space<vmem>>) offsets(%dma_start3A_68 : memref<80xi32, #tpu.memory_space<vmem>>) semaphore(%arg16 : memref<!tpu.dma_semaphore, #tpu.memory_space<semaphore_mem>>)
    %dma_start3A_72 = arith.constant 0 : i32
    %dma_start3A_73 = arith.constant 0 : i32
    %dma_start3A_74 = arith.constant 0 : i32
    %dma_start3A_75 = arith.constant 0 : i32
    %dma_start3A_76 = arith.constant 0 : i32
    %dma_start3A_77 = tpu.memref_slice %arg11[%dma_start3A_74, %dma_start3A_75, %dma_start3A_76] : memref<2x80x16xf32, #tpu.memory_space<vmem>> -> memref<1x80x16xf32, #tpu.memory_space<vmem>>
    %dma_start3A_78 = tpu.memref_squeeze %dma_start3A_77 : memref<1x80x16xf32, #tpu.memory_space<vmem>> -> memref<80x16xf32, #tpu.memory_space<vmem>>
    %dma_start3A_79 = arith.constant 0 : i32
    %dma_start3A_80 = arith.constant 0 : i32
    %dma_start3A_81 = tpu.memref_slice %arg9[%dma_start3A_72, %dma_start3A_79, %dma_start3A_80] : memref<2x1x80xi32, #tpu.memory_space<vmem>> -> memref<1x1x80xi32, #tpu.memory_space<vmem>>
    %dma_start3A_82 = tpu.memref_squeeze %dma_start3A_81 : memref<1x1x80xi32, #tpu.memory_space<vmem>> -> memref<1x80xi32, #tpu.memory_space<vmem>>
    %dma_start3A_83 = arith.constant 0 : i32
    %dma_start3A_84 = tpu.memref_slice %dma_start3A_82[%dma_start3A_73, %dma_start3A_83] : memref<1x80xi32, #tpu.memory_space<vmem>> -> memref<1x80xi32, #tpu.memory_space<vmem>>
    %dma_start3A_85 = tpu.memref_squeeze %dma_start3A_84 : memref<1x80xi32, #tpu.memory_space<vmem>> -> memref<80xi32, #tpu.memory_space<vmem>>
    %dma_start3A_86 = arith.constant 0 : i32
    %dma_start3A_87 = arith.constant 0 : i32
    %dma_start3A_88 = tpu.memref_slice %arg3[%dma_start3A_86, %dma_start3A_87] : memref<10000x16xf32, #tpu.memory_space<hbm>> -> memref<10000x16xf32, #tpu.memory_space<hbm>>
    tpu.enqueue_indirect_dma source(%dma_start3A_88 : memref<10000x16xf32, #tpu.memory_space<hbm>>) target(%dma_start3A_78 : memref<80x16xf32, #tpu.memory_space<vmem>>) offsets(%dma_start3A_85 : memref<80xi32, #tpu.memory_space<vmem>>) semaphore(%arg16 : memref<!tpu.dma_semaphore, #tpu.memory_space<semaphore_mem>>)
    %scan3A = arith.constant 0 : i32
    %scan3A_89 = arith.constant 62 : i32
    %scan3A_90 = arith.addi %scan3A, %scan3A_89 : i32
    %scan3A_91 = arith.constant 1 : i32
    scf.for %scan3A_133 = %scan3A to %scan3A_90 step %scan3A_91  : i32 {
      %mul3A_134 = arith.constant 2 : i32
      %mul3A_135 = arith.muli %scan3A_133, %mul3A_134 : i32
      %add3A_136 = arith.constant 0 : i32
      %add3A_137 = arith.addi %add3A_136, %mul3A_135 : i32
      %add3A_138 = arith.constant 0 : i32
      %add3A_139 = arith.addi %add3A_137, %add3A_138 : i32
      %add3A_140 = arith.addi %mul3A_6, %add3A_139 : i32
      %add3A_141 = arith.constant 1 : i32
      %add3A_142 = arith.addi %add3A_140, %add3A_141 : i32
      %dma_start3A_143 = arith.constant 1 : i32
      %dma_start3A_144 = arith.constant 0 : i32
      %dma_start3A_145 = tpu.memref_slice %arg8[%dma_start3A_143, %dma_start3A_144] : memref<2x80xi32, #tpu.memory_space<vmem>> -> memref<1x80xi32, #tpu.memory_space<vmem>>
      %dma_start3A_146 = tpu.memref_squeeze %dma_start3A_145 : memref<1x80xi32, #tpu.memory_space<vmem>> -> memref<80xi32, #tpu.memory_space<vmem>>
      %dma_start3A_147 = arith.constant 0 : i32
      %dma_start3A_148 = tpu.memref_slice %arg4[%add3A_142, %dma_start3A_147] : memref<4000x80xi32, #tpu.memory_space<hbm>> -> memref<1x80xi32, #tpu.memory_space<hbm>>
      %dma_start3A_149 = tpu.memref_squeeze %dma_start3A_148 : memref<1x80xi32, #tpu.memory_space<hbm>> -> memref<80xi32, #tpu.memory_space<hbm>>
      %dma_start3A_150 = arith.constant 0 : i32
      %dma_start3A_151 = tpu.memref_slice %arg8[%dma_start3A_143, %dma_start3A_150] : memref<2x80xi32, #tpu.memory_space<vmem>> -> memref<1x80xi32, #tpu.memory_space<vmem>>
      %dma_start3A_152 = tpu.memref_squeeze %dma_start3A_151 : memref<1x80xi32, #tpu.memory_space<vmem>> -> memref<80xi32, #tpu.memory_space<vmem>>
      %dma_start3A_153 = arith.constant 0 : i32
      %dma_start3A_154 = tpu.memref_slice %arg4[%add3A_142, %dma_start3A_153] : memref<4000x80xi32, #tpu.memory_space<hbm>> -> memref<1x80xi32, #tpu.memory_space<hbm>>
      %dma_start3A_155 = tpu.memref_squeeze %dma_start3A_154 : memref<1x80xi32, #tpu.memory_space<hbm>> -> memref<80xi32, #tpu.memory_space<hbm>>
      tpu.enqueue_dma source(%dma_start3A_155 : memref<80xi32, #tpu.memory_space<hbm>>) target(%dma_start3A_152 : memref<80xi32, #tpu.memory_space<vmem>>) target_semaphore(%arg15 : memref<!tpu.dma_semaphore, #tpu.memory_space<semaphore_mem>>)
      %dma_start3A_156 = arith.constant 1 : i32
      %dma_start3A_157 = arith.constant 0 : i32
      %dma_start3A_158 = arith.constant 0 : i32
      %dma_start3A_159 = tpu.memref_slice %arg9[%dma_start3A_156, %dma_start3A_157, %dma_start3A_158] : memref<2x1x80xi32, #tpu.memory_space<vmem>> -> memref<1x1x80xi32, #tpu.memory_space<vmem>>
      %dma_start3A_160 = tpu.memref_squeeze %dma_start3A_159 : memref<1x1x80xi32, #tpu.memory_space<vmem>> -> memref<1x80xi32, #tpu.memory_space<vmem>>
      %dma_start3A_161 = arith.constant 0 : i32
      %dma_start3A_162 = tpu.memref_slice %arg5[%add3A_142, %dma_start3A_161] : memref<4000x80xi32, #tpu.memory_space<hbm>> -> memref<1x80xi32, #tpu.memory_space<hbm>>
      %dma_start3A_163 = arith.constant 0 : i32
      %dma_start3A_164 = arith.constant 0 : i32
      %dma_start3A_165 = tpu.memref_slice %arg9[%dma_start3A_156, %dma_start3A_163, %dma_start3A_164] : memref<2x1x80xi32, #tpu.memory_space<vmem>> -> memref<1x1x80xi32, #tpu.memory_space<vmem>>
      %dma_start3A_166 = tpu.memref_squeeze %dma_start3A_165 : memref<1x1x80xi32, #tpu.memory_space<vmem>> -> memref<1x80xi32, #tpu.memory_space<vmem>>
      %dma_start3A_167 = arith.constant 0 : i32
      %dma_start3A_168 = tpu.memref_slice %arg5[%add3A_142, %dma_start3A_167] : memref<4000x80xi32, #tpu.memory_space<hbm>> -> memref<1x80xi32, #tpu.memory_space<hbm>>
      tpu.enqueue_dma source(%dma_start3A_168 : memref<1x80xi32, #tpu.memory_space<hbm>>) target(%dma_start3A_166 : memref<1x80xi32, #tpu.memory_space<vmem>>) target_semaphore(%arg15 : memref<!tpu.dma_semaphore, #tpu.memory_space<semaphore_mem>>)
      %dma_wait3A_169 = arith.constant 0 : i32
      %dma_wait3A_170 = arith.constant 1 : i32
      %dma_wait3A_171 = arith.constant 0 : i32
      %dma_wait3A_172 = tpu.memref_slice %arg8[%dma_wait3A_170, %dma_wait3A_171] : memref<2x80xi32, #tpu.memory_space<vmem>> -> memref<1x80xi32, #tpu.memory_space<vmem>>
      %dma_wait3A_173 = tpu.memref_squeeze %dma_wait3A_172 : memref<1x80xi32, #tpu.memory_space<vmem>> -> memref<80xi32, #tpu.memory_space<vmem>>
      %dma_wait3A_174 = arith.constant 0 : i32
      %dma_wait3A_175 = tpu.memref_slice %arg4[%dma_wait3A_169, %dma_wait3A_174] : memref<4000x80xi32, #tpu.memory_space<hbm>> -> memref<1x80xi32, #tpu.memory_space<hbm>>
      %dma_wait3A_176 = tpu.memref_squeeze %dma_wait3A_175 : memref<1x80xi32, #tpu.memory_space<hbm>> -> memref<80xi32, #tpu.memory_space<hbm>>
      %dma_wait3A_177 = arith.constant 0 : i32
      %dma_wait3A_178 = tpu.memref_slice %arg8[%dma_wait3A_170, %dma_wait3A_177] : memref<2x80xi32, #tpu.memory_space<vmem>> -> memref<1x80xi32, #tpu.memory_space<vmem>>
      %dma_wait3A_179 = tpu.memref_squeeze %dma_wait3A_178 : memref<1x80xi32, #tpu.memory_space<vmem>> -> memref<80xi32, #tpu.memory_space<vmem>>
      %dma_wait3A_180 = arith.constant 0 : i32
      %dma_wait3A_181 = tpu.memref_slice %arg4[%dma_wait3A_169, %dma_wait3A_180] : memref<4000x80xi32, #tpu.memory_space<hbm>> -> memref<1x80xi32, #tpu.memory_space<hbm>>
      %dma_wait3A_182 = tpu.memref_squeeze %dma_wait3A_181 : memref<1x80xi32, #tpu.memory_space<hbm>> -> memref<80xi32, #tpu.memory_space<hbm>>
      tpu.wait_dma2 semaphore(%arg15 : memref<!tpu.dma_semaphore, #tpu.memory_space<semaphore_mem>>) src(%dma_wait3A_182 : memref<80xi32, #tpu.memory_space<hbm>>) dst(%dma_wait3A_179 : memref<80xi32, #tpu.memory_space<vmem>>)
      %dma_wait3A_183 = arith.constant 1 : i32
      %dma_wait3A_184 = arith.constant 0 : i32
      %dma_wait3A_185 = arith.constant 0 : i32
      %dma_wait3A_186 = tpu.memref_slice %arg9[%dma_wait3A_183, %dma_wait3A_184, %dma_wait3A_185] : memref<2x1x80xi32, #tpu.memory_space<vmem>> -> memref<1x1x80xi32, #tpu.memory_space<vmem>>
      %dma_wait3A_187 = tpu.memref_squeeze %dma_wait3A_186 : memref<1x1x80xi32, #tpu.memory_space<vmem>> -> memref<1x80xi32, #tpu.memory_space<vmem>>
      %dma_wait3A_188 = arith.constant 0 : i32
      %dma_wait3A_189 = arith.constant 0 : i32
      %dma_wait3A_190 = tpu.memref_slice %arg5[%dma_wait3A_188, %dma_wait3A_189] : memref<4000x80xi32, #tpu.memory_space<hbm>> -> memref<1x80xi32, #tpu.memory_space<hbm>>
      %dma_wait3A_191 = arith.constant 0 : i32
      %dma_wait3A_192 = arith.constant 0 : i32
      %dma_wait3A_193 = tpu.memref_slice %arg9[%dma_wait3A_183, %dma_wait3A_191, %dma_wait3A_192] : memref<2x1x80xi32, #tpu.memory_space<vmem>> -> memref<1x1x80xi32, #tpu.memory_space<vmem>>
      %dma_wait3A_194 = tpu.memref_squeeze %dma_wait3A_193 : memref<1x1x80xi32, #tpu.memory_space<vmem>> -> memref<1x80xi32, #tpu.memory_space<vmem>>
      %dma_wait3A_195 = arith.constant 0 : i32
      %dma_wait3A_196 = arith.constant 0 : i32
      %dma_wait3A_197 = tpu.memref_slice %arg5[%dma_wait3A_195, %dma_wait3A_196] : memref<4000x80xi32, #tpu.memory_space<hbm>> -> memref<1x80xi32, #tpu.memory_space<hbm>>
      tpu.wait_dma2 semaphore(%arg15 : memref<!tpu.dma_semaphore, #tpu.memory_space<semaphore_mem>>) src(%dma_wait3A_197 : memref<1x80xi32, #tpu.memory_space<hbm>>) dst(%dma_wait3A_194 : memref<1x80xi32, #tpu.memory_space<vmem>>)
      %dma_start3A_198 = arith.constant 1 : i32
      %dma_start3A_199 = arith.constant 1 : i32
      %dma_start3A_200 = arith.constant 0 : i32
      %dma_start3A_201 = arith.constant 0 : i32
      %dma_start3A_202 = tpu.memref_slice %arg10[%dma_start3A_199, %dma_start3A_200, %dma_start3A_201] : memref<2x80x144xf32, #tpu.memory_space<vmem>> -> memref<1x80x144xf32, #tpu.memory_space<vmem>>
      %dma_start3A_203 = tpu.memref_squeeze %dma_start3A_202 : memref<1x80x144xf32, #tpu.memory_space<vmem>> -> memref<80x144xf32, #tpu.memory_space<vmem>>
      %dma_start3A_204 = arith.constant 0 : i32
      %dma_start3A_205 = tpu.memref_slice %arg8[%dma_start3A_198, %dma_start3A_204] : memref<2x80xi32, #tpu.memory_space<vmem>> -> memref<1x80xi32, #tpu.memory_space<vmem>>
      %dma_start3A_206 = tpu.memref_squeeze %dma_start3A_205 : memref<1x80xi32, #tpu.memory_space<vmem>> -> memref<80xi32, #tpu.memory_space<vmem>>
      %dma_start3A_207 = arith.constant 0 : i32
      %dma_start3A_208 = arith.constant 0 : i32
      %dma_start3A_209 = tpu.memref_slice %arg2[%dma_start3A_207, %dma_start3A_208] : memref<10000x144xf32, #tpu.memory_space<hbm>> -> memref<10000x144xf32, #tpu.memory_space<hbm>>
      tpu.enqueue_indirect_dma source(%dma_start3A_209 : memref<10000x144xf32, #tpu.memory_space<hbm>>) target(%dma_start3A_203 : memref<80x144xf32, #tpu.memory_space<vmem>>) offsets(%dma_start3A_206 : memref<80xi32, #tpu.memory_space<vmem>>) semaphore(%arg17 : memref<!tpu.dma_semaphore, #tpu.memory_space<semaphore_mem>>)
      %dma_start3A_210 = arith.constant 1 : i32
      %dma_start3A_211 = arith.constant 0 : i32
      %dma_start3A_212 = arith.constant 1 : i32
      %dma_start3A_213 = arith.constant 0 : i32
      %dma_start3A_214 = arith.constant 0 : i32
      %dma_start3A_215 = tpu.memref_slice %arg11[%dma_start3A_212, %dma_start3A_213, %dma_start3A_214] : memref<2x80x16xf32, #tpu.memory_space<vmem>> -> memref<1x80x16xf32, #tpu.memory_space<vmem>>
      %dma_start3A_216 = tpu.memref_squeeze %dma_start3A_215 : memref<1x80x16xf32, #tpu.memory_space<vmem>> -> memref<80x16xf32, #tpu.memory_space<vmem>>
      %dma_start3A_217 = arith.constant 0 : i32
      %dma_start3A_218 = arith.constant 0 : i32
      %dma_start3A_219 = tpu.memref_slice %arg9[%dma_start3A_210, %dma_start3A_217, %dma_start3A_218] : memref<2x1x80xi32, #tpu.memory_space<vmem>> -> memref<1x1x80xi32, #tpu.memory_space<vmem>>
      %dma_start3A_220 = tpu.memref_squeeze %dma_start3A_219 : memref<1x1x80xi32, #tpu.memory_space<vmem>> -> memref<1x80xi32, #tpu.memory_space<vmem>>
      %dma_start3A_221 = arith.constant 0 : i32
      %dma_start3A_222 = tpu.memref_slice %dma_start3A_220[%dma_start3A_211, %dma_start3A_221] : memref<1x80xi32, #tpu.memory_space<vmem>> -> memref<1x80xi32, #tpu.memory_space<vmem>>
      %dma_start3A_223 = tpu.memref_squeeze %dma_start3A_222 : memref<1x80xi32, #tpu.memory_space<vmem>> -> memref<80xi32, #tpu.memory_space<vmem>>
      %dma_start3A_224 = arith.constant 0 : i32
      %dma_start3A_225 = arith.constant 0 : i32
      %dma_start3A_226 = tpu.memref_slice %arg3[%dma_start3A_224, %dma_start3A_225] : memref<10000x16xf32, #tpu.memory_space<hbm>> -> memref<10000x16xf32, #tpu.memory_space<hbm>>
      tpu.enqueue_indirect_dma source(%dma_start3A_226 : memref<10000x16xf32, #tpu.memory_space<hbm>>) target(%dma_start3A_216 : memref<80x16xf32, #tpu.memory_space<vmem>>) offsets(%dma_start3A_223 : memref<80xi32, #tpu.memory_space<vmem>>) semaphore(%arg17 : memref<!tpu.dma_semaphore, #tpu.memory_space<semaphore_mem>>)
      %dma_wait3A_227 = arith.constant 0 : i32
      %dma_wait3A_228 = arith.constant 0 : i32
      %dma_wait3A_229 = arith.constant 0 : i32
      %dma_wait3A_230 = arith.constant 0 : i32
      %dma_wait3A_231 = tpu.memref_slice %arg10[%dma_wait3A_228, %dma_wait3A_229, %dma_wait3A_230] : memref<2x80x144xf32, #tpu.memory_space<vmem>> -> memref<1x80x144xf32, #tpu.memory_space<vmem>>
      %dma_wait3A_232 = tpu.memref_squeeze %dma_wait3A_231 : memref<1x80x144xf32, #tpu.memory_space<vmem>> -> memref<80x144xf32, #tpu.memory_space<vmem>>
      %dma_wait3A_233 = arith.constant 0 : i32
      %dma_wait3A_234 = tpu.memref_slice %arg8[%dma_wait3A_227, %dma_wait3A_233] : memref<2x80xi32, #tpu.memory_space<vmem>> -> memref<1x80xi32, #tpu.memory_space<vmem>>
      %dma_wait3A_235 = tpu.memref_squeeze %dma_wait3A_234 : memref<1x80xi32, #tpu.memory_space<vmem>> -> memref<80xi32, #tpu.memory_space<vmem>>
      %dma_wait3A_236 = arith.constant 0 : i32
      %dma_wait3A_237 = arith.constant 0 : i32
      %dma_wait3A_238 = tpu.memref_slice %arg2[%dma_wait3A_236, %dma_wait3A_237] : memref<10000x144xf32, #tpu.memory_space<hbm>> -> memref<10000x144xf32, #tpu.memory_space<hbm>>
      tpu.wait_indirect_dma semaphore(%arg16 : memref<!tpu.dma_semaphore, #tpu.memory_space<semaphore_mem>>) src(%dma_wait3A_238 : memref<10000x144xf32, #tpu.memory_space<hbm>>) dst(%dma_wait3A_232 : memref<80x144xf32, #tpu.memory_space<vmem>>)
      %dma_wait3A_239 = arith.constant 0 : i32
      %dma_wait3A_240 = arith.constant 0 : i32
      %dma_wait3A_241 = arith.constant 0 : i32
      %dma_wait3A_242 = arith.constant 0 : i32
      %dma_wait3A_243 = arith.constant 0 : i32
      %dma_wait3A_244 = tpu.memref_slice %arg11[%dma_wait3A_241, %dma_wait3A_242, %dma_wait3A_243] : memref<2x80x16xf32, #tpu.memory_space<vmem>> -> memref<1x80x16xf32, #tpu.memory_space<vmem>>
      %dma_wait3A_245 = tpu.memref_squeeze %dma_wait3A_244 : memref<1x80x16xf32, #tpu.memory_space<vmem>> -> memref<80x16xf32, #tpu.memory_space<vmem>>
      %dma_wait3A_246 = arith.constant 0 : i32
      %dma_wait3A_247 = arith.constant 0 : i32
      %dma_wait3A_248 = tpu.memref_slice %arg9[%dma_wait3A_239, %dma_wait3A_246, %dma_wait3A_247] : memref<2x1x80xi32, #tpu.memory_space<vmem>> -> memref<1x1x80xi32, #tpu.memory_space<vmem>>
      %dma_wait3A_249 = tpu.memref_squeeze %dma_wait3A_248 : memref<1x1x80xi32, #tpu.memory_space<vmem>> -> memref<1x80xi32, #tpu.memory_space<vmem>>
      %dma_wait3A_250 = arith.constant 0 : i32
      %dma_wait3A_251 = tpu.memref_slice %dma_wait3A_249[%dma_wait3A_240, %dma_wait3A_250] : memref<1x80xi32, #tpu.memory_space<vmem>> -> memref<1x80xi32, #tpu.memory_space<vmem>>
      %dma_wait3A_252 = tpu.memref_squeeze %dma_wait3A_251 : memref<1x80xi32, #tpu.memory_space<vmem>> -> memref<80xi32, #tpu.memory_space<vmem>>
      %dma_wait3A_253 = arith.constant 0 : i32
      %dma_wait3A_254 = arith.constant 0 : i32
      %dma_wait3A_255 = tpu.memref_slice %arg3[%dma_wait3A_253, %dma_wait3A_254] : memref<10000x16xf32, #tpu.memory_space<hbm>> -> memref<10000x16xf32, #tpu.memory_space<hbm>>
      tpu.wait_indirect_dma semaphore(%arg16 : memref<!tpu.dma_semaphore, #tpu.memory_space<semaphore_mem>>) src(%dma_wait3A_255 : memref<10000x16xf32, #tpu.memory_space<hbm>>) dst(%dma_wait3A_245 : memref<80x16xf32, #tpu.memory_space<vmem>>)
      %scan3A_256 = arith.constant 0 : i32
      %scan3A_257 = arith.constant 80 : i32
      %scan3A_258 = arith.addi %scan3A_256, %scan3A_257 : i32
      %scan3A_259 = arith.constant 1 : i32
      scf.for %scan3A_388 = %scan3A_256 to %scan3A_258 step %scan3A_259  : i32 {
        %mul3A_389 = arith.constant 1 : i32
        %mul3A_390 = arith.muli %scan3A_388, %mul3A_389 : i32
        %add3A_391 = arith.constant 0 : i32
        %add3A_392 = arith.addi %add3A_391, %mul3A_390 : i32
        %get3A = arith.constant 0 : i32
        %get3A_393 = arith.index_cast %get3A : i32 to index
        %get3A_394 = arith.index_cast %add3A_392 : i32 to index
        %get3A_395 = arith.constant 128 : index
        %get3A_396 = tpu.vector_load %arg10[%get3A_393, %get3A_394, %get3A_395] {strides = array<i32>} : memref<2x80x144xf32, #tpu.memory_space<vmem>>, vector<1x1x16xf32>,
        %get3A_397 = vector.shape_cast %get3A_396 : vector<1x1x16xf32> to vector<16xf32>
        %get3A_398 = arith.constant 0 : i32
        %get3A_399 = arith.index_cast %get3A_398 : i32 to index
        %get3A_400 = arith.index_cast %add3A_392 : i32 to index
        %get3A_401 = arith.constant 0 : index
        %get3A_402 = tpu.vector_load %arg11[%get3A_399, %get3A_400, %get3A_401] {strides = array<i32>} : memref<2x80x16xf32, #tpu.memory_space<vmem>>, vector<1x1x16xf32>,
        %get3A_403 = vector.shape_cast %get3A_402 : vector<1x1x16xf32> to vector<16xf32>
        %add3A_404 = arith.addf %get3A_397, %get3A_403 : vector<16xf32>
        %gt3A = arith.constant 0.000000e+00 : f32
        %gt3A_405 = vector.broadcast %gt3A : f32 to vector<16xf32>
        %gt3A_406 = arith.cmpf ogt, %add3A_404, %gt3A_405 : vector<16xf32>
        %mul3A_407 = arith.constant 2.000000e-01 : f32
        %mul3A_408 = vector.broadcast %mul3A_407 : f32 to vector<16xf32>
        %mul3A_409 = arith.mulf %mul3A_408, %add3A_404 : vector<16xf32>
        %select_n3A = arith.select %gt3A_406, %add3A_404, %mul3A_409 : vector<16xi1>, vector<16xf32>
        %exp3A = math.exp %select_n3A : vector<16xf32>
        %swap3A = arith.index_cast %add3A_392 : i32 to index
        %swap3A_410 = arith.constant 128 : index
        %swap3A_411 = tpu.vector_load %arg12[%swap3A, %swap3A_410] {strides = array<i32>} : memref<80x144xf32, #tpu.memory_space<vmem>>, vector<1x16xf32>,
        %swap3A_412 = vector.shape_cast %swap3A_411 : vector<1x16xf32> to vector<16xf32>
        %swap3A_413 = vector.shape_cast %exp3A : vector<16xf32> to vector<1x16xf32>
        tpu.vector_store %arg12[%swap3A, %swap3A_410], %swap3A_413 {strides = array<i32>} : memref<80x144xf32, #tpu.memory_space<vmem>>, vector<1x16xf32>,
        %get3A_414 = arith.constant 0 : i32
        %get3A_415 = arith.index_cast %get3A_414 : i32 to index
        %get3A_416 = arith.index_cast %add3A_392 : i32 to index
        %get3A_417 = arith.constant 0 : index
        %get3A_418 = tpu.vector_load %arg10[%get3A_415, %get3A_416, %get3A_417] {strides = array<i32>} : memref<2x80x144xf32, #tpu.memory_space<vmem>>, vector<1x1x16xf32>,
        %get3A_419 = vector.shape_cast %get3A_418 : vector<1x1x16xf32> to vector<16xf32>
        %mul3A_420 = arith.mulf %get3A_419, %exp3A : vector<16xf32>
        %swap3A_421 = arith.index_cast %add3A_392 : i32 to index
        %swap3A_422 = arith.constant 0 : index
        %swap3A_423 = tpu.vector_load %arg12[%swap3A_421, %swap3A_422] {strides = array<i32>} : memref<80x144xf32, #tpu.memory_space<vmem>>, vector<1x16xf32>,
        %swap3A_424 = vector.shape_cast %swap3A_423 : vector<1x16xf32> to vector<16xf32>
        %swap3A_425 = vector.shape_cast %mul3A_420 : vector<16xf32> to vector<1x16xf32>
        tpu.vector_store %arg12[%swap3A_421, %swap3A_422], %swap3A_425 {strides = array<i32>} : memref<80x144xf32, #tpu.memory_space<vmem>>, vector<1x16xf32>,
        %get3A_426 = arith.constant 0 : i32
        %get3A_427 = arith.index_cast %get3A_426 : i32 to index
        %get3A_428 = arith.index_cast %add3A_392 : i32 to index
        %get3A_429 = arith.constant 16 : index
        %get3A_430 = tpu.vector_load %arg10[%get3A_427, %get3A_428, %get3A_429] {strides = array<i32>} : memref<2x80x144xf32, #tpu.memory_space<vmem>>, vector<1x1x16xf32>,
        %get3A_431 = vector.shape_cast %get3A_430 : vector<1x1x16xf32> to vector<16xf32>
        %mul3A_432 = arith.mulf %get3A_431, %exp3A : vector<16xf32>
        %swap3A_433 = arith.index_cast %add3A_392 : i32 to index
        %swap3A_434 = arith.constant 16 : index
        %swap3A_435 = tpu.vector_load %arg12[%swap3A_433, %swap3A_434] {strides = array<i32>} : memref<80x144xf32, #tpu.memory_space<vmem>>, vector<1x16xf32>,
        %swap3A_436 = vector.shape_cast %swap3A_435 : vector<1x16xf32> to vector<16xf32>
        %swap3A_437 = vector.shape_cast %mul3A_432 : vector<16xf32> to vector<1x16xf32>
        tpu.vector_store %arg12[%swap3A_433, %swap3A_434], %swap3A_437 {strides = array<i32>} : memref<80x144xf32, #tpu.memory_space<vmem>>, vector<1x16xf32>,
        %get3A_438 = arith.constant 0 : i32
        %get3A_439 = arith.index_cast %get3A_438 : i32 to index
        %get3A_440 = arith.index_cast %add3A_392 : i32 to index
        %get3A_441 = arith.constant 32 : index
        %get3A_442 = tpu.vector_load %arg10[%get3A_439, %get3A_440, %get3A_441] {strides = array<i32>} : memref<2x80x144xf32, #tpu.memory_space<vmem>>, vector<1x1x16xf32>,
        %get3A_443 = vector.shape_cast %get3A_442 : vector<1x1x16xf32> to vector<16xf32>
        %mul3A_444 = arith.mulf %get3A_443, %exp3A : vector<16xf32>
        %swap3A_445 = arith.index_cast %add3A_392 : i32 to index
        %swap3A_446 = arith.constant 32 : index
        %swap3A_447 = tpu.vector_load %arg12[%swap3A_445, %swap3A_446] {strides = array<i32>} : memref<80x144xf32, #tpu.memory_space<vmem>>, vector<1x16xf32>,
        %swap3A_448 = vector.shape_cast %swap3A_447 : vector<1x16xf32> to vector<16xf32>
        %swap3A_449 = vector.shape_cast %mul3A_444 : vector<16xf32> to vector<1x16xf32>
        tpu.vector_store %arg12[%swap3A_445, %swap3A_446], %swap3A_449 {strides = array<i32>} : memref<80x144xf32, #tpu.memory_space<vmem>>, vector<1x16xf32>,
        %get3A_450 = arith.constant 0 : i32
        %get3A_451 = arith.index_cast %get3A_450 : i32 to index
        %get3A_452 = arith.index_cast %add3A_392 : i32 to index
        %get3A_453 = arith.constant 48 : index
        %get3A_454 = tpu.vector_load %arg10[%get3A_451, %get3A_452, %get3A_453] {strides = array<i32>} : memref<2x80x144xf32, #tpu.memory_space<vmem>>, vector<1x1x16xf32>,
        %get3A_455 = vector.shape_cast %get3A_454 : vector<1x1x16xf32> to vector<16xf32>
        %mul3A_456 = arith.mulf %get3A_455, %exp3A : vector<16xf32>
        %swap3A_457 = arith.index_cast %add3A_392 : i32 to index
        %swap3A_458 = arith.constant 48 : index
        %swap3A_459 = tpu.vector_load %arg12[%swap3A_457, %swap3A_458] {strides = array<i32>} : memref<80x144xf32, #tpu.memory_space<vmem>>, vector<1x16xf32>,
        %swap3A_460 = vector.shape_cast %swap3A_459 : vector<1x16xf32> to vector<16xf32>
        %swap3A_461 = vector.shape_cast %mul3A_456 : vector<16xf32> to vector<1x16xf32>
        tpu.vector_store %arg12[%swap3A_457, %swap3A_458], %swap3A_461 {strides = array<i32>} : memref<80x144xf32, #tpu.memory_space<vmem>>, vector<1x16xf32>,
        %get3A_462 = arith.constant 0 : i32
        %get3A_463 = arith.index_cast %get3A_462 : i32 to index
        %get3A_464 = arith.index_cast %add3A_392 : i32 to index
        %get3A_465 = arith.constant 64 : index
        %get3A_466 = tpu.vector_load %arg10[%get3A_463, %get3A_464, %get3A_465] {strides = array<i32>} : memref<2x80x144xf32, #tpu.memory_space<vmem>>, vector<1x1x16xf32>,
        %get3A_467 = vector.shape_cast %get3A_466 : vector<1x1x16xf32> to vector<16xf32>
        %mul3A_468 = arith.mulf %get3A_467, %exp3A : vector<16xf32>
        %swap3A_469 = arith.index_cast %add3A_392 : i32 to index
        %swap3A_470 = arith.constant 64 : index
        %swap3A_471 = tpu.vector_load %arg12[%swap3A_469, %swap3A_470] {strides = array<i32>} : memref<80x144xf32, #tpu.memory_space<vmem>>, vector<1x16xf32>,
        %swap3A_472 = vector.shape_cast %swap3A_471 : vector<1x16xf32> to vector<16xf32>
        %swap3A_473 = vector.shape_cast %mul3A_468 : vector<16xf32> to vector<1x16xf32>
        tpu.vector_store %arg12[%swap3A_469, %swap3A_470], %swap3A_473 {strides = array<i32>} : memref<80x144xf32, #tpu.memory_space<vmem>>, vector<1x16xf32>,
        %get3A_474 = arith.constant 0 : i32
        %get3A_475 = arith.index_cast %get3A_474 : i32 to index
        %get3A_476 = arith.index_cast %add3A_392 : i32 to index
        %get3A_477 = arith.constant 80 : index
        %get3A_478 = tpu.vector_load %arg10[%get3A_475, %get3A_476, %get3A_477] {strides = array<i32>} : memref<2x80x144xf32, #tpu.memory_space<vmem>>, vector<1x1x16xf32>,
        %get3A_479 = vector.shape_cast %get3A_478 : vector<1x1x16xf32> to vector<16xf32>
        %mul3A_480 = arith.mulf %get3A_479, %exp3A : vector<16xf32>
        %swap3A_481 = arith.index_cast %add3A_392 : i32 to index
        %swap3A_482 = arith.constant 80 : index
        %swap3A_483 = tpu.vector_load %arg12[%swap3A_481, %swap3A_482] {strides = array<i32>} : memref<80x144xf32, #tpu.memory_space<vmem>>, vector<1x16xf32>,
        %swap3A_484 = vector.shape_cast %swap3A_483 : vector<1x16xf32> to vector<16xf32>
        %swap3A_485 = vector.shape_cast %mul3A_480 : vector<16xf32> to vector<1x16xf32>
        tpu.vector_store %arg12[%swap3A_481, %swap3A_482], %swap3A_485 {strides = array<i32>} : memref<80x144xf32, #tpu.memory_space<vmem>>, vector<1x16xf32>,
        %get3A_486 = arith.constant 0 : i32
        %get3A_487 = arith.index_cast %get3A_486 : i32 to index
        %get3A_488 = arith.index_cast %add3A_392 : i32 to index
        %get3A_489 = arith.constant 96 : index
        %get3A_490 = tpu.vector_load %arg10[%get3A_487, %get3A_488, %get3A_489] {strides = array<i32>} : memref<2x80x144xf32, #tpu.memory_space<vmem>>, vector<1x1x16xf32>,
        %get3A_491 = vector.shape_cast %get3A_490 : vector<1x1x16xf32> to vector<16xf32>
        %mul3A_492 = arith.mulf %get3A_491, %exp3A : vector<16xf32>
        %swap3A_493 = arith.index_cast %add3A_392 : i32 to index
        %swap3A_494 = arith.constant 96 : index
        %swap3A_495 = tpu.vector_load %arg12[%swap3A_493, %swap3A_494] {strides = array<i32>} : memref<80x144xf32, #tpu.memory_space<vmem>>, vector<1x16xf32>,
        %swap3A_496 = vector.shape_cast %swap3A_495 : vector<1x16xf32> to vector<16xf32>
        %swap3A_497 = vector.shape_cast %mul3A_492 : vector<16xf32> to vector<1x16xf32>
        tpu.vector_store %arg12[%swap3A_493, %swap3A_494], %swap3A_497 {strides = array<i32>} : memref<80x144xf32, #tpu.memory_space<vmem>>, vector<1x16xf32>,
        %get3A_498 = arith.constant 0 : i32
        %get3A_499 = arith.index_cast %get3A_498 : i32 to index
        %get3A_500 = arith.index_cast %add3A_392 : i32 to index
        %get3A_501 = arith.constant 112 : index
        %get3A_502 = tpu.vector_load %arg10[%get3A_499, %get3A_500, %get3A_501] {strides = array<i32>} : memref<2x80x144xf32, #tpu.memory_space<vmem>>, vector<1x1x16xf32>,
        %get3A_503 = vector.shape_cast %get3A_502 : vector<1x1x16xf32> to vector<16xf32>
        %mul3A_504 = arith.mulf %get3A_503, %exp3A : vector<16xf32>
        %swap3A_505 = arith.index_cast %add3A_392 : i32 to index
        %swap3A_506 = arith.constant 112 : index
        %swap3A_507 = tpu.vector_load %arg12[%swap3A_505, %swap3A_506] {strides = array<i32>} : memref<80x144xf32, #tpu.memory_space<vmem>>, vector<1x16xf32>,
        %swap3A_508 = vector.shape_cast %swap3A_507 : vector<1x16xf32> to vector<16xf32>
        %swap3A_509 = vector.shape_cast %mul3A_504 : vector<16xf32> to vector<1x16xf32>
        tpu.vector_store %arg12[%swap3A_505, %swap3A_506], %swap3A_509 {strides = array<i32>} : memref<80x144xf32, #tpu.memory_space<vmem>>, vector<1x16xf32>,
      }
      %scan3A_260 = arith.constant 80 : i32
      %run_scoped3A_261 = arith.constant 0 : i32
      %run_scoped3A_262 = arith.constant 0 : i32
      "tpu.region"() ({
        %run_scoped3A_388 = tpu.sem_alloc : memref<!tpu.dma_semaphore, #tpu.memory_space<semaphore_mem>>
        %dma_start3A_389 = arith.constant 0 : i32
        %dma_start3A_390 = arith.constant 0 : i32
        %dma_start3A_391 = tpu.memref_slice %arg9[%run_scoped3A_261, %dma_start3A_389, %dma_start3A_390] : memref<2x1x80xi32, #tpu.memory_space<vmem>> -> memref<1x1x80xi32, #tpu.memory_space<vmem>>
        %dma_start3A_392 = tpu.memref_squeeze %dma_start3A_391 : memref<1x1x80xi32, #tpu.memory_space<vmem>> -> memref<1x80xi32, #tpu.memory_space<vmem>>
        %dma_start3A_393 = arith.constant 0 : i32
        %dma_start3A_394 = tpu.memref_slice %dma_start3A_392[%run_scoped3A_262, %dma_start3A_393] : memref<1x80xi32, #tpu.memory_space<vmem>> -> memref<1x80xi32, #tpu.memory_space<vmem>>
        %dma_start3A_395 = tpu.memref_squeeze %dma_start3A_394 : memref<1x80xi32, #tpu.memory_space<vmem>> -> memref<80xi32, #tpu.memory_space<vmem>>
        %dma_start3A_396 = arith.constant 0 : i32
        %dma_start3A_397 = arith.constant 0 : i32
        %dma_start3A_398 = tpu.memref_slice %arg13[%dma_start3A_396, %dma_start3A_397] : memref<10112x144xf32, #tpu.memory_space<vmem_shared>> -> memref<10112x144xf32, #tpu.memory_space<vmem_shared>>
        tpu.enqueue_indirect_dma source(%arg12 : memref<80x144xf32, #tpu.memory_space<vmem>>) target(%dma_start3A_398 : memref<10112x144xf32, #tpu.memory_space<vmem_shared>>) offsets(%dma_start3A_395 : memref<80xi32, #tpu.memory_space<vmem>>) semaphore(%run_scoped3A_388 : memref<!tpu.dma_semaphore, #tpu.memory_space<semaphore_mem>>) {add = true}
        %dma_wait3A_399 = arith.constant 0 : i32
        %dma_wait3A_400 = arith.constant 0 : i32
        %dma_wait3A_401 = tpu.memref_slice %arg9[%run_scoped3A_261, %dma_wait3A_399, %dma_wait3A_400] : memref<2x1x80xi32, #tpu.memory_space<vmem>> -> memref<1x1x80xi32, #tpu.memory_space<vmem>>
        %dma_wait3A_402 = tpu.memref_squeeze %dma_wait3A_401 : memref<1x1x80xi32, #tpu.memory_space<vmem>> -> memref<1x80xi32, #tpu.memory_space<vmem>>
        %dma_wait3A_403 = arith.constant 0 : i32
        %dma_wait3A_404 = tpu.memref_slice %dma_wait3A_402[%run_scoped3A_262, %dma_wait3A_403] : memref<1x80xi32, #tpu.memory_space<vmem>> -> memref<1x80xi32, #tpu.memory_space<vmem>>
        %dma_wait3A_405 = tpu.memref_squeeze %dma_wait3A_404 : memref<1x80xi32, #tpu.memory_space<vmem>> -> memref<80xi32, #tpu.memory_space<vmem>>
        %dma_wait3A_406 = arith.constant 0 : i32
        %dma_wait3A_407 = arith.constant 0 : i32
        %dma_wait3A_408 = tpu.memref_slice %arg13[%dma_wait3A_406, %dma_wait3A_407] : memref<10112x144xf32, #tpu.memory_space<vmem_shared>> -> memref<10112x144xf32, #tpu.memory_space<vmem_shared>>
        tpu.wait_indirect_dma semaphore(%run_scoped3A_388 : memref<!tpu.dma_semaphore, #tpu.memory_space<semaphore_mem>>) src(%arg12 : memref<80x144xf32, #tpu.memory_space<vmem>>) dst(%dma_wait3A_408 : memref<10112x144xf32, #tpu.memory_space<vmem_shared>>)
        tpu.yield
      }) : () -> ()
      %add3A_263 = arith.constant 1 : i32
      %add3A_264 = arith.addi %add3A_137, %add3A_263 : i32
      %add3A_265 = arith.addi %mul3A_6, %add3A_264 : i32
      %add3A_266 = arith.constant 1 : i32
      %add3A_267 = arith.addi %add3A_265, %add3A_266 : i32
      %dma_start3A_268 = arith.constant 0 : i32
      %dma_start3A_269 = arith.constant 0 : i32
      %dma_start3A_270 = tpu.memref_slice %arg8[%dma_start3A_268, %dma_start3A_269] : memref<2x80xi32, #tpu.memory_space<vmem>> -> memref<1x80xi32, #tpu.memory_space<vmem>>
      %dma_start3A_271 = tpu.memref_squeeze %dma_start3A_270 : memref<1x80xi32, #tpu.memory_space<vmem>> -> memref<80xi32, #tpu.memory_space<vmem>>
      %dma_start3A_272 = arith.constant 0 : i32
      %dma_start3A_273 = tpu.memref_slice %arg4[%add3A_267, %dma_start3A_272] : memref<4000x80xi32, #tpu.memory_space<hbm>> -> memref<1x80xi32, #tpu.memory_space<hbm>>
      %dma_start3A_274 = tpu.memref_squeeze %dma_start3A_273 : memref<1x80xi32, #tpu.memory_space<hbm>> -> memref<80xi32, #tpu.memory_space<hbm>>
      %dma_start3A_275 = arith.constant 0 : i32
      %dma_start3A_276 = tpu.memref_slice %arg8[%dma_start3A_268, %dma_start3A_275] : memref<2x80xi32, #tpu.memory_space<vmem>> -> memref<1x80xi32, #tpu.memory_space<vmem>>
      %dma_start3A_277 = tpu.memref_squeeze %dma_start3A_276 : memref<1x80xi32, #tpu.memory_space<vmem>> -> memref<80xi32, #tpu.memory_space<vmem>>
      %dma_start3A_278 = arith.constant 0 : i32
      %dma_start3A_279 = tpu.memref_slice %arg4[%add3A_267, %dma_start3A_278] : memref<4000x80xi32, #tpu.memory_space<hbm>> -> memref<1x80xi32, #tpu.memory_space<hbm>>
      %dma_start3A_280 = tpu.memref_squeeze %dma_start3A_279 : memref<1x80xi32, #tpu.memory_space<hbm>> -> memref<80xi32, #tpu.memory_space<hbm>>
      tpu.enqueue_dma source(%dma_start3A_280 : memref<80xi32, #tpu.memory_space<hbm>>) target(%dma_start3A_277 : memref<80xi32, #tpu.memory_space<vmem>>) target_semaphore(%arg14 : memref<!tpu.dma_semaphore, #tpu.memory_space<semaphore_mem>>)
      %dma_start3A_281 = arith.constant 0 : i32
      %dma_start3A_282 = arith.constant 0 : i32
      %dma_start3A_283 = arith.constant 0 : i32
      %dma_start3A_284 = tpu.memref_slice %arg9[%dma_start3A_281, %dma_start3A_282, %dma_start3A_283] : memref<2x1x80xi32, #tpu.memory_space<vmem>> -> memref<1x1x80xi32, #tpu.memory_space<vmem>>
      %dma_start3A_285 = tpu.memref_squeeze %dma_start3A_284 : memref<1x1x80xi32, #tpu.memory_space<vmem>> -> memref<1x80xi32, #tpu.memory_space<vmem>>
      %dma_start3A_286 = arith.constant 0 : i32
      %dma_start3A_287 = tpu.memref_slice %arg5[%add3A_267, %dma_start3A_286] : memref<4000x80xi32, #tpu.memory_space<hbm>> -> memref<1x80xi32, #tpu.memory_space<hbm>>
      %dma_start3A_288 = arith.constant 0 : i32
      %dma_start3A_289 = arith.constant 0 : i32
      %dma_start3A_290 = tpu.memref_slice %arg9[%dma_start3A_281, %dma_start3A_288, %dma_start3A_289] : memref<2x1x80xi32, #tpu.memory_space<vmem>> -> memref<1x1x80xi32, #tpu.memory_space<vmem>>
      %dma_start3A_291 = tpu.memref_squeeze %dma_start3A_290 : memref<1x1x80xi32, #tpu.memory_space<vmem>> -> memref<1x80xi32, #tpu.memory_space<vmem>>
      %dma_start3A_292 = arith.constant 0 : i32
      %dma_start3A_293 = tpu.memref_slice %arg5[%add3A_267, %dma_start3A_292] : memref<4000x80xi32, #tpu.memory_space<hbm>> -> memref<1x80xi32, #tpu.memory_space<hbm>>
      tpu.enqueue_dma source(%dma_start3A_293 : memref<1x80xi32, #tpu.memory_space<hbm>>) target(%dma_start3A_291 : memref<1x80xi32, #tpu.memory_space<vmem>>) target_semaphore(%arg14 : memref<!tpu.dma_semaphore, #tpu.memory_space<semaphore_mem>>)
      %dma_wait3A_294 = arith.constant 0 : i32
      %dma_wait3A_295 = arith.constant 0 : i32
      %dma_wait3A_296 = arith.constant 0 : i32
      %dma_wait3A_297 = tpu.memref_slice %arg8[%dma_wait3A_295, %dma_wait3A_296] : memref<2x80xi32, #tpu.memory_space<vmem>> -> memref<1x80xi32, #tpu.memory_space<vmem>>
      %dma_wait3A_298 = tpu.memref_squeeze %dma_wait3A_297 : memref<1x80xi32, #tpu.memory_space<vmem>> -> memref<80xi32, #tpu.memory_space<vmem>>
      %dma_wait3A_299 = arith.constant 0 : i32
      %dma_wait3A_300 = tpu.memref_slice %arg4[%dma_wait3A_294, %dma_wait3A_299] : memref<4000x80xi32, #tpu.memory_space<hbm>> -> memref<1x80xi32, #tpu.memory_space<hbm>>
      %dma_wait3A_301 = tpu.memref_squeeze %dma_wait3A_300 : memref<1x80xi32, #tpu.memory_space<hbm>> -> memref<80xi32, #tpu.memory_space<hbm>>
      %dma_wait3A_302 = arith.constant 0 : i32
      %dma_wait3A_303 = tpu.memref_slice %arg8[%dma_wait3A_295, %dma_wait3A_302] : memref<2x80xi32, #tpu.memory_space<vmem>> -> memref<1x80xi32, #tpu.memory_space<vmem>>
      %dma_wait3A_304 = tpu.memref_squeeze %dma_wait3A_303 : memref<1x80xi32, #tpu.memory_space<vmem>> -> memref<80xi32, #tpu.memory_space<vmem>>
      %dma_wait3A_305 = arith.constant 0 : i32
      %dma_wait3A_306 = tpu.memref_slice %arg4[%dma_wait3A_294, %dma_wait3A_305] : memref<4000x80xi32, #tpu.memory_space<hbm>> -> memref<1x80xi32, #tpu.memory_space<hbm>>
      %dma_wait3A_307 = tpu.memref_squeeze %dma_wait3A_306 : memref<1x80xi32, #tpu.memory_space<hbm>> -> memref<80xi32, #tpu.memory_space<hbm>>
      tpu.wait_dma2 semaphore(%arg14 : memref<!tpu.dma_semaphore, #tpu.memory_space<semaphore_mem>>) src(%dma_wait3A_307 : memref<80xi32, #tpu.memory_space<hbm>>) dst(%dma_wait3A_304 : memref<80xi32, #tpu.memory_space<vmem>>)
      %dma_wait3A_308 = arith.constant 0 : i32
      %dma_wait3A_309 = arith.constant 0 : i32
      %dma_wait3A_310 = arith.constant 0 : i32
      %dma_wait3A_311 = tpu.memref_slice %arg9[%dma_wait3A_308, %dma_wait3A_309, %dma_wait3A_310] : memref<2x1x80xi32, #tpu.memory_space<vmem>> -> memref<1x1x80xi32, #tpu.memory_space<vmem>>
      %dma_wait3A_312 = tpu.memref_squeeze %dma_wait3A_311 : memref<1x1x80xi32, #tpu.memory_space<vmem>> -> memref<1x80xi32, #tpu.memory_space<vmem>>
      %dma_wait3A_313 = arith.constant 0 : i32
      %dma_wait3A_314 = arith.constant 0 : i32
      %dma_wait3A_315 = tpu.memref_slice %arg5[%dma_wait3A_313, %dma_wait3A_314] : memref<4000x80xi32, #tpu.memory_space<hbm>> -> memref<1x80xi32, #tpu.memory_space<hbm>>
      %dma_wait3A_316 = arith.constant 0 : i32
      %dma_wait3A_317 = arith.constant 0 : i32
      %dma_wait3A_318 = tpu.memref_slice %arg9[%dma_wait3A_308, %dma_wait3A_316, %dma_wait3A_317] : memref<2x1x80xi32, #tpu.memory_space<vmem>> -> memref<1x1x80xi32, #tpu.memory_space<vmem>>
      %dma_wait3A_319 = tpu.memref_squeeze %dma_wait3A_318 : memref<1x1x80xi32, #tpu.memory_space<vmem>> -> memref<1x80xi32, #tpu.memory_space<vmem>>
      %dma_wait3A_320 = arith.constant 0 : i32
      %dma_wait3A_321 = arith.constant 0 : i32
      %dma_wait3A_322 = tpu.memref_slice %arg5[%dma_wait3A_320, %dma_wait3A_321] : memref<4000x80xi32, #tpu.memory_space<hbm>> -> memref<1x80xi32, #tpu.memory_space<hbm>>
      tpu.wait_dma2 semaphore(%arg14 : memref<!tpu.dma_semaphore, #tpu.memory_space<semaphore_mem>>) src(%dma_wait3A_322 : memref<1x80xi32, #tpu.memory_space<hbm>>) dst(%dma_wait3A_319 : memref<1x80xi32, #tpu.memory_space<vmem>>)
      %dma_start3A_323 = arith.constant 0 : i32
      %dma_start3A_324 = arith.constant 0 : i32
      %dma_start3A_325 = arith.constant 0 : i32
      %dma_start3A_326 = arith.constant 0 : i32
      %dma_start3A_327 = tpu.memref_slice %arg10[%dma_start3A_324, %dma_start3A_325, %dma_start3A_326] : memref<2x80x144xf32, #tpu.memory_space<vmem>> -> memref<1x80x144xf32, #tpu.memory_space<vmem>>
      %dma_start3A_328 = tpu.memref_squeeze %dma_start3A_327 : memref<1x80x144xf32, #tpu.memory_space<vmem>> -> memref<80x144xf32, #tpu.memory_space<vmem>>
      %dma_start3A_329 = arith.constant 0 : i32
      %dma_start3A_330 = tpu.memref_slice %arg8[%dma_start3A_323, %dma_start3A_329] : memref<2x80xi32, #tpu.memory_space<vmem>> -> memref<1x80xi32, #tpu.memory_space<vmem>>
      %dma_start3A_331 = tpu.memref_squeeze %dma_start3A_330 : memref<1x80xi32, #tpu.memory_space<vmem>> -> memref<80xi32, #tpu.memory_space<vmem>>
      %dma_start3A_332 = arith.constant 0 : i32
      %dma_start3A_333 = arith.constant 0 : i32
      %dma_start3A_334 = tpu.memref_slice %arg2[%dma_start3A_332, %dma_start3A_333] : memref<10000x144xf32, #tpu.memory_space<hbm>> -> memref<10000x144xf32, #tpu.memory_space<hbm>>
      tpu.enqueue_indirect_dma source(%dma_start3A_334 : memref<10000x144xf32, #tpu.memory_space<hbm>>) target(%dma_start3A_328 : memref<80x144xf32, #tpu.memory_space<vmem>>) offsets(%dma_start3A_331 : memref<80xi32, #tpu.memory_space<vmem>>) semaphore(%arg16 : memref<!tpu.dma_semaphore, #tpu.memory_space<semaphore_mem>>)
      %dma_start3A_335 = arith.constant 0 : i32
      %dma_start3A_336 = arith.constant 0 : i32
      %dma_start3A_337 = arith.constant 0 : i32
      %dma_start3A_338 = arith.constant 0 : i32
      %dma_start3A_339 = arith.constant 0 : i32
      %dma_start3A_340 = tpu.memref_slice %arg11[%dma_start3A_337, %dma_start3A_338, %dma_start3A_339] : memref<2x80x16xf32, #tpu.memory_space<vmem>> -> memref<1x80x16xf32, #tpu.memory_space<vmem>>
      %dma_start3A_341 = tpu.memref_squeeze %dma_start3A_340 : memref<1x80x16xf32, #tpu.memory_space<vmem>> -> memref<80x16xf32, #tpu.memory_space<vmem>>
      %dma_start3A_342 = arith.constant 0 : i32
      %dma_start3A_343 = arith.constant 0 : i32
      %dma_start3A_344 = tpu.memref_slice %arg9[%dma_start3A_335, %dma_start3A_342, %dma_start3A_343] : memref<2x1x80xi32, #tpu.memory_space<vmem>> -> memref<1x1x80xi32, #tpu.memory_space<vmem>>
      %dma_start3A_345 = tpu.memref_squeeze %dma_start3A_344 : memref<1x1x80xi32, #tpu.memory_space<vmem>> -> memref<1x80xi32, #tpu.memory_space<vmem>>
      %dma_start3A_346 = arith.constant 0 : i32
      %dma_start3A_347 = tpu.memref_slice %dma_start3A_345[%dma_start3A_336, %dma_start3A_346] : memref<1x80xi32, #tpu.memory_space<vmem>> -> memref<1x80xi32, #tpu.memory_space<vmem>>
      %dma_start3A_348 = tpu.memref_squeeze %dma_start3A_347 : memref<1x80xi32, #tpu.memory_space<vmem>> -> memref<80xi32, #tpu.memory_space<vmem>>
      %dma_start3A_349 = arith.constant 0 : i32
      %dma_start3A_350 = arith.constant 0 : i32
      %dma_start3A_351 = tpu.memref_slice %arg3[%dma_start3A_349, %dma_start3A_350] : memref<10000x16xf32, #tpu.memory_space<hbm>> -> memref<10000x16xf32, #tpu.memory_space<hbm>>
      tpu.enqueue_indirect_dma source(%dma_start3A_351 : memref<10000x16xf32, #tpu.memory_space<hbm>>) target(%dma_start3A_341 : memref<80x16xf32, #tpu.memory_space<vmem>>) offsets(%dma_start3A_348 : memref<80xi32, #tpu.memory_space<vmem>>) semaphore(%arg16 : memref<!tpu.dma_semaphore, #tpu.memory_space<semaphore_mem>>)
      %dma_wait3A_352 = arith.constant 1 : i32
      %dma_wait3A_353 = arith.constant 1 : i32
      %dma_wait3A_354 = arith.constant 0 : i32
      %dma_wait3A_355 = arith.constant 0 : i32
      %dma_wait3A_356 = tpu.memref_slice %arg10[%dma_wait3A_353, %dma_wait3A_354, %dma_wait3A_355] : memref<2x80x144xf32, #tpu.memory_space<vmem>> -> memref<1x80x144xf32, #tpu.memory_space<vmem>>
      %dma_wait3A_357 = tpu.memref_squeeze %dma_wait3A_356 : memref<1x80x144xf32, #tpu.memory_space<vmem>> -> memref<80x144xf32, #tpu.memory_space<vmem>>
      %dma_wait3A_358 = arith.constant 0 : i32
      %dma_wait3A_359 = tpu.memref_slice %arg8[%dma_wait3A_352, %dma_wait3A_358] : memref<2x80xi32, #tpu.memory_space<vmem>> -> memref<1x80xi32, #tpu.memory_space<vmem>>
      %dma_wait3A_360 = tpu.memref_squeeze %dma_wait3A_359 : memref<1x80xi32, #tpu.memory_space<vmem>> -> memref<80xi32, #tpu.memory_space<vmem>>
      %dma_wait3A_361 = arith.constant 0 : i32
      %dma_wait3A_362 = arith.constant 0 : i32
      %dma_wait3A_363 = tpu.memref_slice %arg2[%dma_wait3A_361, %dma_wait3A_362] : memref<10000x144xf32, #tpu.memory_space<hbm>> -> memref<10000x144xf32, #tpu.memory_space<hbm>>
      tpu.wait_indirect_dma semaphore(%arg17 : memref<!tpu.dma_semaphore, #tpu.memory_space<semaphore_mem>>) src(%dma_wait3A_363 : memref<10000x144xf32, #tpu.memory_space<hbm>>) dst(%dma_wait3A_357 : memref<80x144xf32, #tpu.memory_space<vmem>>)
      %dma_wait3A_364 = arith.constant 1 : i32
      %dma_wait3A_365 = arith.constant 0 : i32
      %dma_wait3A_366 = arith.constant 1 : i32
      %dma_wait3A_367 = arith.constant 0 : i32
      %dma_wait3A_368 = arith.constant 0 : i32
      %dma_wait3A_369 = tpu.memref_slice %arg11[%dma_wait3A_366, %dma_wait3A_367, %dma_wait3A_368] : memref<2x80x16xf32, #tpu.memory_space<vmem>> -> memref<1x80x16xf32, #tpu.memory_space<vmem>>
      %dma_wait3A_370 = tpu.memref_squeeze %dma_wait3A_369 : memref<1x80x16xf32, #tpu.memory_space<vmem>> -> memref<80x16xf32, #tpu.memory_space<vmem>>
      %dma_wait3A_371 = arith.constant 0 : i32
      %dma_wait3A_372 = arith.constant 0 : i32
      %dma_wait3A_373 = tpu.memref_slice %arg9[%dma_wait3A_364, %dma_wait3A_371, %dma_wait3A_372] : memref<2x1x80xi32, #tpu.memory_space<vmem>> -> memref<1x1x80xi32, #tpu.memory_space<vmem>>
      %dma_wait3A_374 = tpu.memref_squeeze %dma_wait3A_373 : memref<1x1x80xi32, #tpu.memory_space<vmem>> -> memref<1x80xi32, #tpu.memory_space<vmem>>
      %dma_wait3A_375 = arith.constant 0 : i32
      %dma_wait3A_376 = tpu.memref_slice %dma_wait3A_374[%dma_wait3A_365, %dma_wait3A_375] : memref<1x80xi32, #tpu.memory_space<vmem>> -> memref<1x80xi32, #tpu.memory_space<vmem>>
      %dma_wait3A_377 = tpu.memref_squeeze %dma_wait3A_376 : memref<1x80xi32, #tpu.memory_space<vmem>> -> memref<80xi32, #tpu.memory_space<vmem>>
      %dma_wait3A_378 = arith.constant 0 : i32
      %dma_wait3A_379 = arith.constant 0 : i32
      %dma_wait3A_380 = tpu.memref_slice %arg3[%dma_wait3A_378, %dma_wait3A_379] : memref<10000x16xf32, #tpu.memory_space<hbm>> -> memref<10000x16xf32, #tpu.memory_space<hbm>>
      tpu.wait_indirect_dma semaphore(%arg17 : memref<!tpu.dma_semaphore, #tpu.memory_space<semaphore_mem>>) src(%dma_wait3A_380 : memref<10000x16xf32, #tpu.memory_space<hbm>>) dst(%dma_wait3A_370 : memref<80x16xf32, #tpu.memory_space<vmem>>)
      %scan3A_381 = arith.constant 0 : i32
      %scan3A_382 = arith.constant 80 : i32
      %scan3A_383 = arith.addi %scan3A_381, %scan3A_382 : i32
      %scan3A_384 = arith.constant 1 : i32
      scf.for %scan3A_388 = %scan3A_381 to %scan3A_383 step %scan3A_384  : i32 {
        %mul3A_389 = arith.constant 1 : i32
        %mul3A_390 = arith.muli %scan3A_388, %mul3A_389 : i32
        %add3A_391 = arith.constant 0 : i32
        %add3A_392 = arith.addi %add3A_391, %mul3A_390 : i32
        %get3A = arith.constant 1 : i32
        %get3A_393 = arith.index_cast %get3A : i32 to index
        %get3A_394 = arith.index_cast %add3A_392 : i32 to index
        %get3A_395 = arith.constant 128 : index
        %get3A_396 = tpu.vector_load %arg10[%get3A_393, %get3A_394, %get3A_395] {strides = array<i32>} : memref<2x80x144xf32, #tpu.memory_space<vmem>>, vector<1x1x16xf32>,
        %get3A_397 = vector.shape_cast %get3A_396 : vector<1x1x16xf32> to vector<16xf32>
        %get3A_398 = arith.constant 1 : i32
        %get3A_399 = arith.index_cast %get3A_398 : i32 to index
        %get3A_400 = arith.index_cast %add3A_392 : i32 to index
        %get3A_401 = arith.constant 0 : index
        %get3A_402 = tpu.vector_load %arg11[%get3A_399, %get3A_400, %get3A_401] {strides = array<i32>} : memref<2x80x16xf32, #tpu.memory_space<vmem>>, vector<1x1x16xf32>,
        %get3A_403 = vector.shape_cast %get3A_402 : vector<1x1x16xf32> to vector<16xf32>
        %add3A_404 = arith.addf %get3A_397, %get3A_403 : vector<16xf32>
        %gt3A = arith.constant 0.000000e+00 : f32
        %gt3A_405 = vector.broadcast %gt3A : f32 to vector<16xf32>
        %gt3A_406 = arith.cmpf ogt, %add3A_404, %gt3A_405 : vector<16xf32>
        %mul3A_407 = arith.constant 2.000000e-01 : f32
        %mul3A_408 = vector.broadcast %mul3A_407 : f32 to vector<16xf32>
        %mul3A_409 = arith.mulf %mul3A_408, %add3A_404 : vector<16xf32>
        %select_n3A = arith.select %gt3A_406, %add3A_404, %mul3A_409 : vector<16xi1>, vector<16xf32>
        %exp3A = math.exp %select_n3A : vector<16xf32>
        %swap3A = arith.index_cast %add3A_392 : i32 to index
        %swap3A_410 = arith.constant 128 : index
        %swap3A_411 = tpu.vector_load %arg12[%swap3A, %swap3A_410] {strides = array<i32>} : memref<80x144xf32, #tpu.memory_space<vmem>>, vector<1x16xf32>,
        %swap3A_412 = vector.shape_cast %swap3A_411 : vector<1x16xf32> to vector<16xf32>
        %swap3A_413 = vector.shape_cast %exp3A : vector<16xf32> to vector<1x16xf32>
        tpu.vector_store %arg12[%swap3A, %swap3A_410], %swap3A_413 {strides = array<i32>} : memref<80x144xf32, #tpu.memory_space<vmem>>, vector<1x16xf32>,
        %get3A_414 = arith.constant 1 : i32
        %get3A_415 = arith.index_cast %get3A_414 : i32 to index
        %get3A_416 = arith.index_cast %add3A_392 : i32 to index
        %get3A_417 = arith.constant 0 : index
        %get3A_418 = tpu.vector_load %arg10[%get3A_415, %get3A_416, %get3A_417] {strides = array<i32>} : memref<2x80x144xf32, #tpu.memory_space<vmem>>, vector<1x1x16xf32>,
        %get3A_419 = vector.shape_cast %get3A_418 : vector<1x1x16xf32> to vector<16xf32>
        %mul3A_420 = arith.mulf %get3A_419, %exp3A : vector<16xf32>
        %swap3A_421 = arith.index_cast %add3A_392 : i32 to index
        %swap3A_422 = arith.constant 0 : index
        %swap3A_423 = tpu.vector_load %arg12[%swap3A_421, %swap3A_422] {strides = array<i32>} : memref<80x144xf32, #tpu.memory_space<vmem>>, vector<1x16xf32>,
        %swap3A_424 = vector.shape_cast %swap3A_423 : vector<1x16xf32> to vector<16xf32>
        %swap3A_425 = vector.shape_cast %mul3A_420 : vector<16xf32> to vector<1x16xf32>
        tpu.vector_store %arg12[%swap3A_421, %swap3A_422], %swap3A_425 {strides = array<i32>} : memref<80x144xf32, #tpu.memory_space<vmem>>, vector<1x16xf32>,
        %get3A_426 = arith.constant 1 : i32
        %get3A_427 = arith.index_cast %get3A_426 : i32 to index
        %get3A_428 = arith.index_cast %add3A_392 : i32 to index
        %get3A_429 = arith.constant 16 : index
        %get3A_430 = tpu.vector_load %arg10[%get3A_427, %get3A_428, %get3A_429] {strides = array<i32>} : memref<2x80x144xf32, #tpu.memory_space<vmem>>, vector<1x1x16xf32>,
        %get3A_431 = vector.shape_cast %get3A_430 : vector<1x1x16xf32> to vector<16xf32>
        %mul3A_432 = arith.mulf %get3A_431, %exp3A : vector<16xf32>
        %swap3A_433 = arith.index_cast %add3A_392 : i32 to index
        %swap3A_434 = arith.constant 16 : index
        %swap3A_435 = tpu.vector_load %arg12[%swap3A_433, %swap3A_434] {strides = array<i32>} : memref<80x144xf32, #tpu.memory_space<vmem>>, vector<1x16xf32>,
        %swap3A_436 = vector.shape_cast %swap3A_435 : vector<1x16xf32> to vector<16xf32>
        %swap3A_437 = vector.shape_cast %mul3A_432 : vector<16xf32> to vector<1x16xf32>
        tpu.vector_store %arg12[%swap3A_433, %swap3A_434], %swap3A_437 {strides = array<i32>} : memref<80x144xf32, #tpu.memory_space<vmem>>, vector<1x16xf32>,
        %get3A_438 = arith.constant 1 : i32
        %get3A_439 = arith.index_cast %get3A_438 : i32 to index
        %get3A_440 = arith.index_cast %add3A_392 : i32 to index
        %get3A_441 = arith.constant 32 : index
        %get3A_442 = tpu.vector_load %arg10[%get3A_439, %get3A_440, %get3A_441] {strides = array<i32>} : memref<2x80x144xf32, #tpu.memory_space<vmem>>, vector<1x1x16xf32>,
        %get3A_443 = vector.shape_cast %get3A_442 : vector<1x1x16xf32> to vector<16xf32>
        %mul3A_444 = arith.mulf %get3A_443, %exp3A : vector<16xf32>
        %swap3A_445 = arith.index_cast %add3A_392 : i32 to index
        %swap3A_446 = arith.constant 32 : index
        %swap3A_447 = tpu.vector_load %arg12[%swap3A_445, %swap3A_446] {strides = array<i32>} : memref<80x144xf32, #tpu.memory_space<vmem>>, vector<1x16xf32>,
        %swap3A_448 = vector.shape_cast %swap3A_447 : vector<1x16xf32> to vector<16xf32>
        %swap3A_449 = vector.shape_cast %mul3A_444 : vector<16xf32> to vector<1x16xf32>
        tpu.vector_store %arg12[%swap3A_445, %swap3A_446], %swap3A_449 {strides = array<i32>} : memref<80x144xf32, #tpu.memory_space<vmem>>, vector<1x16xf32>,
        %get3A_450 = arith.constant 1 : i32
        %get3A_451 = arith.index_cast %get3A_450 : i32 to index
        %get3A_452 = arith.index_cast %add3A_392 : i32 to index
        %get3A_453 = arith.constant 48 : index
        %get3A_454 = tpu.vector_load %arg10[%get3A_451, %get3A_452, %get3A_453] {strides = array<i32>} : memref<2x80x144xf32, #tpu.memory_space<vmem>>, vector<1x1x16xf32>,
        %get3A_455 = vector.shape_cast %get3A_454 : vector<1x1x16xf32> to vector<16xf32>
        %mul3A_456 = arith.mulf %get3A_455, %exp3A : vector<16xf32>
        %swap3A_457 = arith.index_cast %add3A_392 : i32 to index
        %swap3A_458 = arith.constant 48 : index
        %swap3A_459 = tpu.vector_load %arg12[%swap3A_457, %swap3A_458] {strides = array<i32>} : memref<80x144xf32, #tpu.memory_space<vmem>>, vector<1x16xf32>,
        %swap3A_460 = vector.shape_cast %swap3A_459 : vector<1x16xf32> to vector<16xf32>
        %swap3A_461 = vector.shape_cast %mul3A_456 : vector<16xf32> to vector<1x16xf32>
        tpu.vector_store %arg12[%swap3A_457, %swap3A_458], %swap3A_461 {strides = array<i32>} : memref<80x144xf32, #tpu.memory_space<vmem>>, vector<1x16xf32>,
        %get3A_462 = arith.constant 1 : i32
        %get3A_463 = arith.index_cast %get3A_462 : i32 to index
        %get3A_464 = arith.index_cast %add3A_392 : i32 to index
        %get3A_465 = arith.constant 64 : index
        %get3A_466 = tpu.vector_load %arg10[%get3A_463, %get3A_464, %get3A_465] {strides = array<i32>} : memref<2x80x144xf32, #tpu.memory_space<vmem>>, vector<1x1x16xf32>,
        %get3A_467 = vector.shape_cast %get3A_466 : vector<1x1x16xf32> to vector<16xf32>
        %mul3A_468 = arith.mulf %get3A_467, %exp3A : vector<16xf32>
        %swap3A_469 = arith.index_cast %add3A_392 : i32 to index
        %swap3A_470 = arith.constant 64 : index
        %swap3A_471 = tpu.vector_load %arg12[%swap3A_469, %swap3A_470] {strides = array<i32>} : memref<80x144xf32, #tpu.memory_space<vmem>>, vector<1x16xf32>,
        %swap3A_472 = vector.shape_cast %swap3A_471 : vector<1x16xf32> to vector<16xf32>
        %swap3A_473 = vector.shape_cast %mul3A_468 : vector<16xf32> to vector<1x16xf32>
        tpu.vector_store %arg12[%swap3A_469, %swap3A_470], %swap3A_473 {strides = array<i32>} : memref<80x144xf32, #tpu.memory_space<vmem>>, vector<1x16xf32>,
        %get3A_474 = arith.constant 1 : i32
        %get3A_475 = arith.index_cast %get3A_474 : i32 to index
        %get3A_476 = arith.index_cast %add3A_392 : i32 to index
        %get3A_477 = arith.constant 80 : index
        %get3A_478 = tpu.vector_load %arg10[%get3A_475, %get3A_476, %get3A_477] {strides = array<i32>} : memref<2x80x144xf32, #tpu.memory_space<vmem>>, vector<1x1x16xf32>,
        %get3A_479 = vector.shape_cast %get3A_478 : vector<1x1x16xf32> to vector<16xf32>
        %mul3A_480 = arith.mulf %get3A_479, %exp3A : vector<16xf32>
        %swap3A_481 = arith.index_cast %add3A_392 : i32 to index
        %swap3A_482 = arith.constant 80 : index
        %swap3A_483 = tpu.vector_load %arg12[%swap3A_481, %swap3A_482] {strides = array<i32>} : memref<80x144xf32, #tpu.memory_space<vmem>>, vector<1x16xf32>,
        %swap3A_484 = vector.shape_cast %swap3A_483 : vector<1x16xf32> to vector<16xf32>
        %swap3A_485 = vector.shape_cast %mul3A_480 : vector<16xf32> to vector<1x16xf32>
        tpu.vector_store %arg12[%swap3A_481, %swap3A_482], %swap3A_485 {strides = array<i32>} : memref<80x144xf32, #tpu.memory_space<vmem>>, vector<1x16xf32>,
        %get3A_486 = arith.constant 1 : i32
        %get3A_487 = arith.index_cast %get3A_486 : i32 to index
        %get3A_488 = arith.index_cast %add3A_392 : i32 to index
        %get3A_489 = arith.constant 96 : index
        %get3A_490 = tpu.vector_load %arg10[%get3A_487, %get3A_488, %get3A_489] {strides = array<i32>} : memref<2x80x144xf32, #tpu.memory_space<vmem>>, vector<1x1x16xf32>,
        %get3A_491 = vector.shape_cast %get3A_490 : vector<1x1x16xf32> to vector<16xf32>
        %mul3A_492 = arith.mulf %get3A_491, %exp3A : vector<16xf32>
        %swap3A_493 = arith.index_cast %add3A_392 : i32 to index
        %swap3A_494 = arith.constant 96 : index
        %swap3A_495 = tpu.vector_load %arg12[%swap3A_493, %swap3A_494] {strides = array<i32>} : memref<80x144xf32, #tpu.memory_space<vmem>>, vector<1x16xf32>,
        %swap3A_496 = vector.shape_cast %swap3A_495 : vector<1x16xf32> to vector<16xf32>
        %swap3A_497 = vector.shape_cast %mul3A_492 : vector<16xf32> to vector<1x16xf32>
        tpu.vector_store %arg12[%swap3A_493, %swap3A_494], %swap3A_497 {strides = array<i32>} : memref<80x144xf32, #tpu.memory_space<vmem>>, vector<1x16xf32>,
        %get3A_498 = arith.constant 1 : i32
        %get3A_499 = arith.index_cast %get3A_498 : i32 to index
        %get3A_500 = arith.index_cast %add3A_392 : i32 to index
        %get3A_501 = arith.constant 112 : index
        %get3A_502 = tpu.vector_load %arg10[%get3A_499, %get3A_500, %get3A_501] {strides = array<i32>} : memref<2x80x144xf32, #tpu.memory_space<vmem>>, vector<1x1x16xf32>,
        %get3A_503 = vector.shape_cast %get3A_502 : vector<1x1x16xf32> to vector<16xf32>
        %mul3A_504 = arith.mulf %get3A_503, %exp3A : vector<16xf32>
        %swap3A_505 = arith.index_cast %add3A_392 : i32 to index
        %swap3A_506 = arith.constant 112 : index
        %swap3A_507 = tpu.vector_load %arg12[%swap3A_505, %swap3A_506] {strides = array<i32>} : memref<80x144xf32, #tpu.memory_space<vmem>>, vector<1x16xf32>,
        %swap3A_508 = vector.shape_cast %swap3A_507 : vector<1x16xf32> to vector<16xf32>
        %swap3A_509 = vector.shape_cast %mul3A_504 : vector<16xf32> to vector<1x16xf32>
        tpu.vector_store %arg12[%swap3A_505, %swap3A_506], %swap3A_509 {strides = array<i32>} : memref<80x144xf32, #tpu.memory_space<vmem>>, vector<1x16xf32>,
      }
      %scan3A_385 = arith.constant 80 : i32
      %run_scoped3A_386 = arith.constant 1 : i32
      %run_scoped3A_387 = arith.constant 0 : i32
      "tpu.region"() ({
        %run_scoped3A_388 = tpu.sem_alloc : memref<!tpu.dma_semaphore, #tpu.memory_space<semaphore_mem>>
        %dma_start3A_389 = arith.constant 0 : i32
        %dma_start3A_390 = arith.constant 0 : i32
        %dma_start3A_391 = tpu.memref_slice %arg9[%run_scoped3A_386, %dma_start3A_389, %dma_start3A_390] : memref<2x1x80xi32, #tpu.memory_space<vmem>> -> memref<1x1x80xi32, #tpu.memory_space<vmem>>
        %dma_start3A_392 = tpu.memref_squeeze %dma_start3A_391 : memref<1x1x80xi32, #tpu.memory_space<vmem>> -> memref<1x80xi32, #tpu.memory_space<vmem>>
        %dma_start3A_393 = arith.constant 0 : i32
        %dma_start3A_394 = tpu.memref_slice %dma_start3A_392[%run_scoped3A_387, %dma_start3A_393] : memref<1x80xi32, #tpu.memory_space<vmem>> -> memref<1x80xi32, #tpu.memory_space<vmem>>
        %dma_start3A_395 = tpu.memref_squeeze %dma_start3A_394 : memref<1x80xi32, #tpu.memory_space<vmem>> -> memref<80xi32, #tpu.memory_space<vmem>>
        %dma_start3A_396 = arith.constant 0 : i32
        %dma_start3A_397 = arith.constant 0 : i32
        %dma_start3A_398 = tpu.memref_slice %arg13[%dma_start3A_396, %dma_start3A_397] : memref<10112x144xf32, #tpu.memory_space<vmem_shared>> -> memref<10112x144xf32, #tpu.memory_space<vmem_shared>>
        tpu.enqueue_indirect_dma source(%arg12 : memref<80x144xf32, #tpu.memory_space<vmem>>) target(%dma_start3A_398 : memref<10112x144xf32, #tpu.memory_space<vmem_shared>>) offsets(%dma_start3A_395 : memref<80xi32, #tpu.memory_space<vmem>>) semaphore(%run_scoped3A_388 : memref<!tpu.dma_semaphore, #tpu.memory_space<semaphore_mem>>) {add = true}
        %dma_wait3A_399 = arith.constant 0 : i32
        %dma_wait3A_400 = arith.constant 0 : i32
        %dma_wait3A_401 = tpu.memref_slice %arg9[%run_scoped3A_386, %dma_wait3A_399, %dma_wait3A_400] : memref<2x1x80xi32, #tpu.memory_space<vmem>> -> memref<1x1x80xi32, #tpu.memory_space<vmem>>
        %dma_wait3A_402 = tpu.memref_squeeze %dma_wait3A_401 : memref<1x1x80xi32, #tpu.memory_space<vmem>> -> memref<1x80xi32, #tpu.memory_space<vmem>>
        %dma_wait3A_403 = arith.constant 0 : i32
        %dma_wait3A_404 = tpu.memref_slice %dma_wait3A_402[%run_scoped3A_387, %dma_wait3A_403] : memref<1x80xi32, #tpu.memory_space<vmem>> -> memref<1x80xi32, #tpu.memory_space<vmem>>
        %dma_wait3A_405 = tpu.memref_squeeze %dma_wait3A_404 : memref<1x80xi32, #tpu.memory_space<vmem>> -> memref<80xi32, #tpu.memory_space<vmem>>
        %dma_wait3A_406 = arith.constant 0 : i32
        %dma_wait3A_407 = arith.constant 0 : i32
        %dma_wait3A_408 = tpu.memref_slice %arg13[%dma_wait3A_406, %dma_wait3A_407] : memref<10112x144xf32, #tpu.memory_space<vmem_shared>> -> memref<10112x144xf32, #tpu.memory_space<vmem_shared>>
        tpu.wait_indirect_dma semaphore(%run_scoped3A_388 : memref<!tpu.dma_semaphore, #tpu.memory_space<semaphore_mem>>) src(%arg12 : memref<80x144xf32, #tpu.memory_space<vmem>>) dst(%dma_wait3A_408 : memref<10112x144xf32, #tpu.memory_space<vmem_shared>>)
        tpu.yield
      }) : () -> ()
    }
    %scan3A_92 = arith.constant 62 : i32
    %dma_wait3A_93 = arith.constant 0 : i32
    %dma_wait3A_94 = arith.constant 0 : i32
    %dma_wait3A_95 = arith.constant 0 : i32
    %dma_wait3A_96 = arith.constant 0 : i32
    %dma_wait3A_97 = tpu.memref_slice %arg10[%dma_wait3A_94, %dma_wait3A_95, %dma_wait3A_96] : memref<2x80x144xf32, #tpu.memory_space<vmem>> -> memref<1x80x144xf32, #tpu.memory_space<vmem>>
    %dma_wait3A_98 = tpu.memref_squeeze %dma_wait3A_97 : memref<1x80x144xf32, #tpu.memory_space<vmem>> -> memref<80x144xf32, #tpu.memory_space<vmem>>
    %dma_wait3A_99 = arith.constant 0 : i32
    %dma_wait3A_100 = tpu.memref_slice %arg8[%dma_wait3A_93, %dma_wait3A_99] : memref<2x80xi32, #tpu.memory_space<vmem>> -> memref<1x80xi32, #tpu.memory_space<vmem>>
    %dma_wait3A_101 = tpu.memref_squeeze %dma_wait3A_100 : memref<1x80xi32, #tpu.memory_space<vmem>> -> memref<80xi32, #tpu.memory_space<vmem>>
    %dma_wait3A_102 = arith.constant 0 : i32
    %dma_wait3A_103 = arith.constant 0 : i32
    %dma_wait3A_104 = tpu.memref_slice %arg2[%dma_wait3A_102, %dma_wait3A_103] : memref<10000x144xf32, #tpu.memory_space<hbm>> -> memref<10000x144xf32, #tpu.memory_space<hbm>>
    tpu.wait_indirect_dma semaphore(%arg16 : memref<!tpu.dma_semaphore, #tpu.memory_space<semaphore_mem>>) src(%dma_wait3A_104 : memref<10000x144xf32, #tpu.memory_space<hbm>>) dst(%dma_wait3A_98 : memref<80x144xf32, #tpu.memory_space<vmem>>)
    %dma_wait3A_105 = arith.constant 0 : i32
    %dma_wait3A_106 = arith.constant 0 : i32
    %dma_wait3A_107 = arith.constant 0 : i32
    %dma_wait3A_108 = arith.constant 0 : i32
    %dma_wait3A_109 = arith.constant 0 : i32
    %dma_wait3A_110 = tpu.memref_slice %arg11[%dma_wait3A_107, %dma_wait3A_108, %dma_wait3A_109] : memref<2x80x16xf32, #tpu.memory_space<vmem>> -> memref<1x80x16xf32, #tpu.memory_space<vmem>>
    %dma_wait3A_111 = tpu.memref_squeeze %dma_wait3A_110 : memref<1x80x16xf32, #tpu.memory_space<vmem>> -> memref<80x16xf32, #tpu.memory_space<vmem>>
    %dma_wait3A_112 = arith.constant 0 : i32
    %dma_wait3A_113 = arith.constant 0 : i32
    %dma_wait3A_114 = tpu.memref_slice %arg9[%dma_wait3A_105, %dma_wait3A_112, %dma_wait3A_113] : memref<2x1x80xi32, #tpu.memory_space<vmem>> -> memref<1x1x80xi32, #tpu.memory_space<vmem>>
    %dma_wait3A_115 = tpu.memref_squeeze %dma_wait3A_114 : memref<1x1x80xi32, #tpu.memory_space<vmem>> -> memref<1x80xi32, #tpu.memory_space<vmem>>
    %dma_wait3A_116 = arith.constant 0 : i32
    %dma_wait3A_117 = tpu.memref_slice %dma_wait3A_115[%dma_wait3A_106, %dma_wait3A_116] : memref<1x80xi32, #tpu.memory_space<vmem>> -> memref<1x80xi32, #tpu.memory_space<vmem>>
    %dma_wait3A_118 = tpu.memref_squeeze %dma_wait3A_117 : memref<1x80xi32, #tpu.memory_space<vmem>> -> memref<80xi32, #tpu.memory_space<vmem>>
    %dma_wait3A_119 = arith.constant 0 : i32
    %dma_wait3A_120 = arith.constant 0 : i32
    %dma_wait3A_121 = tpu.memref_slice %arg3[%dma_wait3A_119, %dma_wait3A_120] : memref<10000x16xf32, #tpu.memory_space<hbm>> -> memref<10000x16xf32, #tpu.memory_space<hbm>>
    tpu.wait_indirect_dma semaphore(%arg16 : memref<!tpu.dma_semaphore, #tpu.memory_space<semaphore_mem>>) src(%dma_wait3A_121 : memref<10000x16xf32, #tpu.memory_space<hbm>>) dst(%dma_wait3A_111 : memref<80x16xf32, #tpu.memory_space<vmem>>)
    %scan3A_122 = arith.constant 0 : i32
    %scan3A_123 = arith.constant 80 : i32
    %scan3A_124 = arith.addi %scan3A_122, %scan3A_123 : i32
    %scan3A_125 = arith.constant 1 : i32
    scf.for %scan3A_133 = %scan3A_122 to %scan3A_124 step %scan3A_125  : i32 {
      %mul3A_134 = arith.constant 1 : i32
      %mul3A_135 = arith.muli %scan3A_133, %mul3A_134 : i32
      %add3A_136 = arith.constant 0 : i32
      %add3A_137 = arith.addi %add3A_136, %mul3A_135 : i32
      %get3A = arith.constant 0 : i32
      %get3A_138 = arith.index_cast %get3A : i32 to index
      %get3A_139 = arith.index_cast %add3A_137 : i32 to index
      %get3A_140 = arith.constant 128 : index
      %get3A_141 = tpu.vector_load %arg10[%get3A_138, %get3A_139, %get3A_140] {strides = array<i32>} : memref<2x80x144xf32, #tpu.memory_space<vmem>>, vector<1x1x16xf32>,
      %get3A_142 = vector.shape_cast %get3A_141 : vector<1x1x16xf32> to vector<16xf32>
      %get3A_143 = arith.constant 0 : i32
      %get3A_144 = arith.index_cast %get3A_143 : i32 to index
      %get3A_145 = arith.index_cast %add3A_137 : i32 to index
      %get3A_146 = arith.constant 0 : index
      %get3A_147 = tpu.vector_load %arg11[%get3A_144, %get3A_145, %get3A_146] {strides = array<i32>} : memref<2x80x16xf32, #tpu.memory_space<vmem>>, vector<1x1x16xf32>,
      %get3A_148 = vector.shape_cast %get3A_147 : vector<1x1x16xf32> to vector<16xf32>
      %add3A_149 = arith.addf %get3A_142, %get3A_148 : vector<16xf32>
      %gt3A = arith.constant 0.000000e+00 : f32
      %gt3A_150 = vector.broadcast %gt3A : f32 to vector<16xf32>
      %gt3A_151 = arith.cmpf ogt, %add3A_149, %gt3A_150 : vector<16xf32>
      %mul3A_152 = arith.constant 2.000000e-01 : f32
      %mul3A_153 = vector.broadcast %mul3A_152 : f32 to vector<16xf32>
      %mul3A_154 = arith.mulf %mul3A_153, %add3A_149 : vector<16xf32>
      %select_n3A = arith.select %gt3A_151, %add3A_149, %mul3A_154 : vector<16xi1>, vector<16xf32>
      %exp3A = math.exp %select_n3A : vector<16xf32>
      %swap3A = arith.index_cast %add3A_137 : i32 to index
      %swap3A_155 = arith.constant 128 : index
      %swap3A_156 = tpu.vector_load %arg12[%swap3A, %swap3A_155] {strides = array<i32>} : memref<80x144xf32, #tpu.memory_space<vmem>>, vector<1x16xf32>,
      %swap3A_157 = vector.shape_cast %swap3A_156 : vector<1x16xf32> to vector<16xf32>
      %swap3A_158 = vector.shape_cast %exp3A : vector<16xf32> to vector<1x16xf32>
      tpu.vector_store %arg12[%swap3A, %swap3A_155], %swap3A_158 {strides = array<i32>} : memref<80x144xf32, #tpu.memory_space<vmem>>, vector<1x16xf32>,
      %get3A_159 = arith.constant 0 : i32
      %get3A_160 = arith.index_cast %get3A_159 : i32 to index
      %get3A_161 = arith.index_cast %add3A_137 : i32 to index
      %get3A_162 = arith.constant 0 : index
      %get3A_163 = tpu.vector_load %arg10[%get3A_160, %get3A_161, %get3A_162] {strides = array<i32>} : memref<2x80x144xf32, #tpu.memory_space<vmem>>, vector<1x1x16xf32>,
      %get3A_164 = vector.shape_cast %get3A_163 : vector<1x1x16xf32> to vector<16xf32>
      %mul3A_165 = arith.mulf %get3A_164, %exp3A : vector<16xf32>
      %swap3A_166 = arith.index_cast %add3A_137 : i32 to index
      %swap3A_167 = arith.constant 0 : index
      %swap3A_168 = tpu.vector_load %arg12[%swap3A_166, %swap3A_167] {strides = array<i32>} : memref<80x144xf32, #tpu.memory_space<vmem>>, vector<1x16xf32>,
      %swap3A_169 = vector.shape_cast %swap3A_168 : vector<1x16xf32> to vector<16xf32>
      %swap3A_170 = vector.shape_cast %mul3A_165 : vector<16xf32> to vector<1x16xf32>
      tpu.vector_store %arg12[%swap3A_166, %swap3A_167], %swap3A_170 {strides = array<i32>} : memref<80x144xf32, #tpu.memory_space<vmem>>, vector<1x16xf32>,
      %get3A_171 = arith.constant 0 : i32
      %get3A_172 = arith.index_cast %get3A_171 : i32 to index
      %get3A_173 = arith.index_cast %add3A_137 : i32 to index
      %get3A_174 = arith.constant 16 : index
      %get3A_175 = tpu.vector_load %arg10[%get3A_172, %get3A_173, %get3A_174] {strides = array<i32>} : memref<2x80x144xf32, #tpu.memory_space<vmem>>, vector<1x1x16xf32>,
      %get3A_176 = vector.shape_cast %get3A_175 : vector<1x1x16xf32> to vector<16xf32>
      %mul3A_177 = arith.mulf %get3A_176, %exp3A : vector<16xf32>
      %swap3A_178 = arith.index_cast %add3A_137 : i32 to index
      %swap3A_179 = arith.constant 16 : index
      %swap3A_180 = tpu.vector_load %arg12[%swap3A_178, %swap3A_179] {strides = array<i32>} : memref<80x144xf32, #tpu.memory_space<vmem>>, vector<1x16xf32>,
      %swap3A_181 = vector.shape_cast %swap3A_180 : vector<1x16xf32> to vector<16xf32>
      %swap3A_182 = vector.shape_cast %mul3A_177 : vector<16xf32> to vector<1x16xf32>
      tpu.vector_store %arg12[%swap3A_178, %swap3A_179], %swap3A_182 {strides = array<i32>} : memref<80x144xf32, #tpu.memory_space<vmem>>, vector<1x16xf32>,
      %get3A_183 = arith.constant 0 : i32
      %get3A_184 = arith.index_cast %get3A_183 : i32 to index
      %get3A_185 = arith.index_cast %add3A_137 : i32 to index
      %get3A_186 = arith.constant 32 : index
      %get3A_187 = tpu.vector_load %arg10[%get3A_184, %get3A_185, %get3A_186] {strides = array<i32>} : memref<2x80x144xf32, #tpu.memory_space<vmem>>, vector<1x1x16xf32>,
      %get3A_188 = vector.shape_cast %get3A_187 : vector<1x1x16xf32> to vector<16xf32>
      %mul3A_189 = arith.mulf %get3A_188, %exp3A : vector<16xf32>
      %swap3A_190 = arith.index_cast %add3A_137 : i32 to index
      %swap3A_191 = arith.constant 32 : index
      %swap3A_192 = tpu.vector_load %arg12[%swap3A_190, %swap3A_191] {strides = array<i32>} : memref<80x144xf32, #tpu.memory_space<vmem>>, vector<1x16xf32>,
      %swap3A_193 = vector.shape_cast %swap3A_192 : vector<1x16xf32> to vector<16xf32>
      %swap3A_194 = vector.shape_cast %mul3A_189 : vector<16xf32> to vector<1x16xf32>
      tpu.vector_store %arg12[%swap3A_190, %swap3A_191], %swap3A_194 {strides = array<i32>} : memref<80x144xf32, #tpu.memory_space<vmem>>, vector<1x16xf32>,
      %get3A_195 = arith.constant 0 : i32
      %get3A_196 = arith.index_cast %get3A_195 : i32 to index
      %get3A_197 = arith.index_cast %add3A_137 : i32 to index
      %get3A_198 = arith.constant 48 : index
      %get3A_199 = tpu.vector_load %arg10[%get3A_196, %get3A_197, %get3A_198] {strides = array<i32>} : memref<2x80x144xf32, #tpu.memory_space<vmem>>, vector<1x1x16xf32>,
      %get3A_200 = vector.shape_cast %get3A_199 : vector<1x1x16xf32> to vector<16xf32>
      %mul3A_201 = arith.mulf %get3A_200, %exp3A : vector<16xf32>
      %swap3A_202 = arith.index_cast %add3A_137 : i32 to index
      %swap3A_203 = arith.constant 48 : index
      %swap3A_204 = tpu.vector_load %arg12[%swap3A_202, %swap3A_203] {strides = array<i32>} : memref<80x144xf32, #tpu.memory_space<vmem>>, vector<1x16xf32>,
      %swap3A_205 = vector.shape_cast %swap3A_204 : vector<1x16xf32> to vector<16xf32>
      %swap3A_206 = vector.shape_cast %mul3A_201 : vector<16xf32> to vector<1x16xf32>
      tpu.vector_store %arg12[%swap3A_202, %swap3A_203], %swap3A_206 {strides = array<i32>} : memref<80x144xf32, #tpu.memory_space<vmem>>, vector<1x16xf32>,
      %get3A_207 = arith.constant 0 : i32
      %get3A_208 = arith.index_cast %get3A_207 : i32 to index
      %get3A_209 = arith.index_cast %add3A_137 : i32 to index
      %get3A_210 = arith.constant 64 : index
      %get3A_211 = tpu.vector_load %arg10[%get3A_208, %get3A_209, %get3A_210] {strides = array<i32>} : memref<2x80x144xf32, #tpu.memory_space<vmem>>, vector<1x1x16xf32>,
      %get3A_212 = vector.shape_cast %get3A_211 : vector<1x1x16xf32> to vector<16xf32>
      %mul3A_213 = arith.mulf %get3A_212, %exp3A : vector<16xf32>
      %swap3A_214 = arith.index_cast %add3A_137 : i32 to index
      %swap3A_215 = arith.constant 64 : index
      %swap3A_216 = tpu.vector_load %arg12[%swap3A_214, %swap3A_215] {strides = array<i32>} : memref<80x144xf32, #tpu.memory_space<vmem>>, vector<1x16xf32>,
      %swap3A_217 = vector.shape_cast %swap3A_216 : vector<1x16xf32> to vector<16xf32>
      %swap3A_218 = vector.shape_cast %mul3A_213 : vector<16xf32> to vector<1x16xf32>
      tpu.vector_store %arg12[%swap3A_214, %swap3A_215], %swap3A_218 {strides = array<i32>} : memref<80x144xf32, #tpu.memory_space<vmem>>, vector<1x16xf32>,
      %get3A_219 = arith.constant 0 : i32
      %get3A_220 = arith.index_cast %get3A_219 : i32 to index
      %get3A_221 = arith.index_cast %add3A_137 : i32 to index
      %get3A_222 = arith.constant 80 : index
      %get3A_223 = tpu.vector_load %arg10[%get3A_220, %get3A_221, %get3A_222] {strides = array<i32>} : memref<2x80x144xf32, #tpu.memory_space<vmem>>, vector<1x1x16xf32>,
      %get3A_224 = vector.shape_cast %get3A_223 : vector<1x1x16xf32> to vector<16xf32>
      %mul3A_225 = arith.mulf %get3A_224, %exp3A : vector<16xf32>
      %swap3A_226 = arith.index_cast %add3A_137 : i32 to index
      %swap3A_227 = arith.constant 80 : index
      %swap3A_228 = tpu.vector_load %arg12[%swap3A_226, %swap3A_227] {strides = array<i32>} : memref<80x144xf32, #tpu.memory_space<vmem>>, vector<1x16xf32>,
      %swap3A_229 = vector.shape_cast %swap3A_228 : vector<1x16xf32> to vector<16xf32>
      %swap3A_230 = vector.shape_cast %mul3A_225 : vector<16xf32> to vector<1x16xf32>
      tpu.vector_store %arg12[%swap3A_226, %swap3A_227], %swap3A_230 {strides = array<i32>} : memref<80x144xf32, #tpu.memory_space<vmem>>, vector<1x16xf32>,
      %get3A_231 = arith.constant 0 : i32
      %get3A_232 = arith.index_cast %get3A_231 : i32 to index
      %get3A_233 = arith.index_cast %add3A_137 : i32 to index
      %get3A_234 = arith.constant 96 : index
      %get3A_235 = tpu.vector_load %arg10[%get3A_232, %get3A_233, %get3A_234] {strides = array<i32>} : memref<2x80x144xf32, #tpu.memory_space<vmem>>, vector<1x1x16xf32>,
      %get3A_236 = vector.shape_cast %get3A_235 : vector<1x1x16xf32> to vector<16xf32>
      %mul3A_237 = arith.mulf %get3A_236, %exp3A : vector<16xf32>
      %swap3A_238 = arith.index_cast %add3A_137 : i32 to index
      %swap3A_239 = arith.constant 96 : index
      %swap3A_240 = tpu.vector_load %arg12[%swap3A_238, %swap3A_239] {strides = array<i32>} : memref<80x144xf32, #tpu.memory_space<vmem>>, vector<1x16xf32>,
      %swap3A_241 = vector.shape_cast %swap3A_240 : vector<1x16xf32> to vector<16xf32>
      %swap3A_242 = vector.shape_cast %mul3A_237 : vector<16xf32> to vector<1x16xf32>
      tpu.vector_store %arg12[%swap3A_238, %swap3A_239], %swap3A_242 {strides = array<i32>} : memref<80x144xf32, #tpu.memory_space<vmem>>, vector<1x16xf32>,
      %get3A_243 = arith.constant 0 : i32
      %get3A_244 = arith.index_cast %get3A_243 : i32 to index
      %get3A_245 = arith.index_cast %add3A_137 : i32 to index
      %get3A_246 = arith.constant 112 : index
      %get3A_247 = tpu.vector_load %arg10[%get3A_244, %get3A_245, %get3A_246] {strides = array<i32>} : memref<2x80x144xf32, #tpu.memory_space<vmem>>, vector<1x1x16xf32>,
      %get3A_248 = vector.shape_cast %get3A_247 : vector<1x1x16xf32> to vector<16xf32>
      %mul3A_249 = arith.mulf %get3A_248, %exp3A : vector<16xf32>
      %swap3A_250 = arith.index_cast %add3A_137 : i32 to index
      %swap3A_251 = arith.constant 112 : index
      %swap3A_252 = tpu.vector_load %arg12[%swap3A_250, %swap3A_251] {strides = array<i32>} : memref<80x144xf32, #tpu.memory_space<vmem>>, vector<1x16xf32>,
      %swap3A_253 = vector.shape_cast %swap3A_252 : vector<1x16xf32> to vector<16xf32>
      %swap3A_254 = vector.shape_cast %mul3A_249 : vector<16xf32> to vector<1x16xf32>
      tpu.vector_store %arg12[%swap3A_250, %swap3A_251], %swap3A_254 {strides = array<i32>} : memref<80x144xf32, #tpu.memory_space<vmem>>, vector<1x16xf32>,
    }
    %scan3A_126 = arith.constant 80 : i32
    %run_scoped3A = arith.constant 0 : i32
    %run_scoped3A_127 = arith.constant 0 : i32
    "tpu.region"() ({
      %run_scoped3A_133 = tpu.sem_alloc : memref<!tpu.dma_semaphore, #tpu.memory_space<semaphore_mem>>
      %dma_start3A_134 = arith.constant 0 : i32
      %dma_start3A_135 = arith.constant 0 : i32
      %dma_start3A_136 = tpu.memref_slice %arg9[%run_scoped3A, %dma_start3A_134, %dma_start3A_135] : memref<2x1x80xi32, #tpu.memory_space<vmem>> -> memref<1x1x80xi32, #tpu.memory_space<vmem>>
      %dma_start3A_137 = tpu.memref_squeeze %dma_start3A_136 : memref<1x1x80xi32, #tpu.memory_space<vmem>> -> memref<1x80xi32, #tpu.memory_space<vmem>>
      %dma_start3A_138 = arith.constant 0 : i32
      %dma_start3A_139 = tpu.memref_slice %dma_start3A_137[%run_scoped3A_127, %dma_start3A_138] : memref<1x80xi32, #tpu.memory_space<vmem>> -> memref<1x80xi32, #tpu.memory_space<vmem>>
      %dma_start3A_140 = tpu.memref_squeeze %dma_start3A_139 : memref<1x80xi32, #tpu.memory_space<vmem>> -> memref<80xi32, #tpu.memory_space<vmem>>
      %dma_start3A_141 = arith.constant 0 : i32
      %dma_start3A_142 = arith.constant 0 : i32
      %dma_start3A_143 = tpu.memref_slice %arg13[%dma_start3A_141, %dma_start3A_142] : memref<10112x144xf32, #tpu.memory_space<vmem_shared>> -> memref<10112x144xf32, #tpu.memory_space<vmem_shared>>
      tpu.enqueue_indirect_dma source(%arg12 : memref<80x144xf32, #tpu.memory_space<vmem>>) target(%dma_start3A_143 : memref<10112x144xf32, #tpu.memory_space<vmem_shared>>) offsets(%dma_start3A_140 : memref<80xi32, #tpu.memory_space<vmem>>) semaphore(%run_scoped3A_133 : memref<!tpu.dma_semaphore, #tpu.memory_space<semaphore_mem>>) {add = true}
      %dma_wait3A_144 = arith.constant 0 : i32
      %dma_wait3A_145 = arith.constant 0 : i32
      %dma_wait3A_146 = tpu.memref_slice %arg9[%run_scoped3A, %dma_wait3A_144, %dma_wait3A_145] : memref<2x1x80xi32, #tpu.memory_space<vmem>> -> memref<1x1x80xi32, #tpu.memory_space<vmem>>
      %dma_wait3A_147 = tpu.memref_squeeze %dma_wait3A_146 : memref<1x1x80xi32, #tpu.memory_space<vmem>> -> memref<1x80xi32, #tpu.memory_space<vmem>>
      %dma_wait3A_148 = arith.constant 0 : i32
      %dma_wait3A_149 = tpu.memref_slice %dma_wait3A_147[%run_scoped3A_127, %dma_wait3A_148] : memref<1x80xi32, #tpu.memory_space<vmem>> -> memref<1x80xi32, #tpu.memory_space<vmem>>
      %dma_wait3A_150 = tpu.memref_squeeze %dma_wait3A_149 : memref<1x80xi32, #tpu.memory_space<vmem>> -> memref<80xi32, #tpu.memory_space<vmem>>
      %dma_wait3A_151 = arith.constant 0 : i32
      %dma_wait3A_152 = arith.constant 0 : i32
      %dma_wait3A_153 = tpu.memref_slice %arg13[%dma_wait3A_151, %dma_wait3A_152] : memref<10112x144xf32, #tpu.memory_space<vmem_shared>> -> memref<10112x144xf32, #tpu.memory_space<vmem_shared>>
      tpu.wait_indirect_dma semaphore(%run_scoped3A_133 : memref<!tpu.dma_semaphore, #tpu.memory_space<semaphore_mem>>) src(%arg12 : memref<80x144xf32, #tpu.memory_space<vmem>>) dst(%dma_wait3A_153 : memref<10112x144xf32, #tpu.memory_space<vmem_shared>>)
      tpu.yield
    }) : () -> ()
    %barrier3A_128 = arith.constant 0 : index
    tpu.barrier barrier_id(%barrier3A_128)
    %mul3A_129 = arith.constant 632 : i32
    %mul3A_130 = arith.muli %arg1, %mul3A_129 : i32
    %mul3A_131 = arith.constant 632 : i32
    %mul3A_132 = arith.muli %arg1, %mul3A_131 : i32
    "tpu.region"() ({
      %run_scoped3A_133 = tpu.sem_alloc : memref<!tpu.dma_semaphore, #tpu.memory_space<semaphore_mem>>
      %dma_start3A_134 = arith.constant 0 : i32
      %dma_start3A_135 = tpu.memref_slice %arg7[%arg0, %mul3A_132, %dma_start3A_134] : memref<2x10112x144xf32, #tpu.memory_space<hbm>> -> memref<1x632x144xf32, #tpu.memory_space<hbm>>
      %dma_start3A_136 = tpu.memref_squeeze %dma_start3A_135 : memref<1x632x144xf32, #tpu.memory_space<hbm>> -> memref<632x144xf32, #tpu.memory_space<hbm>>
      %dma_start3A_137 = arith.constant 0 : i32
      %dma_start3A_138 = tpu.memref_slice %arg13[%mul3A_130, %dma_start3A_137] : memref<10112x144xf32, #tpu.memory_space<vmem_shared>> -> memref<632x144xf32, #tpu.memory_space<vmem_shared>>
      tpu.enqueue_dma source(%dma_start3A_138 : memref<632x144xf32, #tpu.memory_space<vmem_shared>>) target(%dma_start3A_136 : memref<632x144xf32, #tpu.memory_space<hbm>>) target_semaphore(%run_scoped3A_133 : memref<!tpu.dma_semaphore, #tpu.memory_space<semaphore_mem>>)
      %dma_wait3A_139 = arith.constant 0 : i32
      %dma_wait3A_140 = tpu.memref_slice %arg7[%arg0, %mul3A_132, %dma_wait3A_139] : memref<2x10112x144xf32, #tpu.memory_space<hbm>> -> memref<1x632x144xf32, #tpu.memory_space<hbm>>
      %dma_wait3A_141 = tpu.memref_squeeze %dma_wait3A_140 : memref<1x632x144xf32, #tpu.memory_space<hbm>> -> memref<632x144xf32, #tpu.memory_space<hbm>>
      %dma_wait3A_142 = arith.constant 0 : i32
      %dma_wait3A_143 = tpu.memref_slice %arg13[%mul3A_130, %dma_wait3A_142] : memref<10112x144xf32, #tpu.memory_space<vmem_shared>> -> memref<632x144xf32, #tpu.memory_space<vmem_shared>>
      tpu.wait_dma2 semaphore(%run_scoped3A_133 : memref<!tpu.dma_semaphore, #tpu.memory_space<semaphore_mem>>) src(%dma_wait3A_143 : memref<632x144xf32, #tpu.memory_space<vmem_shared>>) dst(%dma_wait3A_141 : memref<632x144xf32, #tpu.memory_space<hbm>>)
      tpu.yield
    }) : () -> ()
    return
  }
}

module attributes {stable_mosaic.version = 14 : i64} {
  func.func @_dense1_body(%arg0: memref<10000x128xf32, #tpu.memory_space<vmem>>, %arg1: memref<128x128xf32, #tpu.memory_space<vmem>>, %arg2: memref<128x16xf32, #tpu.memory_space<vmem>>, %arg3: memref<128x16xf32, #tpu.memory_space<vmem>>, %arg4: memref<10000x144xf32, #tpu.memory_space<vmem>>, %arg5: memref<10000x16xf32, #tpu.memory_space<vmem>>) attributes {dimension_semantics = [], scalar_prefetch = 0 : i64, scratch_operands = 0 : i64, tpu.core_type = #tpu.core_type<tc>} {
    %get3A = arith.constant 0 : index
    %get3A_0 = arith.constant 0 : index
    %get3A_1 = vector.load %arg0[%get3A, %get3A_0] : memref<10000x128xf32, #tpu.memory_space<vmem>>, vector<10000x128xf32>
    %get3A_2 = arith.constant 0 : index
    %get3A_3 = arith.constant 0 : index
    %get3A_4 = vector.load %arg1[%get3A_2, %get3A_3] : memref<128x128xf32, #tpu.memory_space<vmem>>, vector<128x128xf32>
    %dot_general3A = arith.constant dense<0.000000e+00> : vector<10000x128xf32>
    %dot_general3A_5 = tpu.matmul %get3A_1, %get3A_4, %dot_general3A {dimension_numbers = #tpu.dot_dimension_numbers<[1], [0], [0], [1], [0, 0, 1, 1], [], []>, transpose_lhs_hint = false} : vector<10000x128xf32>, vector<128x128xf32>, vector<10000x128xf32> -> vector<10000x128xf32>
    %get3A_6 = arith.constant 0 : index
    %get3A_7 = arith.constant 0 : index
    %get3A_8 = vector.load %arg2[%get3A_6, %get3A_7] : memref<128x16xf32, #tpu.memory_space<vmem>>, vector<128x16xf32>
    %dot_general3A_9 = arith.constant dense<0.000000e+00> : vector<10000x16xf32>
    %dot_general3A_10 = tpu.matmul %dot_general3A_5, %get3A_8, %dot_general3A_9 {dimension_numbers = #tpu.dot_dimension_numbers<[1], [0], [0], [1], [0, 0, 1, 1], [], []>, transpose_lhs_hint = false} : vector<10000x128xf32>, vector<128x16xf32>, vector<10000x16xf32> -> vector<10000x16xf32>
    %concatenate3A = tpu.concatenate %dot_general3A_5, %dot_general3A_10 in 1 : vector<10000x128xf32>, vector<10000x16xf32> -> vector<10000x144xf32>
    %swap3A = arith.constant 0 : index
    %swap3A_11 = arith.constant 0 : index
    %swap3A_12 = vector.load %arg4[%swap3A, %swap3A_11] : memref<10000x144xf32, #tpu.memory_space<vmem>>, vector<10000x144xf32>
    tpu.vector_store %arg4[%swap3A, %swap3A_11], %concatenate3A {strides = array<i32>} : memref<10000x144xf32, #tpu.memory_space<vmem>>, vector<10000x144xf32>,
    %get3A_13 = arith.constant 0 : index
    %get3A_14 = arith.constant 0 : index
    %get3A_15 = vector.load %arg3[%get3A_13, %get3A_14] : memref<128x16xf32, #tpu.memory_space<vmem>>, vector<128x16xf32>
    %dot_general3A_16 = arith.constant dense<0.000000e+00> : vector<10000x16xf32>
    %dot_general3A_17 = tpu.matmul %dot_general3A_5, %get3A_15, %dot_general3A_16 {dimension_numbers = #tpu.dot_dimension_numbers<[1], [0], [0], [1], [0, 0, 1, 1], [], []>, transpose_lhs_hint = false} : vector<10000x128xf32>, vector<128x16xf32>, vector<10000x16xf32> -> vector<10000x16xf32>
    %swap3A_18 = arith.constant 0 : index
    %swap3A_19 = arith.constant 0 : index
    %swap3A_20 = vector.load %arg5[%swap3A_18, %swap3A_19] : memref<10000x16xf32, #tpu.memory_space<vmem>>, vector<10000x16xf32>
    tpu.vector_store %arg5[%swap3A_18, %swap3A_19], %dot_general3A_17 {strides = array<i32>} : memref<10000x16xf32, #tpu.memory_space<vmem>>, vector<10000x16xf32>,
    return
  }
}

module attributes {stable_mosaic.version = 14 : i64} {
  func.func @_norm1_body(%arg0: i32, %arg1: memref<2x632x144xf32, #tpu.memory_space<vmem>>, %arg2: memref<1x128xf32, #tpu.memory_space<vmem>>, %arg3: memref<632x128xf32, #tpu.memory_space<vmem>>) attributes {dimension_semantics = [#tpu.dimension_semantics<arbitrary>], iteration_bounds = array<i64: 16>, scalar_prefetch = 0 : i64, scratch_operands = 0 : i64, tpu.core_type = #tpu.core_type<tc>, window_params = [{transform_indices = @transform_0, window_bounds = array<i64: 2, 632, 144>}, {pipeline_mode = #tpu.pipeline_mode<synchronous>, transform_indices = @transform_1, window_bounds = array<i64: 1, 128>}, {transform_indices = @transform_2, window_bounds = array<i64: 632, 128>}]} {
    %get3A = arith.constant 0 : index
    %get3A_0 = arith.constant 0 : index
    %get3A_1 = arith.constant 0 : index
    %get3A_2 = vector.load %arg1[%get3A, %get3A_0, %get3A_1] : memref<2x632x144xf32, #tpu.memory_space<vmem>>, vector<1x632x144xf32>
    %get3A_3 = vector.shape_cast %get3A_2 : vector<1x632x144xf32> to vector<632x144xf32>
    %get3A_4 = arith.constant 1 : index
    %get3A_5 = arith.constant 0 : index
    %get3A_6 = arith.constant 0 : index
    %get3A_7 = vector.load %arg1[%get3A_4, %get3A_5, %get3A_6] : memref<2x632x144xf32, #tpu.memory_space<vmem>>, vector<1x632x144xf32>
    %get3A_8 = vector.shape_cast %get3A_7 : vector<1x632x144xf32> to vector<632x144xf32>
    %add3A = arith.addf %get3A_3, %get3A_8 : vector<632x144xf32>
    %slice3A = vector.extract_strided_slice %add3A {offsets = [0, 0], sizes = [632, 128], strides = [1, 1]} : vector<632x144xf32> to vector<632x128xf32>
    %slice3A_9 = vector.extract_strided_slice %add3A {offsets = [0, 128], sizes = [632, 16], strides = [1, 1]} : vector<632x144xf32> to vector<632x16xf32>
    %add3A_10 = arith.constant 1.000000e-16 : f32
    %add3A_11 = vector.broadcast %add3A_10 : f32 to vector<632x16xf32>
    %add3A_12 = arith.addf %slice3A_9, %add3A_11 : vector<632x16xf32>
    %div3A = arith.constant 1.000000e+00 : f32
    %div3A_13 = vector.broadcast %div3A : f32 to vector<632x16xf32>
    %div3A_14 = arith.divf %div3A_13, %add3A_12 : vector<632x16xf32>
    %concatenate3A = tpu.concatenate %div3A_14, %div3A_14, %div3A_14, %div3A_14, %div3A_14, %div3A_14, %div3A_14, %div3A_14 in 1 : vector<632x16xf32>, vector<632x16xf32>, vector<632x16xf32>, vector<632x16xf32>, vector<632x16xf32>, vector<632x16xf32>, vector<632x16xf32>, vector<632x16xf32> -> vector<632x128xf32>
    %mul3A = arith.mulf %slice3A, %concatenate3A : vector<632x128xf32>
    %get3A_15 = arith.constant 0 : index
    %get3A_16 = arith.constant 0 : index
    %get3A_17 = vector.load %arg2[%get3A_15, %get3A_16] : memref<1x128xf32, #tpu.memory_space<vmem>>, vector<1x128xf32>
    %add3A_18 = vector.broadcast %get3A_17 : vector<1x128xf32> to vector<632x128xf32>
    %add3A_19 = arith.addf %mul3A, %add3A_18 : vector<632x128xf32>
    %gt3A = arith.constant 0.000000e+00 : f32
    %gt3A_20 = vector.broadcast %gt3A : f32 to vector<632x128xf32>
    %gt3A_21 = arith.cmpf ogt, %add3A_19, %gt3A_20 : vector<632x128xf32>
    %exp3A = math.exp %add3A_19 : vector<632x128xf32>
    %sub3A = arith.constant 1.000000e+00 : f32
    %sub3A_22 = vector.broadcast %sub3A : f32 to vector<632x128xf32>
    %sub3A_23 = arith.subf %exp3A, %sub3A_22 : vector<632x128xf32>
    %select_n3A = arith.select %gt3A_21, %add3A_19, %sub3A_23 : vector<632x128xi1>, vector<632x128xf32>
    %swap3A = arith.constant 0 : index
    %swap3A_24 = arith.constant 0 : index
    %swap3A_25 = vector.load %arg3[%swap3A, %swap3A_24] : memref<632x128xf32, #tpu.memory_space<vmem>>, vector<632x128xf32>
    tpu.vector_store %arg3[%swap3A, %swap3A_24], %select_n3A {strides = array<i32>} : memref<632x128xf32, #tpu.memory_space<vmem>>, vector<632x128xf32>,
    return
  }
  func.func @transform_0(%arg0: i32) -> (i32, i32, i32) {
    %c0_i32 = arith.constant 0 : i32
    %c0_i32_0 = arith.constant 0 : i32
    %c0_i32_1 = arith.constant 0 : i32
    return %c0_i32, %arg0, %c0_i32_0 : i32, i32, i32
  }
  func.func @transform_1(%arg0: i32) -> (i32, i32) {
    %c0_i32 = arith.constant 0 : i32
    %c0_i32_0 = arith.constant 0 : i32
    %c0_i32_1 = arith.constant 0 : i32
    return %c0_i32, %c0_i32_0 : i32, i32
  }
  func.func @transform_2(%arg0: i32) -> (i32, i32) {
    %c0_i32 = arith.constant 0 : i32
    %c0_i32_0 = arith.constant 0 : i32
    return %arg0, %c0_i32 : i32, i32
  }
}

module attributes {stable_mosaic.version = 14 : i64} {
  func.func @_stats_body(%arg0: memref<10112x128xf32, #tpu.memory_space<vmem>>, %arg1: memref<1x128xf32, #tpu.memory_space<vmem>>, %arg2: memref<1x128xf32, #tpu.memory_space<vmem>>) attributes {dimension_semantics = [], scalar_prefetch = 0 : i64, scratch_operands = 0 : i64, tpu.core_type = #tpu.core_type<tc>} {
    %get3A = arith.constant 0 : index
    %get3A_0 = arith.constant 0 : index
    %get3A_1 = vector.load %arg0[%get3A, %get3A_0] : memref<10112x128xf32, #tpu.memory_space<vmem>>, vector<10000x128xf32>
    %reduce_sum3A = arith.constant dense<0.000000e+00> : vector<128xf32>
    %reduce_sum3A_2 = vector.multi_reduction <add>, %get3A_1, %reduce_sum3A [0] : vector<10000x128xf32> to vector<128xf32>
    %broadcast_in_dim3A = vector.shape_cast %reduce_sum3A_2 : vector<128xf32> to vector<1x128xf32>
    %div3A = arith.constant 1.000000e+04 : f32
    %div3A_3 = vector.broadcast %div3A : f32 to vector<1x128xf32>
    %div3A_4 = arith.divf %broadcast_in_dim3A, %div3A_3 : vector<1x128xf32>
    %swap3A = arith.constant 0 : index
    %swap3A_5 = arith.constant 0 : index
    %swap3A_6 = vector.load %arg1[%swap3A, %swap3A_5] : memref<1x128xf32, #tpu.memory_space<vmem>>, vector<1x128xf32>
    tpu.vector_store %arg1[%swap3A, %swap3A_5], %div3A_4 {strides = array<i32>} : memref<1x128xf32, #tpu.memory_space<vmem>>, vector<1x128xf32>,
    %sub3A = vector.broadcast %div3A_4 : vector<1x128xf32> to vector<10000x128xf32>
    %sub3A_7 = arith.subf %get3A_1, %sub3A : vector<10000x128xf32>
    %integer_pow3A = arith.mulf %sub3A_7, %sub3A_7 : vector<10000x128xf32>
    %reduce_sum3A_8 = arith.constant dense<0.000000e+00> : vector<128xf32>
    %reduce_sum3A_9 = vector.multi_reduction <add>, %integer_pow3A, %reduce_sum3A_8 [0] : vector<10000x128xf32> to vector<128xf32>
    %broadcast_in_dim3A_10 = vector.shape_cast %reduce_sum3A_9 : vector<128xf32> to vector<1x128xf32>
    %div3A_11 = arith.constant 1.000000e+04 : f32
    %div3A_12 = vector.broadcast %div3A_11 : f32 to vector<1x128xf32>
    %div3A_13 = arith.divf %broadcast_in_dim3A_10, %div3A_12 : vector<1x128xf32>
    %swap3A_14 = arith.constant 0 : index
    %swap3A_15 = arith.constant 0 : index
    %swap3A_16 = vector.load %arg2[%swap3A_14, %swap3A_15] : memref<1x128xf32, #tpu.memory_space<vmem>>, vector<1x128xf32>
    tpu.vector_store %arg2[%swap3A_14, %swap3A_15], %div3A_13 {strides = array<i32>} : memref<1x128xf32, #tpu.memory_space<vmem>>, vector<1x128xf32>,
    return
  }
}

module attributes {stable_mosaic.version = 14 : i64} {
  func.func @_bnmm1_body(%arg0: i32, %arg1: memref<1000x128xf32, #tpu.memory_space<vmem>>, %arg2: memref<1x128xf32, #tpu.memory_space<vmem>>, %arg3: memref<1x128xf32, #tpu.memory_space<vmem>>, %arg4: memref<1x128xf32, #tpu.memory_space<vmem>>, %arg5: memref<1x128xf32, #tpu.memory_space<vmem>>, %arg6: memref<128x128xf32, #tpu.memory_space<vmem>>, %arg7: memref<128x16xf32, #tpu.memory_space<vmem>>, %arg8: memref<128x16xf32, #tpu.memory_space<vmem>>, %arg9: memref<1000x144xf32, #tpu.memory_space<vmem>>, %arg10: memref<1000x16xf32, #tpu.memory_space<vmem>>) attributes {dimension_semantics = [#tpu.dimension_semantics<arbitrary>], iteration_bounds = array<i64: 10>, scalar_prefetch = 0 : i64, scratch_operands = 0 : i64, tpu.core_type = #tpu.core_type<tc>, window_params = [{transform_indices = @transform_0, window_bounds = array<i64: 1000, 128>}, {pipeline_mode = #tpu.pipeline_mode<synchronous>, transform_indices = @transform_1, window_bounds = array<i64: 1, 128>}, {pipeline_mode = #tpu.pipeline_mode<synchronous>, transform_indices = @transform_2, window_bounds = array<i64: 1, 128>}, {pipeline_mode = #tpu.pipeline_mode<synchronous>, transform_indices = @transform_3, window_bounds = array<i64: 1, 128>}, {pipeline_mode = #tpu.pipeline_mode<synchronous>, transform_indices = @transform_4, window_bounds = array<i64: 1, 128>}, {pipeline_mode = #tpu.pipeline_mode<synchronous>, transform_indices = @transform_5, window_bounds = array<i64: 128, 128>}, {pipeline_mode = #tpu.pipeline_mode<synchronous>, transform_indices = @transform_6, window_bounds = array<i64: 128, 16>}, {pipeline_mode = #tpu.pipeline_mode<synchronous>, transform_indices = @transform_7, window_bounds = array<i64: 128, 16>}, {transform_indices = @transform_8, window_bounds = array<i64: 1000, 144>}, {transform_indices = @transform_9, window_bounds = array<i64: 1000, 16>}]} {
    %get3A = arith.constant 0 : index
    %get3A_0 = arith.constant 0 : index
    %get3A_1 = vector.load %arg1[%get3A, %get3A_0] : memref<1000x128xf32, #tpu.memory_space<vmem>>, vector<1000x128xf32>
    %get3A_2 = arith.constant 0 : index
    %get3A_3 = arith.constant 0 : index
    %get3A_4 = vector.load %arg2[%get3A_2, %get3A_3] : memref<1x128xf32, #tpu.memory_space<vmem>>, vector<1x128xf32>
    %sub3A = vector.broadcast %get3A_4 : vector<1x128xf32> to vector<1000x128xf32>
    %sub3A_5 = arith.subf %get3A_1, %sub3A : vector<1000x128xf32>
    %get3A_6 = arith.constant 0 : index
    %get3A_7 = arith.constant 0 : index
    %get3A_8 = vector.load %arg3[%get3A_6, %get3A_7] : memref<1x128xf32, #tpu.memory_space<vmem>>, vector<1x128xf32>
    %add3A = arith.constant 9.99999974E-6 : f32
    %add3A_9 = vector.broadcast %add3A : f32 to vector<1x128xf32>
    %add3A_10 = arith.addf %get3A_8, %add3A_9 : vector<1x128xf32>
    %sqrt3A = math.sqrt %add3A_10 : vector<1x128xf32>
    %div3A = vector.broadcast %sqrt3A : vector<1x128xf32> to vector<1000x128xf32>
    %div3A_11 = arith.divf %sub3A_5, %div3A : vector<1000x128xf32>
    %get3A_12 = arith.constant 0 : index
    %get3A_13 = arith.constant 0 : index
    %get3A_14 = vector.load %arg4[%get3A_12, %get3A_13] : memref<1x128xf32, #tpu.memory_space<vmem>>, vector<1x128xf32>
    %mul3A = vector.broadcast %get3A_14 : vector<1x128xf32> to vector<1000x128xf32>
    %mul3A_15 = arith.mulf %div3A_11, %mul3A : vector<1000x128xf32>
    %get3A_16 = arith.constant 0 : index
    %get3A_17 = arith.constant 0 : index
    %get3A_18 = vector.load %arg5[%get3A_16, %get3A_17] : memref<1x128xf32, #tpu.memory_space<vmem>>, vector<1x128xf32>
    %add3A_19 = vector.broadcast %get3A_18 : vector<1x128xf32> to vector<1000x128xf32>
    %add3A_20 = arith.addf %mul3A_15, %add3A_19 : vector<1000x128xf32>
    %get3A_21 = arith.constant 0 : index
    %get3A_22 = arith.constant 0 : index
    %get3A_23 = vector.load %arg6[%get3A_21, %get3A_22] : memref<128x128xf32, #tpu.memory_space<vmem>>, vector<128x128xf32>
    %dot_general3A = arith.constant dense<0.000000e+00> : vector<1000x128xf32>
    %dot_general3A_24 = tpu.matmul %add3A_20, %get3A_23, %dot_general3A {dimension_numbers = #tpu.dot_dimension_numbers<[1], [0], [0], [1], [0, 0, 1, 1], [], []>, transpose_lhs_hint = false} : vector<1000x128xf32>, vector<128x128xf32>, vector<1000x128xf32> -> vector<1000x128xf32>
    %get3A_25 = arith.constant 0 : index
    %get3A_26 = arith.constant 0 : index
    %get3A_27 = vector.load %arg7[%get3A_25, %get3A_26] : memref<128x16xf32, #tpu.memory_space<vmem>>, vector<128x16xf32>
    %dot_general3A_28 = arith.constant dense<0.000000e+00> : vector<1000x16xf32>
    %dot_general3A_29 = tpu.matmul %dot_general3A_24, %get3A_27, %dot_general3A_28 {dimension_numbers = #tpu.dot_dimension_numbers<[1], [0], [0], [1], [0, 0, 1, 1], [], []>, transpose_lhs_hint = false} : vector<1000x128xf32>, vector<128x16xf32>, vector<1000x16xf32> -> vector<1000x16xf32>
    %concatenate3A = tpu.concatenate %dot_general3A_24, %dot_general3A_29 in 1 : vector<1000x128xf32>, vector<1000x16xf32> -> vector<1000x144xf32>
    %swap3A = arith.constant 0 : index
    %swap3A_30 = arith.constant 0 : index
    %swap3A_31 = vector.load %arg9[%swap3A, %swap3A_30] : memref<1000x144xf32, #tpu.memory_space<vmem>>, vector<1000x144xf32>
    tpu.vector_store %arg9[%swap3A, %swap3A_30], %concatenate3A {strides = array<i32>} : memref<1000x144xf32, #tpu.memory_space<vmem>>, vector<1000x144xf32>,
    %get3A_32 = arith.constant 0 : index
    %get3A_33 = arith.constant 0 : index
    %get3A_34 = vector.load %arg8[%get3A_32, %get3A_33] : memref<128x16xf32, #tpu.memory_space<vmem>>, vector<128x16xf32>
    %dot_general3A_35 = arith.constant dense<0.000000e+00> : vector<1000x16xf32>
    %dot_general3A_36 = tpu.matmul %dot_general3A_24, %get3A_34, %dot_general3A_35 {dimension_numbers = #tpu.dot_dimension_numbers<[1], [0], [0], [1], [0, 0, 1, 1], [], []>, transpose_lhs_hint = false} : vector<1000x128xf32>, vector<128x16xf32>, vector<1000x16xf32> -> vector<1000x16xf32>
    %swap3A_37 = arith.constant 0 : index
    %swap3A_38 = arith.constant 0 : index
    %swap3A_39 = vector.load %arg10[%swap3A_37, %swap3A_38] : memref<1000x16xf32, #tpu.memory_space<vmem>>, vector<1000x16xf32>
    tpu.vector_store %arg10[%swap3A_37, %swap3A_38], %dot_general3A_36 {strides = array<i32>} : memref<1000x16xf32, #tpu.memory_space<vmem>>, vector<1000x16xf32>,
    return
  }
  func.func @transform_0(%arg0: i32) -> (i32, i32) {
    %c0_i32 = arith.constant 0 : i32
    %c0_i32_0 = arith.constant 0 : i32
    return %arg0, %c0_i32 : i32, i32
  }
  func.func @transform_1(%arg0: i32) -> (i32, i32) {
    %c0_i32 = arith.constant 0 : i32
    %c0_i32_0 = arith.constant 0 : i32
    %c0_i32_1 = arith.constant 0 : i32
    return %c0_i32, %c0_i32_0 : i32, i32
  }
  func.func @transform_2(%arg0: i32) -> (i32, i32) {
    %c0_i32 = arith.constant 0 : i32
    %c0_i32_0 = arith.constant 0 : i32
    %c0_i32_1 = arith.constant 0 : i32
    return %c0_i32, %c0_i32_0 : i32, i32
  }
  func.func @transform_3(%arg0: i32) -> (i32, i32) {
    %c0_i32 = arith.constant 0 : i32
    %c0_i32_0 = arith.constant 0 : i32
    %c0_i32_1 = arith.constant 0 : i32
    return %c0_i32, %c0_i32_0 : i32, i32
  }
  func.func @transform_4(%arg0: i32) -> (i32, i32) {
    %c0_i32 = arith.constant 0 : i32
    %c0_i32_0 = arith.constant 0 : i32
    %c0_i32_1 = arith.constant 0 : i32
    return %c0_i32, %c0_i32_0 : i32, i32
  }
  func.func @transform_5(%arg0: i32) -> (i32, i32) {
    %c0_i32 = arith.constant 0 : i32
    %c0_i32_0 = arith.constant 0 : i32
    %c0_i32_1 = arith.constant 0 : i32
    return %c0_i32, %c0_i32_0 : i32, i32
  }
  func.func @transform_6(%arg0: i32) -> (i32, i32) {
    %c0_i32 = arith.constant 0 : i32
    %c0_i32_0 = arith.constant 0 : i32
    %c0_i32_1 = arith.constant 0 : i32
    return %c0_i32, %c0_i32_0 : i32, i32
  }
  func.func @transform_7(%arg0: i32) -> (i32, i32) {
    %c0_i32 = arith.constant 0 : i32
    %c0_i32_0 = arith.constant 0 : i32
    %c0_i32_1 = arith.constant 0 : i32
    return %c0_i32, %c0_i32_0 : i32, i32
  }
  func.func @transform_8(%arg0: i32) -> (i32, i32) {
    %c0_i32 = arith.constant 0 : i32
    %c0_i32_0 = arith.constant 0 : i32
    return %arg0, %c0_i32 : i32, i32
  }
  func.func @transform_9(%arg0: i32) -> (i32, i32) {
    %c0_i32 = arith.constant 0 : i32
    %c0_i32_0 = arith.constant 0 : i32
    return %arg0, %c0_i32 : i32, i32
  }
}

module attributes {stable_mosaic.version = 14 : i64} {
  func.func @_norm2_body(%arg0: i32, %arg1: memref<2x632x144xf32, #tpu.memory_space<vmem>>, %arg2: memref<128x8xf32, #tpu.memory_space<vmem>>, %arg3: memref<1x8xf32, #tpu.memory_space<vmem>>, %arg4: memref<632x8xf32, #tpu.memory_space<vmem>>) attributes {dimension_semantics = [#tpu.dimension_semantics<arbitrary>], iteration_bounds = array<i64: 16>, scalar_prefetch = 0 : i64, scratch_operands = 0 : i64, tpu.core_type = #tpu.core_type<tc>, window_params = [{transform_indices = @transform_0, window_bounds = array<i64: 2, 632, 144>}, {pipeline_mode = #tpu.pipeline_mode<synchronous>, transform_indices = @transform_1, window_bounds = array<i64: 128, 8>}, {pipeline_mode = #tpu.pipeline_mode<synchronous>, transform_indices = @transform_2, window_bounds = array<i64: 1, 8>}, {transform_indices = @transform_3, window_bounds = array<i64: 632, 8>}]} {
    %get3A = arith.constant 0 : index
    %get3A_0 = arith.constant 0 : index
    %get3A_1 = arith.constant 0 : index
    %get3A_2 = vector.load %arg1[%get3A, %get3A_0, %get3A_1] : memref<2x632x144xf32, #tpu.memory_space<vmem>>, vector<1x632x144xf32>
    %get3A_3 = vector.shape_cast %get3A_2 : vector<1x632x144xf32> to vector<632x144xf32>
    %get3A_4 = arith.constant 1 : index
    %get3A_5 = arith.constant 0 : index
    %get3A_6 = arith.constant 0 : index
    %get3A_7 = vector.load %arg1[%get3A_4, %get3A_5, %get3A_6] : memref<2x632x144xf32, #tpu.memory_space<vmem>>, vector<1x632x144xf32>
    %get3A_8 = vector.shape_cast %get3A_7 : vector<1x632x144xf32> to vector<632x144xf32>
    %add3A = arith.addf %get3A_3, %get3A_8 : vector<632x144xf32>
    %slice3A = vector.extract_strided_slice %add3A {offsets = [0, 0], sizes = [632, 128], strides = [1, 1]} : vector<632x144xf32> to vector<632x128xf32>
    %slice3A_9 = vector.extract_strided_slice %add3A {offsets = [0, 128], sizes = [632, 16], strides = [1, 1]} : vector<632x144xf32> to vector<632x16xf32>
    %add3A_10 = arith.constant 1.000000e-16 : f32
    %add3A_11 = vector.broadcast %add3A_10 : f32 to vector<632x16xf32>
    %add3A_12 = arith.addf %slice3A_9, %add3A_11 : vector<632x16xf32>
    %div3A = arith.constant 1.000000e+00 : f32
    %div3A_13 = vector.broadcast %div3A : f32 to vector<632x16xf32>
    %div3A_14 = arith.divf %div3A_13, %add3A_12 : vector<632x16xf32>
    %concatenate3A = tpu.concatenate %div3A_14, %div3A_14, %div3A_14, %div3A_14, %div3A_14, %div3A_14, %div3A_14, %div3A_14 in 1 : vector<632x16xf32>, vector<632x16xf32>, vector<632x16xf32>, vector<632x16xf32>, vector<632x16xf32>, vector<632x16xf32>, vector<632x16xf32>, vector<632x16xf32> -> vector<632x128xf32>
    %mul3A = arith.mulf %slice3A, %concatenate3A : vector<632x128xf32>
    %get3A_15 = arith.constant 0 : index
    %get3A_16 = arith.constant 0 : index
    %get3A_17 = vector.load %arg2[%get3A_15, %get3A_16] : memref<128x8xf32, #tpu.memory_space<vmem>>, vector<128x8xf32>
    %dot_general3A = arith.constant dense<0.000000e+00> : vector<632x8xf32>
    %dot_general3A_18 = tpu.matmul %mul3A, %get3A_17, %dot_general3A {dimension_numbers = #tpu.dot_dimension_numbers<[1], [0], [0], [1], [0, 0, 1, 1], [], []>, transpose_lhs_hint = false} : vector<632x128xf32>, vector<128x8xf32>, vector<632x8xf32> -> vector<632x8xf32>
    %get3A_19 = arith.constant 0 : index
    %get3A_20 = arith.constant 0 : index
    %get3A_21 = vector.load %arg3[%get3A_19, %get3A_20] : memref<1x8xf32, #tpu.memory_space<vmem>>, vector<1x8xf32>
    %add3A_22 = vector.broadcast %get3A_21 : vector<1x8xf32> to vector<632x8xf32>
    %add3A_23 = arith.addf %dot_general3A_18, %add3A_22 : vector<632x8xf32>
    %swap3A = arith.constant 0 : index
    %swap3A_24 = arith.constant 0 : index
    %swap3A_25 = vector.load %arg4[%swap3A, %swap3A_24] : memref<632x8xf32, #tpu.memory_space<vmem>>, vector<632x8xf32>
    tpu.vector_store %arg4[%swap3A, %swap3A_24], %add3A_23 {strides = array<i32>} : memref<632x8xf32, #tpu.memory_space<vmem>>, vector<632x8xf32>,
    return
  }
  func.func @transform_0(%arg0: i32) -> (i32, i32, i32) {
    %c0_i32 = arith.constant 0 : i32
    %c0_i32_0 = arith.constant 0 : i32
    %c0_i32_1 = arith.constant 0 : i32
    return %c0_i32, %arg0, %c0_i32_0 : i32, i32, i32
  }
  func.func @transform_1(%arg0: i32) -> (i32, i32) {
    %c0_i32 = arith.constant 0 : i32
    %c0_i32_0 = arith.constant 0 : i32
    %c0_i32_1 = arith.constant 0 : i32
    return %c0_i32, %c0_i32_0 : i32, i32
  }
  func.func @transform_2(%arg0: i32) -> (i32, i32) {
    %c0_i32 = arith.constant 0 : i32
    %c0_i32_0 = arith.constant 0 : i32
    %c0_i32_1 = arith.constant 0 : i32
    return %c0_i32, %c0_i32_0 : i32, i32
  }
  func.func @transform_3(%arg0: i32) -> (i32, i32) {
    %c0_i32 = arith.constant 0 : i32
    %c0_i32_0 = arith.constant 0 : i32
    return %arg0, %c0_i32 : i32, i32
  }
}

module attributes {stable_mosaic.version = 14 : i64} {
  func.func @_final2_body(%arg0: memref<10112x8xf32, #tpu.memory_space<vmem>>, %arg1: memref<1x8xf32, #tpu.memory_space<vmem>>, %arg2: memref<1x8xf32, #tpu.memory_space<vmem>>, %arg3: memref<1x10000xi32, #tpu.memory_space<vmem>>, %arg4: memref<8x10xf32, #tpu.memory_space<vmem>>, %arg5: memref<1x10xf32, #tpu.memory_space<vmem>>, %arg6: memref<64x10xf32, #tpu.memory_space<vmem>>) attributes {dimension_semantics = [], scalar_prefetch = 0 : i64, scratch_operands = 0 : i64, tpu.core_type = #tpu.core_type<tc>} {
    %get3A = arith.constant 0 : index
    %get3A_0 = arith.constant 0 : index
    %get3A_1 = vector.load %arg0[%get3A, %get3A_0] : memref<10112x8xf32, #tpu.memory_space<vmem>>, vector<10000x8xf32>
    %reduce_sum3A = arith.constant dense<0.000000e+00> : vector<8xf32>
    %reduce_sum3A_2 = vector.multi_reduction <add>, %get3A_1, %reduce_sum3A [0] : vector<10000x8xf32> to vector<8xf32>
    %broadcast_in_dim3A = vector.shape_cast %reduce_sum3A_2 : vector<8xf32> to vector<1x8xf32>
    %div3A = arith.constant 1.000000e+04 : f32
    %div3A_3 = vector.broadcast %div3A : f32 to vector<1x8xf32>
    %div3A_4 = arith.divf %broadcast_in_dim3A, %div3A_3 : vector<1x8xf32>
    %sub3A = vector.broadcast %div3A_4 : vector<1x8xf32> to vector<10000x8xf32>
    %sub3A_5 = arith.subf %get3A_1, %sub3A : vector<10000x8xf32>
    %integer_pow3A = arith.mulf %sub3A_5, %sub3A_5 : vector<10000x8xf32>
    %reduce_sum3A_6 = arith.constant dense<0.000000e+00> : vector<8xf32>
    %reduce_sum3A_7 = vector.multi_reduction <add>, %integer_pow3A, %reduce_sum3A_6 [0] : vector<10000x8xf32> to vector<8xf32>
    %broadcast_in_dim3A_8 = vector.shape_cast %reduce_sum3A_7 : vector<8xf32> to vector<1x8xf32>
    %div3A_9 = arith.constant 1.000000e+04 : f32
    %div3A_10 = vector.broadcast %div3A_9 : f32 to vector<1x8xf32>
    %div3A_11 = arith.divf %broadcast_in_dim3A_8, %div3A_10 : vector<1x8xf32>
    %sub3A_12 = vector.broadcast %div3A_4 : vector<1x8xf32> to vector<10000x8xf32>
    %sub3A_13 = arith.subf %get3A_1, %sub3A_12 : vector<10000x8xf32>
    %add3A = arith.constant 9.99999974E-6 : f32
    %add3A_14 = vector.broadcast %add3A : f32 to vector<1x8xf32>
    %add3A_15 = arith.addf %div3A_11, %add3A_14 : vector<1x8xf32>
    %sqrt3A = math.sqrt %add3A_15 : vector<1x8xf32>
    %div3A_16 = vector.broadcast %sqrt3A : vector<1x8xf32> to vector<10000x8xf32>
    %div3A_17 = arith.divf %sub3A_13, %div3A_16 : vector<10000x8xf32>
    %get3A_18 = arith.constant 0 : index
    %get3A_19 = arith.constant 0 : index
    %get3A_20 = vector.load %arg1[%get3A_18, %get3A_19] : memref<1x8xf32, #tpu.memory_space<vmem>>, vector<1x8xf32>
    %mul3A = vector.broadcast %get3A_20 : vector<1x8xf32> to vector<10000x8xf32>
    %mul3A_21 = arith.mulf %div3A_17, %mul3A : vector<10000x8xf32>
    %get3A_22 = arith.constant 0 : index
    %get3A_23 = arith.constant 0 : index
    %get3A_24 = vector.load %arg2[%get3A_22, %get3A_23] : memref<1x8xf32, #tpu.memory_space<vmem>>, vector<1x8xf32>
    %add3A_25 = vector.broadcast %get3A_24 : vector<1x8xf32> to vector<10000x8xf32>
    %add3A_26 = arith.addf %mul3A_21, %add3A_25 : vector<10000x8xf32>
    %iota3A = tpu.iota {dimensions = array<i32: 0>} : vector<64x10000xi32>
    %get3A_27 = arith.constant 0 : index
    %get3A_28 = arith.constant 0 : index
    %get3A_29 = vector.load %arg3[%get3A_27, %get3A_28] : memref<1x10000xi32, #tpu.memory_space<vmem>>, vector<1x10000xi32>
    %eq3A = vector.broadcast %get3A_29 : vector<1x10000xi32> to vector<64x10000xi32>
    %eq3A_30 = arith.cmpi eq, %iota3A, %eq3A : vector<64x10000xi32>
    %convert_element_type3A = arith.extui %eq3A_30 : vector<64x10000xi1> to vector<64x10000xi32>
    %convert_element_type3A_31 = arith.sitofp %convert_element_type3A : vector<64x10000xi32> to vector<64x10000xf32>
    %reduce_sum3A_32 = arith.constant dense<0.000000e+00> : vector<64xf32>
    %reduce_sum3A_33 = vector.multi_reduction <add>, %convert_element_type3A_31, %reduce_sum3A_32 [1] : vector<64x10000xf32> to vector<64xf32>
    %broadcast_in_dim3A_34 = vector.shape_cast %reduce_sum3A_33 : vector<64xf32> to vector<64x1xf32>
    %dot_general3A = arith.constant dense<0.000000e+00> : vector<64x8xf32>
    %dot_general3A_35 = tpu.matmul %convert_element_type3A_31, %add3A_26, %dot_general3A {dimension_numbers = #tpu.dot_dimension_numbers<[1], [0], [0], [1], [0, 0, 1, 1], [], []>, transpose_lhs_hint = false} : vector<64x10000xf32>, vector<10000x8xf32>, vector<64x8xf32> -> vector<64x8xf32>
    %max3A = arith.constant 1.000000e+00 : f32
    %max3A_36 = vector.broadcast %max3A : f32 to vector<64x1xf32>
    %max3A_37 = arith.maximumf %broadcast_in_dim3A_34, %max3A_36 : vector<64x1xf32>
    %div3A_38 = vector.broadcast %max3A_37 : vector<64x1xf32> to vector<64x8xf32>
    %div3A_39 = arith.divf %dot_general3A_35, %div3A_38 : vector<64x8xf32>
    %get3A_40 = arith.constant 0 : index
    %get3A_41 = arith.constant 0 : index
    %get3A_42 = vector.load %arg4[%get3A_40, %get3A_41] : memref<8x10xf32, #tpu.memory_space<vmem>>, vector<8x10xf32>
    %dot_general3A_43 = arith.constant dense<0.000000e+00> : vector<64x10xf32>
    %dot_general3A_44 = tpu.matmul %div3A_39, %get3A_42, %dot_general3A_43 {dimension_numbers = #tpu.dot_dimension_numbers<[1], [0], [0], [1], [0, 0, 1, 1], [], []>, transpose_lhs_hint = false} : vector<64x8xf32>, vector<8x10xf32>, vector<64x10xf32> -> vector<64x10xf32>
    %get3A_45 = arith.constant 0 : index
    %get3A_46 = arith.constant 0 : index
    %get3A_47 = vector.load %arg5[%get3A_45, %get3A_46] : memref<1x10xf32, #tpu.memory_space<vmem>>, vector<1x10xf32>
    %add3A_48 = vector.broadcast %get3A_47 : vector<1x10xf32> to vector<64x10xf32>
    %add3A_49 = arith.addf %dot_general3A_44, %add3A_48 : vector<64x10xf32>
    %swap3A = arith.constant 0 : index
    %swap3A_50 = arith.constant 0 : index
    %swap3A_51 = vector.load %arg6[%swap3A, %swap3A_50] : memref<64x10xf32, #tpu.memory_space<vmem>>, vector<64x10xf32>
    tpu.vector_store %arg6[%swap3A, %swap3A_50], %add3A_49 {strides = array<i32>} : memref<64x10xf32, #tpu.memory_space<vmem>>, vector<64x10xf32>,
    return
  }
}

</mosaic_0001>

<sc_bundles>
// kernel: kernel.10.cloned.1.call-start
scs
__scs_entry_jumppad:
0x0: {  	(pc) =	sbr.rel $0x88, $3  }
0x1: {  	(tag) =	ssettag $0x0;
	lr =	simm.s32 $0x1  }
0x2: {  	[smem:$0x3F90] =	sst lr;
	_ =	strace $0xD0000000  }
0x3: {  	_ = 	snop  }
0x4: {  	_ = 	snop  }
0x5: {  	_ = 	snop  }
0x6: {  	_ = 	snop  }
0x7: {  	_ = 	snop  }
__scs_overlays_trampoline_lowered:
0x8: {  	[smem:$0x3F9F] =	sst s0  }
0x9: {  	[smem:$0x3FA0] =	sst s1  }
0xa: {  	[smem:$0x3FA1] =	sst s2  }
0xb: {  	[smem:$0x3FA2] =	sst s3  }
0xc: {  	[smem:$0x3FA3] =	sst s4  }
0xd: {  	[smem:$0x3FA4] =	sst s5  }
0xe: {  	[smem:$0x3FA5] =	sst s6  }
0xf: {  	[smem:$0x3FA6] =	sst s7  }
0x10: {  	[smem:$0x3FA7] =	sst s8  }
0x11: {  	[smem:$0x3FA8] =	sst s9;
	s0 =	simm.s32 @!p0 $0x0  }
0x12: {  	s1 =	sld [smem:$0x3F8E];
	s0 =	simm.s32 @p0 $0x1  }
0x13: {  	[smem:$0x3FA9] =	sst s0;
	s0 =	simm.s32 @!p1 $0x0  }
0x14: {  	s2 =	sld [smem:$0x3F8D];
	s0 =	simm.s32 @p1 $0x1  }
0x15: {  	[smem:$0x3FAA] =	sst s0;
	s0 =	simm.s32 @!p2 $0x0  }
0x16: {  	s3 =	sld [smem:$0x3FDB];
	s0 =	simm.s32 @p2 $0x1  }
0x17: {  	s4 =	simm.s32 $0x1BF5;
	[smem:$0x3FAC] =	sst s0  }
0x18: {  	s0 =	sld [smem:$0x3F8F];
	_ =	swait.ge [sflag:s4], $0x0  }
0x19: {  	s7 =	sld [smem:$0x3F90]  }
0x1a: {  	s8 =	sadd.s32 $0xFFFFE003, lr  }
0x1b: {  	s9 =	sadd.s32 $0xFFFFFEF7, lr;
	s5 =	simm.s32 $0xFFFFFFFF;
	p2 =	slt.u32 s8, $0xFFFFF086  }
0x1c: {  	p1 =	slt.u32 s9, $0xF7A;
	s5 =	simm.s32 @!p2 $0x0  }
0x1d: {  	s5 =	simm.s32 @p1 $0x1;
	p0 =	seq.s32 s7, s2  }
0x1e: {  	s7 =	smul.u32 @!p0 $0xF7A, s2;
	p2 =	seq.s32 @!p0 s5, $0x0  }
0x1f: {  	s9 =	smul.u32 $0xF7A, s1;
	s8 =	simm.s32 @!p0 $0x1BF5;
	p2 =	por !p2, p0  }
0x20: {  	[sflag:s8] =	ssyncset.s32 @!p0 $0xFFFFF086;
	s6 =	sadd.s32 @!p0 s3, s7;
	s7 =	simm.s32 @!p0 $0x108  }
0x21: {  	s3 =	sadd.s32 s3, s9;
	s6 =	sadd.s32 @!p0 $0x88, s6;
	s7 =	simm.s32 @p2 $0x1082  }
0x22: {  	[simem:s7], [sflag:s8] =	dma.local @!p0 [hbm:s6], $0xF7A  }
0x23: {  	s9 =	sor.u32 $0xD0000000, s2;
	s6 =	simm.s32 $0x108;
	_ =	swait.ge @!p0 [sflag:s8], $0x0  }
0x24: {  	s3 =	sadd.s32 $0x88, s3;
	s6 =	simm.s32 @!p1 $0x1082;
	[sflag:s4] =	ssyncset.s32 $0xFFFFF086  }
0x25: {  	[simem:s6], [sflag:s4] =	dma.local [hbm:s3], $0xF7A  }
0x26: {  	[smem:$0x3F90] =	sst s1;
	(tag) =	ssettag s2;
	_ =	strace s9  }
0x27: {  	s1 =	sld [smem:$0x3FA0]  }
0x28: {  	s2 =	sld [smem:$0x3FA1]  }
0x29: {  	s4 =	sld [smem:$0x3FA3]  }
0x2a: {  	p0 =	seq.s32 s5, $0x0;
	s5 =	sld [smem:$0x3FA4]  }
0x2b: {  	s6 =	sld [smem:$0x3FA5]  }
0x2c: {  	s7 =	sld [smem:$0x3FA6]  }
0x2d: {  	s3 =	simm.s32 $0x108;
	s8 =	sld [smem:$0x3FA7]  }
0x2e: {  	s3 =	simm.s32 @!p0 $0x1082;
	s9 =	sld [smem:$0x3FA8]  }
0x2f: {  	lr =	sadd.s32 s0, s3;
	s0 =	sld [smem:$0x3F9F]  }
0x30: {  	s3 =	sld [smem:$0x3FA2]  }
0x31: {  	[smem:$0x3FAB] =	sst s10  }
0x32: {  	s10 =	sld [smem:$0x3FA9];
	_ =	sdelay $0x3  }
0x33: {  	p0 =	seq.s32 s10, $0x1;
	s10 =	sld [smem:$0x3FAB];
	_ =	sdelay $0x3  }
0x34: {  	[smem:$0x3FAB] =	sst s10  }
0x35: {  	s10 =	sld [smem:$0x3FAA];
	_ =	sdelay $0x3  }
0x36: {  	p1 =	seq.s32 s10, $0x1;
	s10 =	sld [smem:$0x3FAB];
	_ =	sdelay $0x3  }
0x37: {  	[smem:$0x3FAB] =	sst s10  }
0x38: {  	s10 =	sld [smem:$0x3FAC]  }
0x39: {  	_ = 	snop;
	(pc) =	sbr.ind lr, $3  }
0x3a: {  	_ = 	snop  }
0x3b: {  	_ = 	snop  }
0x3c: {  	p2 =	seq.s32 s10, $0x1;
	s10 =	sld [smem:$0x3FAB]  }
0x3d: {  	_ =	shalt  }
0x3e: {  	_ =	shalt  }
0x3f: {  	_ =	shalt  }
0x40: {  	_ =	shalt  }
0x41: {  	_ =	shalt  }
0x42: {  	_ =	shalt  }
0x43: {  	_ =	shalt  }
0x44: {  	_ =	shalt  }
0x45: {  	_ =	shalt  }
0x46: {  	_ =	shalt  }
0x47: {  	_ =	shalt  }
0x48: {  	_ =	shalt  }
0x49: {  	_ =	shalt  }
0x4a: {  	_ =	shalt  }
0x4b: {  	_ =	shalt  }
0x4c: {  	_ =	shalt  }
0x4d: {  	_ =	shalt  }
0x4e: {  	_ =	shalt  }
0x4f: {  	_ =	shalt  }
0x50: {  	_ =	shalt  }
0x51: {  	_ =	shalt  }
0x52: {  	_ =	shalt  }
0x53: {  	_ =	shalt  }
0x54: {  	_ =	shalt  }
0x55: {  	_ =	shalt  }
0x56: {  	_ =	shalt  }
0x57: {  	_ =	shalt  }
0x58: {  	_ =	shalt  }
0x59: {  	_ =	shalt  }
0x5a: {  	_ =	shalt  }
0x5b: {  	_ =	shalt  }
0x5c: {  	_ =	shalt  }
0x5d: {  	_ =	shalt  }
0x5e: {  	_ =	shalt  }
0x5f: {  	_ =	shalt  }
0x60: {  	_ =	shalt  }
0x61: {  	_ =	shalt  }
0x62: {  	_ =	shalt  }
0x63: {  	_ =	shalt  }
0x64: {  	_ =	shalt  }
0x65: {  	_ =	shalt  }
0x66: {  	_ =	shalt  }
0x67: {  	_ =	shalt  }
0x68: {  	_ =	shalt  }
0x69: {  	_ =	shalt  }
0x6a: {  	_ =	shalt  }
0x6b: {  	_ =	shalt  }
0x6c: {  	_ =	shalt  }
0x6d: {  	_ =	shalt  }
0x6e: {  	_ =	shalt  }
0x6f: {  	_ =	shalt  }
0x70: {  	_ =	shalt  }
0x71: {  	_ =	shalt  }
0x72: {  	_ =	shalt  }
0x73: {  	_ =	shalt  }
0x74: {  	_ =	shalt  }
0x75: {  	_ =	shalt  }
0x76: {  	_ =	shalt  }
0x77: {  	_ =	shalt  }
0x78: {  	_ =	shalt  }
0x79: {  	_ =	shalt  }
0x7a: {  	_ =	shalt  }
0x7b: {  	_ =	shalt  }
0x7c: {  	_ =	shalt  }
0x7d: {  	_ =	shalt  }
0x7e: {  	_ =	shalt  }
0x7f: {  	_ =	shalt  }
0x80: {  	_ =	shalt  }
0x81: {  	_ =	shalt  }
0x82: {  	_ =	shalt  }
0x83: {  	_ =	shalt  }
0x84: {  	_ =	shalt  }
0x85: {  	_ =	shalt  }
0x86: {  	_ =	shalt  }
0x87: {  	_ =	shalt  }
.Lfunc_end0:
.L_simem_size_0:
called_computation_lowered:
.L_overlay_start_0:
0x88: {  	s2 =	sld [smem:$0x3FD9]  }
0x89: {  	s3 =	sld [smem:$0x3FFE];
	_ =	sdelay $0x1  }
0x8a: {  	s1 =	srdreg.scid  }
0x8b: {  	s0 =	sand.u32 $0x1, s1  }
0x8c: {  	s16 =	sshll.u32 s0, $0xA;
	s2 =	sadd.s32 s3, s2  }
0x8d: {  	s2 =	sadd.s32 s2, s16  }
0x8e: {  	[smem:$0x3FB7] =	sst s2  }
0x8f: {  	_ = 	snop  }
0x90: {  	(tm) =	ssettm $0x1  }
0x91: {  	s17 =	sld [smem:$0x3FFB];
	_ =	sdelay $0x3  }
0x92: {  	_ =	strace s17  }
0x93: {  	s2 =	sld [smem:$0x3FFC];
	_ =	sdelay $0x3  }
0x94: {  	_ =	strace s2  }
0x95: {  	s2 =	sld [smem:$0x3FFD];
	_ =	sdelay $0x3  }
0x96: {  	_ =	strace s2  }
0x97: {  	_ =	strace $0x8FFFFFFF  }
0x98: {  	s18 =	sld [smem:$0x3FDB];
	_ =	sdelay $0x1  }
0x99: {  	s19 =	simm.s32 $_scs_section_size  }
0x9a: {  	s4 =	simm.s32 $_size__tile_overlayer_lowered;
	s5 =	simm.s32 $_tile_overlayer_lowered  }
0x9b: {  	s22 =	simm.s32 $0x1BFF;
	s21 =	sshll.u32 s5, $0x1;
	s2 =	sadd.s32 s19, s18  }
0x9c: {  	s6 =	simm.s32 $0x0;
	s20 =	sshll.u32 s4, $0x1;
	s4 =	sadd.s32 s21, s2  }
0x9d: {  	[timem:s6], [sflag:s22] =	dma.local [hbm:s4], s20  }
0x9e: {  	_ =	swait.ge [sflag:s22], s20  }
0x9f: {  	s3 =	ssub.s32 $0x0, s20;
	[sflag:s22] =	ssyncset.done $0x0  }
0xa0: {  	[sflag:s22] =	ssyncadd.s32 s3;
	_ =	sdelay $0x1  }
0xa1: {  	s23 =	simm.s32 $0x1B8B  }
0xa2: {  	_ =	swait.ge [sflag:s23], $0x1  }
0xa3: {  	[sflag:s23] =	ssyncset.done $0x0  }
0xa4: {  	s25 =	simm.s32 $0x1B8E;
	s24 =	sld [smem:$0x3FFE];
	[sflag:s23] =	ssyncadd.s32 $0xFFFFFFFF  }
0xa5: {  	s26 =	simm.s32 $execute0_lowered;
	[smem:$0x3FD2] =	sst s25  }
0xa6: {  	s4 =	sshll.u32 s26, $0x1;
	_ =	strace $0x80000046;
	[dreg:$0x1] =	wrdreg $0xFFFFFFFF  }
0xa7: {  	s28 =	simm.s32 $_size_execute0_lowered;
	s2 =	sadd.s32 s2, s4;
	[dreg:$0x0] =	wrdreg $0x0  }
0xa8: {  	s4 =	sshll.u32 s28, $0x1;
	[dreg:$0x2] =	wrdreg s2  }
0xa9: {  	[dreg:$0x3] =	wrdreg s4  }
0xaa: {  	[dreg:$0x4] =	wrdreg $0xC0  }
0xab: {  	_ =	task [dreg:s6], $0x5FFFF  }
0xac: {  	[dreg:$0x1] =	wrdreg $0xFFFFFFFF  }
0xad: {  	[dreg:$0x0] =	wrdreg $0x60  }
0xae: {  	[dreg:$0x2] =	wrdreg s24  }
0xaf: {  	[dreg:$0x3] =	wrdreg $0x92400  }
0xb0: {  	[dreg:$0x4] =	wrdreg $0x9  }
0xb1: {  	_ =	task.clear_ibuf [dreg:s6], $0x5FFFF;
	_ =	strace $0x90000046  }
0xb2: {  	s29 =	simm.s32 $0x9;
	_ =	strace $0x80000048  }
0xb3: {  	_ =	swait.ge [sflag:s29], $0x1  }
0xb4: {  	[sflag:s29] =	ssyncadd.s32 $0xFFFFFFFF  }
0xb5: {  	_ =	strace $0x90000048  }
0xb6: {  	_ =	sfence  }
0xb7: {  	s30 =	sld [smem:$0x0];
	_ =	sdelay $0x2  }
0xb8: {  	s31 =	sshll.u32 s1, $0xD;
	s1 =	sshrl.u32 s1, $0x2  }
0xb9: {  	s3 =	sand.u32 $0x4000, s31;
	s1 =	sadd.s32 s1, s30  }
0xba: {  	s0 =	sor.u32 s3, s0;
	s1 =	sshll.u32 s1, $0x11  }
0xbb: {  	s0 =	sor.u32 s1, s0  }
0xbc: {  	s0 =	sadd.s32 $0x8F2B, s0  }
0xbd: {  	[sflag:s0] =	ssyncadd.remote.s32 $0x1  }
0xbe: {  	_ =	sfence.sel $0xFFFF  }
0xbf: {  	[dreg:$0x0] =	wrdreg $0xFFFFFFFF;
	(pc) =	sbr.abs _section_cstart, $3  }
0xc0: {  	[dreg:$0x1] =	wrdreg $0xFFFFFFFF  }
0xc1: {  	_ =	task.clear_ibuf [dreg:s6], $0x2FFFF;
	_ =	strace $0x9FFFFFFF  }
0xc2: {  	(tm) =	ssettm $0x7FFFFFFF  }
0xc3: {  	_ =	shalt  }
tec
execute0_lowered:
.L_overlay_start_1:
0x0: {  	(tag) =	ssettag $0x1  }
0x1: {  	s0 =	rddreg [dreg:$0x0]  }
0x2: {  	s2 =	rddreg [dreg:$0x1];
	s3 =	simm.s32 $0x0  }
0x3: {  	s13 =	stileid.u32;
	s1 =	srdreg.scid;
	s17 =	simm.s32 $0x5  }
0x4: {  	s18 =	simm.s32 $0xA0;
	s19 =	simm.s32 $0x1;
	s20 =	simm.s32 $0x50  }
0x5: {  	s21 =	simm.s32 $0x140;
	s28 =	simm.s32 $0x3;
	s29 =	simm.s32 $0x6540  }
0x6: {  	s30 =	simm.s32 $0x4;
	s31 =	simm.s32 $0x0;
	[smem:$0x7FF] =	sst s3  }
0x7: {  	s8 =	smul.u32 $0x16380, s13;
	s1 =	sand.u32 $0x1, s1;
	s4 =	sadd.s32 $0x2200, s0  }
0x8: {  	s5 =	sadd.s32 $0x2E200, s0;
	s6 =	sadd.s32 $0x3D000, s0;
	s7 =	sadd.s32 $0x33200, s0  }
0x9: {  	s24 =	sshll.u32 s13, $0x6;
	_ =	strace $0x80000047;
	s9 =	smul.u32 $0x163800, s1  }
0xa: {  	s11 =	ssub.s32 $0x2, s1;
	s1 =	sshll.u32 s1, $0x4;
	s10 =	sshrl.u32 s8, $0x3  }
0xb: {  	s22 =	sshrl.u32 s11, $0x1;
	s1 =	sor.u32 s13, s1;
	s10 =	sadd.s32 s10, s0  }
0xc: {  	s9 =	sadd.s32 s8, s9;
	s11 =	ssub.s32 s11, s22;
	s8 =	sadd.s32 s8, s2  }
0xd: {  	s12 =	smul.u32 $0x4E2, s1;
	s22 =	simm.s32 $0x5B40;
	s9 =	sshrl.u32 s9, $0x3  }
0xe: {  	s23 =	sadd.s32 $0x46E00, s10;
	s10 =	sor.u32 $0x1C05, s24;
	s15 =	smax.u32 s11, $0x1  }
0xf: {  	s16 =	sshrl.u32 s8, $0x3;
	s24 =	simm.s32 $0x2;
	s0 =	sadd.s32 s9, s0  }
0x10: {  	[dreg:$0x3] =	wrdreg s23;
	s9 =	smul.u32 $0x7D, s1;
	s25 =	sadd.s32 s6, s12  }
0x11: {  	s26 =	sadd.s32 s7, s12;
	s23 =	simm.s32 $0xF0;
	[dreg:$0x4] =	wrdreg s25  }
0x12: {  	[dreg:$0x5] =	wrdreg s26;
	s0 =	sadd.s32 $0x73600, s0;
	s25 =	simm.s32 $0x2E40  }
0x13: {  	s26 =	simm.s32 $0x6040;
	s13 =	sadd.s32 $0x1, s9;
	[dreg:$0x6] =	wrdreg s0  }
.LBB2_1:
0x14: {  	s0 =	rddreg [dreg:$0x3]  }
0x15: {  	[spmem:s16], [sflag:s10] =	dma.local [hbm:s0], $0x2C70  }
0x16: {  	_ =	swait.ge [sflag:s17], $0x2C70  }
0x17: {  	[sflag:s17] =	ssyncset.done $0x0  }
0x18: {  	[sflag:s17] =	ssyncadd.s32 $0xFFFFD390  }
0x19: {  	[bflag:$0x0] =	sbarrier.arrive $0xFFFF  }
0x1a: {  	s12 =	rddreg [dreg:$0x4]  }
0x1b: {  	[tilespmem:s3], [sflag:$0x1] =	stream.linear.gather [hbm4b:s12+s3], $0x50, $0x38;
	[tilespmem:$0x1F5C0] =	vst v63  }
0x1c: {  	s14 =	rddreg [dreg:$0x5]  }
0x1d: {  	[tilespmem:s18], [sflag:$0x1] =	stream.linear.gather [hbm4b:s14+s3], $0x50, $0x38;
	[tilespmem:$0x1F5C0] =	vst v63  }
0x1e: {  	_ =	swait.ge [sflag:s19], $0x50  }
0x1f: {  	[sflag:s19] =	ssyncset.done $0x0  }
0x20: {  	[sflag:s19] =	ssyncadd.s32 $0xFFFFFFB0  }
0x21: {  	_ =	swait.ge [sflag:s19], $0x50  }
0x22: {  	[sflag:s19] =	ssyncset.done $0x0  }
0x23: {  	[sflag:s19] =	ssyncadd.s32 $0xFFFFFFB0  }
0x24: {  	[tilespmem:s21], [sflag:$0x3] =	stream.indirect.gather [hbm4b:s4+s20], $0x90, s3, s20, $0xb8;
	[tilespmem:$0x1F5C0] =	vst v63  }
0x25: {  	s0 =	simm.s32 $0x0  }
0x26: {  	[tilespmem:s22], [sflag:$0x3] =	stream.indirect.gather [hbm4b:s5+s20], $0x10, s18, s20, $0xb8;
	[tilespmem:$0x1F5C0] =	vst v63  }
.LBB2_2:
0x27: {  	s1 =	sshll.u32 s0, $0x1  }
0x28: {  	s8 =	sadd.s32 s9, s1  }
0x29: {  	s8 =	smul.u32 $0x50, s8;
	_ =	sdelay $0x1  }
0x2a: {  	s8 =	sshrl.u32 s8, $0x3  }
0x2b: {  	s8 =	sadd.s32 $0xA, s8  }
0x2c: {  	s12 =	simm.s32 $0x0;
	s11 =	sadd.s32 s6, s8  }
0x2d: {  	[tilespmem:s20], [sflag:$0x2] =	stream.linear.gather [hbm4b:s11+s12], $0x50, $0x38;
	[tilespmem:$0x1F5C0] =	vst v63  }
0x2e: {  	s8 =	sadd.s32 s7, s8  }
0x2f: {  	[tilespmem:s23], [sflag:$0x2] =	stream.linear.gather [hbm4b:s8+s12], $0x50, $0x38;
	[tilespmem:$0x1F5C0] =	vst v63  }
0x30: {  	_ =	swait.ge [sflag:s24], $0x50  }
0x31: {  	[sflag:s24] =	ssyncset.done $0x0  }
0x32: {  	[sflag:s24] =	ssyncadd.s32 $0xFFFFFFB0  }
0x33: {  	_ =	swait.ge [sflag:s24], $0x50  }
0x34: {  	[sflag:s24] =	ssyncset.done $0x0  }
0x35: {  	[sflag:s24] =	ssyncadd.s32 $0xFFFFFFB0  }
0x36: {  	[tilespmem:s25], [sflag:$0x4] =	stream.indirect.gather [hbm4b:s4+s20], $0x90, s20, s20, $0xb8;
	[tilespmem:$0x1F5C0] =	vst v63  }
0x37: {  	_ = 	snop  }
0x38: {  	[tilespmem:s26], [sflag:$0x4] =	stream.indirect.gather [hbm4b:s5+s20], $0x10, s23, s20, $0xb8;
	[tilespmem:$0x1F5C0] =	vst v63  }
0x39: {  	_ =	swait.ge [sflag:s28], $0x2D00  }
0x3a: {  	[sflag:s28] =	ssyncset.done $0x0  }
0x3b: {  	[sflag:s28] =	ssyncadd.s32 $0xFFFFD300  }
0x3c: {  	_ =	swait.ge [sflag:s28], $0x500  }
0x3d: {  	[sflag:s28] =	ssyncset.done $0x0  }
0x3e: {  	s8 =	simm.s32 $0x0;
	[sflag:s28] =	ssyncadd.s32 $0xFFFFFB00  }
0x3f: {  	s11 =	simm.s32 $0x5B40;
	s12 =	simm.s32 $0x240;
	v0 =	vld [tilespmem:s8+$0x1C0]  }
.LBB2_3:
0x40: {  	p0 =	sne.s32 s12, $0xB1C0;
	v1 =	vld [tilespmem:s11+$0x0];
	_ =	sdelay $0x4  }
0x41: {  	v0 =	vadd.f32 v1, v0;
	_ =	sdelay $0x1  }
0x42: {  	v1 =	vmul.f32 $2.000000030e-01, v0  }
0x43: {  	vm0 =	vgt.f32 v0, $0.0e+00  }
0x44: {  	v0 =	vsel vm0, v0, v1  }
0x45: {  	v0 =	vmul.f32 $1.442695020e+00, v0;
	_ =	sdelay $0x1  }
0x46: {  	(erf) = vpow2.f32 v0  }
0x47: {  	v0 =	vld [tilespmem:s8+$0x140]  }
0x48: {  	v1 =	vld [tilespmem:s8+$0x150]  }
0x49: {  	v2 =	vld [tilespmem:s8+$0x160]  }
0x4a: {  	v3 =	vld [tilespmem:s8+$0x170]  }
0x4b: {  	v4 =	vld [tilespmem:s8+$0x180]  }
0x4c: {  	v5 =	vld [tilespmem:s8+$0x190]  }
0x4d: {  	v6 =	vld [tilespmem:s8+$0x1A0]  }
0x4e: {  	v7 =	vld [tilespmem:s8+$0x1B0]  }
0x4f: {  	v8 =	vpop (erf)  }
0x50: {  	[tilespmem:s8+$0x65C0] =	vst v8;
	v0 =	vmul.f32 v8, v0;
	v1 =	vmul.f32 v8, v1  }
0x51: {  	v2 =	vmul.f32 v2, v8;
	v3 =	vmul.f32 v3, v8  }
0x52: {  	[tilespmem:s8+$0x6540] =	vst v0;
	v0 =	vmul.f32 v4, v8;
	v4 =	vmul.f32 v5, v8  }
0x53: {  	[tilespmem:s8+$0x6550] =	vst v1;
	v1 =	vmul.f32 v6, v8;
	v5 =	vmul.f32 v7, v8  }
0x54: {  	[tilespmem:s8+$0x6560] =	vst v2  }
.Ltmp0:
0x55: {  	[tilespmem:s8+$0x6570] =	vst v3;
	(pc) =	sbr.rel @p0 .LBB2_3-.Ltmp0, $4  }
0x56: {  	[tilespmem:s8+$0x6580] =	vst v0  }
0x57: {  	[tilespmem:s8+$0x6590] =	vst v4  }
0x58: {  	s14 =	sshra.s32 s12, $0x2;
	[tilespmem:s8+$0x65A0] =	vst v1  }
0x59: {  	s12 =	sadd.s32 $0x240, s12;
	s11 =	sadd.s32 $0x10, s11;
	v0 =	vld [tilespmem:s14+$0x1C0];
	[tilespmem:s8+$0x65B0] =	vst v5;
	s8 =	smov.u32 s14  }
0x5a: {  	v1 =	vld [tilespmem:s11+$0x0];
	_ =	sdelay $0x4  }
0x5b: {  	v0 =	vadd.f32 v1, v0;
	_ =	sdelay $0x1  }
0x5c: {  	v1 =	vmul.f32 $2.000000030e-01, v0  }
0x5d: {  	vm0 =	vgt.f32 v0, $0.0e+00  }
0x5e: {  	v0 =	vsel vm0, v0, v1  }
0x5f: {  	v0 =	vmul.f32 $1.442695020e+00, v0;
	_ =	sdelay $0x1  }
0x60: {  	(erf) = vpow2.f32 v0;
	_ =	sdelay $0x4  }
0x61: {  	v0 =	vld [tilespmem:s8+$0x140]  }
0x62: {  	v1 =	vld [tilespmem:s8+$0x150]  }
0x63: {  	v2 =	vld [tilespmem:s8+$0x160]  }
0x64: {  	v3 =	vld [tilespmem:s8+$0x170]  }
0x65: {  	v4 =	vld [tilespmem:s8+$0x180];
	v7 =	vpop (erf)  }
0x66: {  	v5 =	vld [tilespmem:s8+$0x190];
	v0 =	vmul.f32 v7, v0  }
0x67: {  	v6 =	vld [tilespmem:s8+$0x1A0];
	[tilespmem:s8+$0x65C0] =	vst v7;
	v1 =	vmul.f32 v7, v1  }
0x68: {  	v8 =	vld [tilespmem:s8+$0x1B0];
	v2 =	vmul.f32 v2, v7;
	[tilespmem:s8+$0x6540] =	vst v0  }
0x69: {  	v0 =	vmul.f32 v3, v7;
	[tilespmem:s8+$0x6550] =	vst v1  }
0x6a: {  	v1 =	vmul.f32 v4, v7;
	[tilespmem:s8+$0x6560] =	vst v2  }
0x6b: {  	v2 =	vmul.f32 v5, v7;
	[tilespmem:s8+$0x6570] =	vst v0  }
0x6c: {  	v0 =	vmul.f32 v6, v7;
	[tilespmem:s8+$0x6580] =	vst v1  }
0x6d: {  	v1 =	vmul.f32 v8, v7;
	[tilespmem:s8+$0x6590] =	vst v2  }
0x6e: {  	s1 =	sadd.s32 s1, s13;
	[tilespmem:s8+$0x65A0] =	vst v0  }
0x6f: {  	s1 =	smul.u32 $0x50, s1;
	[tilespmem:s8+$0x65B0] =	vst v1  }
0x70: {  	[spmem:s2] =	stream.indirect.scatter.add.f32 [tilespmem:s29], [sflag:$0x5], $0x90, s18, s20, $0xb8;
	[tilespmem:$0x1F5C0] =	vst v63  }
0x71: {  	s1 =	sshrl.u32 s1, $0x3;
	_ =	swait.ge [sflag:s17], $0x2D00  }
0x72: {  	s1 =	sadd.s32 $0xA, s1;
	[sflag:s17] =	ssyncset.done $0x0  }
0x73: {  	s14 =	sadd.s32 s6, s1;
	[sflag:s17] =	ssyncadd.s32 $0xFFFFD300  }
0x74: {  	[tilespmem:s3], [sflag:$0x1] =	stream.linear.gather [hbm4b:s14+s3], $0x50, $0x38;
	[tilespmem:$0x1F5C0] =	vst v63  }
0x75: {  	s1 =	sadd.s32 s7, s1  }
0x76: {  	[tilespmem:s18], [sflag:$0x1] =	stream.linear.gather [hbm4b:s1+s3], $0x50, $0x38;
	[tilespmem:$0x1F5C0] =	vst v63  }
0x77: {  	_ =	swait.ge [sflag:s19], $0x50  }
0x78: {  	[sflag:s19] =	ssyncset.done $0x0  }
0x79: {  	[sflag:s19] =	ssyncadd.s32 $0xFFFFFFB0  }
0x7a: {  	_ =	swait.ge [sflag:s19], $0x50  }
0x7b: {  	[sflag:s19] =	ssyncset.done $0x0  }
0x7c: {  	[sflag:s19] =	ssyncadd.s32 $0xFFFFFFB0  }
0x7d: {  	[tilespmem:s21], [sflag:$0x3] =	stream.indirect.gather [hbm4b:s4+s20], $0x90, s3, s20, $0xb8;
	[tilespmem:$0x1F5C0] =	vst v63  }
0x7e: {  	_ = 	snop  }
0x7f: {  	[tilespmem:s22], [sflag:$0x3] =	stream.indirect.gather [hbm4b:s5+s20], $0x10, s18, s20, $0xb8;
	[tilespmem:$0x1F5C0] =	vst v63  }
0x80: {  	_ =	swait.ge [sflag:s30], $0x2D00  }
0x81: {  	[sflag:s30] =	ssyncset.done $0x0  }
0x82: {  	[sflag:s30] =	ssyncadd.s32 $0xFFFFD300  }
0x83: {  	_ =	swait.ge [sflag:s30], $0x500  }
0x84: {  	[sflag:s30] =	ssyncset.done $0x0  }
0x85: {  	s1 =	simm.s32 $0x40;
	[sflag:s30] =	ssyncadd.s32 $0xFFFFFB00  }
0x86: {  	s11 =	simm.s32 $0x340;
	s8 =	simm.s32 $0x6040;
	v0 =	vld [tilespmem:s1+$0x2E80]  }
.LBB2_5:
0x87: {  	p0 =	sne.s32 s11, $0xB2C0;
	v1 =	vld [tilespmem:s8+$0x0];
	_ =	sdelay $0x4  }
0x88: {  	v0 =	vadd.f32 v1, v0;
	_ =	sdelay $0x1  }
0x89: {  	v1 =	vmul.f32 $2.000000030e-01, v0  }
0x8a: {  	vm0 =	vgt.f32 v0, $0.0e+00  }
0x8b: {  	v0 =	vsel vm0, v0, v1  }
0x8c: {  	v0 =	vmul.f32 $1.442695020e+00, v0;
	_ =	sdelay $0x1  }
0x8d: {  	(erf) = vpow2.f32 v0  }
0x8e: {  	v0 =	vld [tilespmem:s1+$0x2E00]  }
0x8f: {  	v1 =	vld [tilespmem:s1+$0x2E10]  }
0x90: {  	v2 =	vld [tilespmem:s1+$0x2E20]  }
0x91: {  	v3 =	vld [tilespmem:s1+$0x2E30]  }
0x92: {  	v4 =	vld [tilespmem:s1+$0x2E40]  }
0x93: {  	v5 =	vld [tilespmem:s1+$0x2E50]  }
0x94: {  	v6 =	vld [tilespmem:s1+$0x2E60]  }
0x95: {  	v7 =	vld [tilespmem:s1+$0x2E70]  }
0x96: {  	v8 =	vpop (erf)  }
0x97: {  	[tilespmem:s1+$0x6580] =	vst v8;
	v0 =	vmul.f32 v8, v0;
	v1 =	vmul.f32 v8, v1  }
0x98: {  	v2 =	vmul.f32 v2, v8;
	v3 =	vmul.f32 v3, v8  }
0x99: {  	[tilespmem:s1+$0x6500] =	vst v0;
	v0 =	vmul.f32 v4, v8;
	v4 =	vmul.f32 v5, v8  }
0x9a: {  	[tilespmem:s1+$0x6510] =	vst v1;
	v1 =	vmul.f32 v6, v8;
	v5 =	vmul.f32 v7, v8  }
0x9b: {  	[tilespmem:s1+$0x6520] =	vst v2  }
.Ltmp1:
0x9c: {  	[tilespmem:s1+$0x6530] =	vst v3;
	(pc) =	sbr.rel @p0 .LBB2_5-.Ltmp1, $4  }
0x9d: {  	[tilespmem:s1+$0x6540] =	vst v0  }
0x9e: {  	[tilespmem:s1+$0x6550] =	vst v4  }
0x9f: {  	s12 =	sshra.s32 s11, $0x2;
	[tilespmem:s1+$0x6560] =	vst v1  }
0xa0: {  	s11 =	sadd.s32 $0x240, s11;
	s8 =	sadd.s32 $0x10, s8;
	v0 =	vld [tilespmem:s12+$0x2E80];
	[tilespmem:s1+$0x6570] =	vst v5;
	s1 =	smov.u32 s12  }
0xa1: {  	v1 =	vld [tilespmem:s8+$0x0];
	_ =	sdelay $0x4  }
0xa2: {  	v0 =	vadd.f32 v1, v0;
	_ =	sdelay $0x1  }
0xa3: {  	v1 =	vmul.f32 $2.000000030e-01, v0  }
0xa4: {  	vm0 =	vgt.f32 v0, $0.0e+00  }
0xa5: {  	v0 =	vsel vm0, v0, v1  }
0xa6: {  	v0 =	vmul.f32 $1.442695020e+00, v0;
	_ =	sdelay $0x1  }
0xa7: {  	(erf) = vpow2.f32 v0;
	_ =	sdelay $0x4  }
0xa8: {  	v57 =	vld [tilespmem:s1+$0x2E00]  }
0xa9: {  	v58 =	vld [tilespmem:s1+$0x2E10]  }
0xaa: {  	v2 =	vld [tilespmem:s1+$0x2E20]  }
0xab: {  	v3 =	vld [tilespmem:s1+$0x2E30]  }
0xac: {  	v4 =	vld [tilespmem:s1+$0x2E40];
	v7 =	vpop (erf)  }
0xad: {  	v5 =	vld [tilespmem:s1+$0x2E50];
	v0 =	vmul.f32 v7, v57  }
0xae: {  	v6 =	vld [tilespmem:s1+$0x2E60];
	[tilespmem:s1+$0x6580] =	vst v7;
	v1 =	vmul.f32 v7, v58  }
0xaf: {  	v8 =	vld [tilespmem:s1+$0x2E70];
	v2 =	vmul.f32 v2, v7;
	[tilespmem:s1+$0x6500] =	vst v0  }
0xb0: {  	v59 =	vmul.f32 v3, v7;
	[tilespmem:s1+$0x6510] =	vst v1  }
0xb1: {  	v60 =	vmul.f32 v4, v7;
	[tilespmem:s1+$0x6520] =	vst v2  }
0xb2: {  	v61 =	vmul.f32 v5, v7;
	[tilespmem:s1+$0x6530] =	vst v59  }
0xb3: {  	v62 =	vmul.f32 v6, v7;
	[tilespmem:s1+$0x6540] =	vst v60  }
0xb4: {  	s0 =	sadd.s32 $0x1, s0;
	v63 =	vmul.f32 v8, v7;
	[tilespmem:s1+$0x6550] =	vst v61  }
0xb5: {  	p0 =	sne.s32 s0, $0x3E;
	[tilespmem:s1+$0x6560] =	vst v62  }
.Ltmp2:
0xb6: {  	[tilespmem:s1+$0x6570] =	vst v63;
	(pc) =	sbr.rel @p0 .LBB2_2-.Ltmp2, $4  }
0xb7: {  	[spmem:s2] =	stream.indirect.scatter.add.f32 [tilespmem:s29], [sflag:$0x5], $0x90, s23, s20, $0xb8;
	[tilespmem:$0x1F5C0] =	vst v63  }
0xb8: {  	_ =	swait.ge [sflag:s17], $0x2D00  }
0xb9: {  	[sflag:s17] =	ssyncset.done $0x0  }
0xba: {  	[sflag:s17] =	ssyncadd.s32 $0xFFFFD300  }
0xbb: {  	_ =	swait.ge [sflag:s28], $0x2D00  }
0xbc: {  	[sflag:s28] =	ssyncset.done $0x0  }
0xbd: {  	[sflag:s28] =	ssyncadd.s32 $0xFFFFD300  }
0xbe: {  	_ =	swait.ge [sflag:s28], $0x500  }
0xbf: {  	[sflag:s28] =	ssyncset.done $0x0  }
0xc0: {  	s0 =	simm.s32 $0x0;
	[sflag:s28] =	ssyncadd.s32 $0xFFFFFB00  }
0xc1: {  	s1 =	simm.s32 $0x5B40;
	s8 =	simm.s32 $0x240;
	v0 =	vld [tilespmem:s0+$0x1C0]  }
.LBB2_8:
0xc2: {  	p0 =	sne.s32 s8, $0xB1C0;
	v1 =	vld [tilespmem:s1+$0x0];
	_ =	sdelay $0x4  }
0xc3: {  	v0 =	vadd.f32 v1, v0;
	_ =	sdelay $0x1  }
0xc4: {  	v1 =	vmul.f32 $2.000000030e-01, v0  }
0xc5: {  	vm0 =	vgt.f32 v0, $0.0e+00  }
0xc6: {  	v0 =	vsel vm0, v0, v1  }
0xc7: {  	v0 =	vmul.f32 $1.442695020e+00, v0;
	_ =	sdelay $0x1  }
0xc8: {  	(erf) = vpow2.f32 v0  }
0xc9: {  	v0 =	vld [tilespmem:s0+$0x140]  }
0xca: {  	v1 =	vld [tilespmem:s0+$0x150]  }
0xcb: {  	v2 =	vld [tilespmem:s0+$0x160]  }
0xcc: {  	v3 =	vld [tilespmem:s0+$0x170]  }
0xcd: {  	v4 =	vld [tilespmem:s0+$0x180]  }
0xce: {  	v5 =	vld [tilespmem:s0+$0x190]  }
0xcf: {  	v6 =	vld [tilespmem:s0+$0x1A0]  }
0xd0: {  	v7 =	vld [tilespmem:s0+$0x1B0]  }
0xd1: {  	v8 =	vpop (erf)  }
0xd2: {  	[tilespmem:s0+$0x65C0] =	vst v8;
	v0 =	vmul.f32 v8, v0;
	v1 =	vmul.f32 v8, v1  }
0xd3: {  	v2 =	vmul.f32 v2, v8;
	v3 =	vmul.f32 v3, v8  }
0xd4: {  	[tilespmem:s0+$0x6540] =	vst v0;
	v0 =	vmul.f32 v4, v8;
	v4 =	vmul.f32 v5, v8  }
0xd5: {  	[tilespmem:s0+$0x6550] =	vst v1;
	v1 =	vmul.f32 v6, v8;
	v5 =	vmul.f32 v7, v8  }
0xd6: {  	[tilespmem:s0+$0x6560] =	vst v2  }
.Ltmp3:
0xd7: {  	[tilespmem:s0+$0x6570] =	vst v3;
	(pc) =	sbr.rel @p0 .LBB2_8-.Ltmp3, $4  }
0xd8: {  	[tilespmem:s0+$0x6580] =	vst v0  }
0xd9: {  	[tilespmem:s0+$0x6590] =	vst v4  }
0xda: {  	s11 =	sshra.s32 s8, $0x2;
	[tilespmem:s0+$0x65A0] =	vst v1  }
0xdb: {  	s8 =	sadd.s32 $0x240, s8;
	s1 =	sadd.s32 $0x10, s1;
	v0 =	vld [tilespmem:s11+$0x1C0];
	[tilespmem:s0+$0x65B0] =	vst v5;
	s0 =	smov.u32 s11  }
0xdc: {  	v1 =	vld [tilespmem:s1+$0x0];
	_ =	sdelay $0x4  }
0xdd: {  	v0 =	vadd.f32 v1, v0;
	_ =	sdelay $0x1  }
0xde: {  	v1 =	vmul.f32 $2.000000030e-01, v0  }
0xdf: {  	vm0 =	vgt.f32 v0, $0.0e+00  }
0xe0: {  	v0 =	vsel vm0, v0, v1  }
0xe1: {  	v0 =	vmul.f32 $1.442695020e+00, v0;
	_ =	sdelay $0x1  }
0xe2: {  	(erf) = vpow2.f32 v0;
	_ =	sdelay $0x4  }
0xe3: {  	v57 =	vld [tilespmem:s0+$0x140]  }
0xe4: {  	v58 =	vld [tilespmem:s0+$0x150]  }
0xe5: {  	v2 =	vld [tilespmem:s0+$0x160]  }
0xe6: {  	v3 =	vld [tilespmem:s0+$0x170]  }
0xe7: {  	v4 =	vld [tilespmem:s0+$0x180];
	v7 =	vpop (erf)  }
0xe8: {  	v5 =	vld [tilespmem:s0+$0x190];
	v0 =	vmul.f32 v7, v57  }
0xe9: {  	v6 =	vld [tilespmem:s0+$0x1A0];
	[tilespmem:s0+$0x65C0] =	vst v7;
	v1 =	vmul.f32 v7, v58  }
0xea: {  	v8 =	vld [tilespmem:s0+$0x1B0];
	v2 =	vmul.f32 v2, v7;
	[tilespmem:s0+$0x6540] =	vst v0  }
0xeb: {  	v59 =	vmul.f32 v3, v7;
	[tilespmem:s0+$0x6550] =	vst v1  }
0xec: {  	v60 =	vmul.f32 v4, v7;
	[tilespmem:s0+$0x6560] =	vst v2  }
0xed: {  	v61 =	vmul.f32 v5, v7;
	[tilespmem:s0+$0x6570] =	vst v59  }
0xee: {  	v62 =	vmul.f32 v6, v7;
	[tilespmem:s0+$0x6580] =	vst v60  }
0xef: {  	v63 =	vmul.f32 v8, v7;
	[tilespmem:s0+$0x6590] =	vst v61  }
0xf0: {  	[tilespmem:s0+$0x65A0] =	vst v62  }
0xf1: {  	[tilespmem:s0+$0x65B0] =	vst v63  }
0xf2: {  	[spmem:s2] =	stream.indirect.scatter.add.f32 [tilespmem:s29], [sflag:$0x5], $0x90, s18, s20, $0xb8;
	[tilespmem:$0x1F5C0] =	vst v63  }
0xf3: {  	_ =	swait.ge [sflag:s17], $0x2D00  }
0xf4: {  	[sflag:s17] =	ssyncset.done $0x0  }
0xf5: {  	s31 =	sadd.s32 $0x1, s31;
	[sflag:s17] =	ssyncadd.s32 $0xFFFFD300  }
0xf6: {  	p0 =	sne.s32 s31, s15;
	[bflag:$0x0] =	sbarrier.arrive $0xFFFF  }
.Ltmp4:
0xf7: {  	s14 =	rddreg [dreg:$0x6];
	(pc) =	sbr.rel @p0 .LBB2_1-.Ltmp4, $4  }
0xf8: {  	[hbm:s14], [sflag:s10] =	dma.local [spmem:s16], $0x2C70  }
0xf9: {  	_ =	swait.ge [sflag:s17], $0x2C70  }
0xfa: {  	[sflag:s17] =	ssyncset.done $0x0  }
0xfb: {  	[sflag:s17] =	ssyncadd.s32 $0xFFFFD390  }
0xfc: {  	_ =	sfence.sel $0x180000  }
0xfd: {  	[bflag:$0x0] =	sbarrier.arrive $0xFFFF  }
0xfe: {  	_ =	strace $0x90000047  }
0xff: {  	s0 =	stileid.u32;
	[bflag:$0x2] =	sbarrier.arrive $0xFFFF  }
0x100: {  	p0 =	sne.s32 s0, $0x0;
	s0 =	rddreg [dreg:$0x2]  }
0x101: {  	s0 =	sadd.s32 @!p0 $0x100000, s0  }
0x102: {  	[sflag:s0] =	ssyncadd.tile.s32 @!p0 $0x1;
	_ =	shalt  }
.Lfunc_end2:
_tile_overlayer_lowered:
.L_overlay_start_2:
0x103: {  	(tag) =	ssettag $0x2  }
0x104: {  	s0 =	rddreg [dreg:$0x0];
	s2 =	stileid.u32  }
0x105: {  	s1 =	rddreg [dreg:$0x1];
	p0 =	sne.s32 s2, $0x0  }
0x106: {  	s3 =	rddreg [dreg:$0x2];
	[bflag:$0x3] =	sbarrier.arrive $0xFFFF;
	s2 =	simm.s32 @!p0 $0x1C05  }
0x107: {  	[timem:s3], [sflag:s2] =	dma.local @!p0 [hbm:s0], s1  }
0x108: {  	s0 =	simm.s32 @!p0 $0x5  }
0x109: {  	_ =	swait.ge @!p0 [sflag:s0], s1  }
0x10a: {  	s1 =	ssub.s32 @!p0 $0x0, s1;
	[sflag:s0] =	ssyncset.done @!p0 $0x0  }
0x10b: {  	[sflag:s0] =	ssyncadd.s32 @!p0 s1  }
0x10c: {  	[bflag:$0x3] =	sbarrier.arrive $0xFFFF  }
0x10d: {  	_ =	shalt  }

// kernel: kernel.13.cloned.1.call-start
scs
__scs_entry_jumppad:
0x0: {  	(pc) =	sbr.rel $0x88, $3  }
0x1: {  	(tag) =	ssettag $0x0;
	lr =	simm.s32 $0x1  }
0x2: {  	[smem:$0x3F90] =	sst lr;
	_ =	strace $0xD0000000  }
0x3: {  	_ = 	snop  }
0x4: {  	_ = 	snop  }
0x5: {  	_ = 	snop  }
0x6: {  	_ = 	snop  }
0x7: {  	_ = 	snop  }
__scs_overlays_trampoline_lowered:
0x8: {  	[smem:$0x3F9F] =	sst s0  }
0x9: {  	[smem:$0x3FA0] =	sst s1  }
0xa: {  	[smem:$0x3FA1] =	sst s2  }
0xb: {  	[smem:$0x3FA2] =	sst s3  }
0xc: {  	[smem:$0x3FA3] =	sst s4  }
0xd: {  	[smem:$0x3FA4] =	sst s5  }
0xe: {  	[smem:$0x3FA5] =	sst s6  }
0xf: {  	[smem:$0x3FA6] =	sst s7  }
0x10: {  	[smem:$0x3FA7] =	sst s8  }
0x11: {  	[smem:$0x3FA8] =	sst s9;
	s0 =	simm.s32 @!p0 $0x0  }
0x12: {  	s1 =	sld [smem:$0x3F8E];
	s0 =	simm.s32 @p0 $0x1  }
0x13: {  	[smem:$0x3FA9] =	sst s0;
	s0 =	simm.s32 @!p1 $0x0  }
0x14: {  	s2 =	sld [smem:$0x3F8D];
	s0 =	simm.s32 @p1 $0x1  }
0x15: {  	[smem:$0x3FAA] =	sst s0;
	s0 =	simm.s32 @!p2 $0x0  }
0x16: {  	s3 =	sld [smem:$0x3FDB];
	s0 =	simm.s32 @p2 $0x1  }
0x17: {  	s4 =	simm.s32 $0x1BF5;
	[smem:$0x3FAC] =	sst s0  }
0x18: {  	s0 =	sld [smem:$0x3F8F];
	_ =	swait.ge [sflag:s4], $0x0  }
0x19: {  	s7 =	sld [smem:$0x3F90]  }
0x1a: {  	s8 =	sadd.s32 $0xFFFFE003, lr  }
0x1b: {  	s9 =	sadd.s32 $0xFFFFFEF7, lr;
	s5 =	simm.s32 $0xFFFFFFFF;
	p2 =	slt.u32 s8, $0xFFFFF086  }
0x1c: {  	p1 =	slt.u32 s9, $0xF7A;
	s5 =	simm.s32 @!p2 $0x0  }
0x1d: {  	s5 =	simm.s32 @p1 $0x1;
	p0 =	seq.s32 s7, s2  }
0x1e: {  	s7 =	smul.u32 @!p0 $0xF7A, s2;
	p2 =	seq.s32 @!p0 s5, $0x0  }
0x1f: {  	s9 =	smul.u32 $0xF7A, s1;
	s8 =	simm.s32 @!p0 $0x1BF5;
	p2 =	por !p2, p0  }
0x20: {  	[sflag:s8] =	ssyncset.s32 @!p0 $0xFFFFF086;
	s6 =	sadd.s32 @!p0 s3, s7;
	s7 =	simm.s32 @!p0 $0x108  }
0x21: {  	s3 =	sadd.s32 s3, s9;
	s6 =	sadd.s32 @!p0 $0x88, s6;
	s7 =	simm.s32 @p2 $0x1082  }
0x22: {  	[simem:s7], [sflag:s8] =	dma.local @!p0 [hbm:s6], $0xF7A  }
0x23: {  	s9 =	sor.u32 $0xD0000000, s2;
	s6 =	simm.s32 $0x108;
	_ =	swait.ge @!p0 [sflag:s8], $0x0  }
0x24: {  	s3 =	sadd.s32 $0x88, s3;
	s6 =	simm.s32 @!p1 $0x1082;
	[sflag:s4] =	ssyncset.s32 $0xFFFFF086  }
0x25: {  	[simem:s6], [sflag:s4] =	dma.local [hbm:s3], $0xF7A  }
0x26: {  	[smem:$0x3F90] =	sst s1;
	(tag) =	ssettag s2;
	_ =	strace s9  }
0x27: {  	s1 =	sld [smem:$0x3FA0]  }
0x28: {  	s2 =	sld [smem:$0x3FA1]  }
0x29: {  	s4 =	sld [smem:$0x3FA3]  }
0x2a: {  	p0 =	seq.s32 s5, $0x0;
	s5 =	sld [smem:$0x3FA4]  }
0x2b: {  	s6 =	sld [smem:$0x3FA5]  }
0x2c: {  	s7 =	sld [smem:$0x3FA6]  }
0x2d: {  	s3 =	simm.s32 $0x108;
	s8 =	sld [smem:$0x3FA7]  }
0x2e: {  	s3 =	simm.s32 @!p0 $0x1082;
	s9 =	sld [smem:$0x3FA8]  }
0x2f: {  	lr =	sadd.s32 s0, s3;
	s0 =	sld [smem:$0x3F9F]  }
0x30: {  	s3 =	sld [smem:$0x3FA2]  }
0x31: {  	[smem:$0x3FAB] =	sst s10  }
0x32: {  	s10 =	sld [smem:$0x3FA9];
	_ =	sdelay $0x3  }
0x33: {  	p0 =	seq.s32 s10, $0x1;
	s10 =	sld [smem:$0x3FAB];
	_ =	sdelay $0x3  }
0x34: {  	[smem:$0x3FAB] =	sst s10  }
0x35: {  	s10 =	sld [smem:$0x3FAA];
	_ =	sdelay $0x3  }
0x36: {  	p1 =	seq.s32 s10, $0x1;
	s10 =	sld [smem:$0x3FAB];
	_ =	sdelay $0x3  }
0x37: {  	[smem:$0x3FAB] =	sst s10  }
0x38: {  	s10 =	sld [smem:$0x3FAC]  }
0x39: {  	_ = 	snop;
	(pc) =	sbr.ind lr, $3  }
0x3a: {  	_ = 	snop  }
0x3b: {  	_ = 	snop  }
0x3c: {  	p2 =	seq.s32 s10, $0x1;
	s10 =	sld [smem:$0x3FAB]  }
0x3d: {  	_ =	shalt  }
0x3e: {  	_ =	shalt  }
0x3f: {  	_ =	shalt  }
0x40: {  	_ =	shalt  }
0x41: {  	_ =	shalt  }
0x42: {  	_ =	shalt  }
0x43: {  	_ =	shalt  }
0x44: {  	_ =	shalt  }
0x45: {  	_ =	shalt  }
0x46: {  	_ =	shalt  }
0x47: {  	_ =	shalt  }
0x48: {  	_ =	shalt  }
0x49: {  	_ =	shalt  }
0x4a: {  	_ =	shalt  }
0x4b: {  	_ =	shalt  }
0x4c: {  	_ =	shalt  }
0x4d: {  	_ =	shalt  }
0x4e: {  	_ =	shalt  }
0x4f: {  	_ =	shalt  }
0x50: {  	_ =	shalt  }
0x51: {  	_ =	shalt  }
0x52: {  	_ =	shalt  }
0x53: {  	_ =	shalt  }
0x54: {  	_ =	shalt  }
0x55: {  	_ =	shalt  }
0x56: {  	_ =	shalt  }
0x57: {  	_ =	shalt  }
0x58: {  	_ =	shalt  }
0x59: {  	_ =	shalt  }
0x5a: {  	_ =	shalt  }
0x5b: {  	_ =	shalt  }
0x5c: {  	_ =	shalt  }
0x5d: {  	_ =	shalt  }
0x5e: {  	_ =	shalt  }
0x5f: {  	_ =	shalt  }
0x60: {  	_ =	shalt  }
0x61: {  	_ =	shalt  }
0x62: {  	_ =	shalt  }
0x63: {  	_ =	shalt  }
0x64: {  	_ =	shalt  }
0x65: {  	_ =	shalt  }
0x66: {  	_ =	shalt  }
0x67: {  	_ =	shalt  }
0x68: {  	_ =	shalt  }
0x69: {  	_ =	shalt  }
0x6a: {  	_ =	shalt  }
0x6b: {  	_ =	shalt  }
0x6c: {  	_ =	shalt  }
0x6d: {  	_ =	shalt  }
0x6e: {  	_ =	shalt  }
0x6f: {  	_ =	shalt  }
0x70: {  	_ =	shalt  }
0x71: {  	_ =	shalt  }
0x72: {  	_ =	shalt  }
0x73: {  	_ =	shalt  }
0x74: {  	_ =	shalt  }
0x75: {  	_ =	shalt  }
0x76: {  	_ =	shalt  }
0x77: {  	_ =	shalt  }
0x78: {  	_ =	shalt  }
0x79: {  	_ =	shalt  }
0x7a: {  	_ =	shalt  }
0x7b: {  	_ =	shalt  }
0x7c: {  	_ =	shalt  }
0x7d: {  	_ =	shalt  }
0x7e: {  	_ =	shalt  }
0x7f: {  	_ =	shalt  }
0x80: {  	_ =	shalt  }
0x81: {  	_ =	shalt  }
0x82: {  	_ =	shalt  }
0x83: {  	_ =	shalt  }
0x84: {  	_ =	shalt  }
0x85: {  	_ =	shalt  }
0x86: {  	_ =	shalt  }
0x87: {  	_ =	shalt  }
.Lfunc_end0:
.L_simem_size_0:
called_computation.1_lowered:
.L_overlay_start_0:
0x88: {  	s2 =	sld [smem:$0x3FD9]  }
0x89: {  	s3 =	sld [smem:$0x3FFE];
	_ =	sdelay $0x1  }
0x8a: {  	s1 =	srdreg.scid  }
0x8b: {  	s0 =	sand.u32 $0x1, s1  }
0x8c: {  	s16 =	sshll.u32 s0, $0xA;
	s2 =	sadd.s32 s3, s2  }
0x8d: {  	s2 =	sadd.s32 s2, s16  }
0x8e: {  	[smem:$0x3FB7] =	sst s2  }
0x8f: {  	_ = 	snop  }
0x90: {  	(tm) =	ssettm $0x1  }
0x91: {  	s17 =	sld [smem:$0x3FFB];
	_ =	sdelay $0x3  }
0x92: {  	_ =	strace s17  }
0x93: {  	s2 =	sld [smem:$0x3FFC];
	_ =	sdelay $0x3  }
0x94: {  	_ =	strace s2  }
0x95: {  	s2 =	sld [smem:$0x3FFD];
	_ =	sdelay $0x3  }
0x96: {  	_ =	strace s2  }
0x97: {  	_ =	strace $0x8FFFFFFF  }
0x98: {  	s18 =	sld [smem:$0x3FDB];
	_ =	sdelay $0x1  }
0x99: {  	s19 =	simm.s32 $_scs_section_size  }
0x9a: {  	s4 =	simm.s32 $_size__tile_overlayer_lowered;
	s5 =	simm.s32 $_tile_overlayer_lowered  }
0x9b: {  	s22 =	simm.s32 $0x1BFF;
	s21 =	sshll.u32 s5, $0x1;
	s2 =	sadd.s32 s19, s18  }
0x9c: {  	s6 =	simm.s32 $0x0;
	s20 =	sshll.u32 s4, $0x1;
	s4 =	sadd.s32 s21, s2  }
0x9d: {  	[timem:s6], [sflag:s22] =	dma.local [hbm:s4], s20  }
0x9e: {  	_ =	swait.ge [sflag:s22], s20  }
0x9f: {  	s3 =	ssub.s32 $0x0, s20;
	[sflag:s22] =	ssyncset.done $0x0  }
0xa0: {  	[sflag:s22] =	ssyncadd.s32 s3;
	_ =	sdelay $0x1  }
0xa1: {  	s23 =	simm.s32 $0x1B8B  }
0xa2: {  	_ =	swait.ge [sflag:s23], $0x1  }
0xa3: {  	[sflag:s23] =	ssyncset.done $0x0  }
0xa4: {  	s25 =	simm.s32 $0x1B8E;
	s24 =	sld [smem:$0x3FFE];
	[sflag:s23] =	ssyncadd.s32 $0xFFFFFFFF  }
0xa5: {  	s26 =	simm.s32 $execute0_lowered;
	[smem:$0x3FD2] =	sst s25  }
0xa6: {  	s4 =	sshll.u32 s26, $0x1;
	_ =	strace $0x80000049;
	[dreg:$0x1] =	wrdreg $0xFFFFFFFF  }
0xa7: {  	s28 =	simm.s32 $_size_execute0_lowered;
	s2 =	sadd.s32 s2, s4;
	[dreg:$0x0] =	wrdreg $0x0  }
0xa8: {  	s4 =	sshll.u32 s28, $0x1;
	[dreg:$0x2] =	wrdreg s2  }
0xa9: {  	[dreg:$0x3] =	wrdreg s4  }
0xaa: {  	[dreg:$0x4] =	wrdreg $0xC0  }
0xab: {  	_ =	task [dreg:s6], $0x5FFFF  }
0xac: {  	[dreg:$0x1] =	wrdreg $0xFFFFFFFF  }
0xad: {  	[dreg:$0x0] =	wrdreg $0x60  }
0xae: {  	[dreg:$0x2] =	wrdreg s24  }
0xaf: {  	[dreg:$0x3] =	wrdreg $0x92400  }
0xb0: {  	[dreg:$0x4] =	wrdreg $0x9  }
0xb1: {  	_ =	task.clear_ibuf [dreg:s6], $0x5FFFF;
	_ =	strace $0x90000049  }
0xb2: {  	s29 =	simm.s32 $0x9;
	_ =	strace $0x8000004B  }
0xb3: {  	_ =	swait.ge [sflag:s29], $0x1  }
0xb4: {  	[sflag:s29] =	ssyncadd.s32 $0xFFFFFFFF  }
0xb5: {  	_ =	strace $0x9000004B  }
0xb6: {  	_ =	sfence  }
0xb7: {  	s30 =	sld [smem:$0x0];
	_ =	sdelay $0x2  }
0xb8: {  	s31 =	sshll.u32 s1, $0xD;
	s1 =	sshrl.u32 s1, $0x2  }
0xb9: {  	s3 =	sand.u32 $0x4000, s31;
	s1 =	sadd.s32 s1, s30  }
0xba: {  	s0 =	sor.u32 s3, s0;
	s1 =	sshll.u32 s1, $0x11  }
0xbb: {  	s0 =	sor.u32 s1, s0  }
0xbc: {  	s0 =	sadd.s32 $0x8F2B, s0  }
0xbd: {  	[sflag:s0] =	ssyncadd.remote.s32 $0x1  }
0xbe: {  	_ =	sfence.sel $0xFFFF  }
0xbf: {  	[dreg:$0x0] =	wrdreg $0xFFFFFFFF;
	(pc) =	sbr.abs _section_cstart, $3  }
0xc0: {  	[dreg:$0x1] =	wrdreg $0xFFFFFFFF  }
0xc1: {  	_ =	task.clear_ibuf [dreg:s6], $0x2FFFF;
	_ =	strace $0x9FFFFFFF  }
0xc2: {  	(tm) =	ssettm $0x7FFFFFFF  }
0xc3: {  	_ =	shalt  }
tec
execute0_lowered:
.L_overlay_start_1:
0x0: {  	(tag) =	ssettag $0x1  }
0x1: {  	s0 =	rddreg [dreg:$0x0]  }
0x2: {  	s2 =	rddreg [dreg:$0x1];
	s3 =	simm.s32 $0x0  }
0x3: {  	s13 =	stileid.u32;
	s1 =	srdreg.scid;
	s17 =	simm.s32 $0x5  }
0x4: {  	s18 =	simm.s32 $0xA0;
	s19 =	simm.s32 $0x1;
	s20 =	simm.s32 $0x50  }
0x5: {  	s21 =	simm.s32 $0x140;
	s28 =	simm.s32 $0x3;
	s29 =	simm.s32 $0x6540  }
0x6: {  	s30 =	simm.s32 $0x4;
	s31 =	simm.s32 $0x0;
	[smem:$0x7FF] =	sst s3  }
0x7: {  	s8 =	smul.u32 $0x16380, s13;
	s1 =	sand.u32 $0x1, s1;
	s4 =	sadd.s32 $0x2200, s0  }
0x8: {  	s5 =	sadd.s32 $0x2E200, s0;
	s6 =	sadd.s32 $0x3D000, s0;
	s7 =	sadd.s32 $0x33200, s0  }
0x9: {  	s24 =	sshll.u32 s13, $0x6;
	_ =	strace $0x8000004A;
	s9 =	smul.u32 $0x163800, s1  }
0xa: {  	s11 =	ssub.s32 $0x2, s1;
	s1 =	sshll.u32 s1, $0x4;
	s10 =	sshrl.u32 s8, $0x3  }
0xb: {  	s22 =	sshrl.u32 s11, $0x1;
	s1 =	sor.u32 s13, s1;
	s10 =	sadd.s32 s10, s0  }
0xc: {  	s9 =	sadd.s32 s8, s9;
	s11 =	ssub.s32 s11, s22;
	s8 =	sadd.s32 s8, s2  }
0xd: {  	s12 =	smul.u32 $0x4E2, s1;
	s22 =	simm.s32 $0x5B40;
	s9 =	sshrl.u32 s9, $0x3  }
0xe: {  	s23 =	sadd.s32 $0x46E00, s10;
	s10 =	sor.u32 $0x1C05, s24;
	s15 =	smax.u32 s11, $0x1  }
0xf: {  	s16 =	sshrl.u32 s8, $0x3;
	s24 =	simm.s32 $0x2;
	s0 =	sadd.s32 s9, s0  }
0x10: {  	[dreg:$0x3] =	wrdreg s23;
	s9 =	smul.u32 $0x7D, s1;
	s25 =	sadd.s32 s6, s12  }
0x11: {  	s26 =	sadd.s32 s7, s12;
	s23 =	simm.s32 $0xF0;
	[dreg:$0x4] =	wrdreg s25  }
0x12: {  	[dreg:$0x5] =	wrdreg s26;
	s0 =	sadd.s32 $0x73600, s0;
	s25 =	simm.s32 $0x2E40  }
0x13: {  	s26 =	simm.s32 $0x6040;
	s13 =	sadd.s32 $0x1, s9;
	[dreg:$0x6] =	wrdreg s0  }
.LBB2_1:
0x14: {  	s0 =	rddreg [dreg:$0x3]  }
0x15: {  	[spmem:s16], [sflag:s10] =	dma.local [hbm:s0], $0x2C70  }
0x16: {  	_ =	swait.ge [sflag:s17], $0x2C70  }
0x17: {  	[sflag:s17] =	ssyncset.done $0x0  }
0x18: {  	[sflag:s17] =	ssyncadd.s32 $0xFFFFD390  }
0x19: {  	[bflag:$0x0] =	sbarrier.arrive $0xFFFF  }
0x1a: {  	s12 =	rddreg [dreg:$0x4]  }
0x1b: {  	[tilespmem:s3], [sflag:$0x1] =	stream.linear.gather [hbm4b:s12+s3], $0x50, $0x38;
	[tilespmem:$0x1F5C0] =	vst v63  }
0x1c: {  	s14 =	rddreg [dreg:$0x5]  }
0x1d: {  	[tilespmem:s18], [sflag:$0x1] =	stream.linear.gather [hbm4b:s14+s3], $0x50, $0x38;
	[tilespmem:$0x1F5C0] =	vst v63  }
0x1e: {  	_ =	swait.ge [sflag:s19], $0x50  }
0x1f: {  	[sflag:s19] =	ssyncset.done $0x0  }
0x20: {  	[sflag:s19] =	ssyncadd.s32 $0xFFFFFFB0  }
0x21: {  	_ =	swait.ge [sflag:s19], $0x50  }
0x22: {  	[sflag:s19] =	ssyncset.done $0x0  }
0x23: {  	[sflag:s19] =	ssyncadd.s32 $0xFFFFFFB0  }
0x24: {  	[tilespmem:s21], [sflag:$0x3] =	stream.indirect.gather [hbm4b:s4+s20], $0x90, s3, s20, $0xb8;
	[tilespmem:$0x1F5C0] =	vst v63  }
0x25: {  	s0 =	simm.s32 $0x0  }
0x26: {  	[tilespmem:s22], [sflag:$0x3] =	stream.indirect.gather [hbm4b:s5+s20], $0x10, s18, s20, $0xb8;
	[tilespmem:$0x1F5C0] =	vst v63  }
.LBB2_2:
0x27: {  	s1 =	sshll.u32 s0, $0x1  }
0x28: {  	s8 =	sadd.s32 s9, s1  }
0x29: {  	s8 =	smul.u32 $0x50, s8;
	_ =	sdelay $0x1  }
0x2a: {  	s8 =	sshrl.u32 s8, $0x3  }
0x2b: {  	s8 =	sadd.s32 $0xA, s8  }
0x2c: {  	s12 =	simm.s32 $0x0;
	s11 =	sadd.s32 s6, s8  }
0x2d: {  	[tilespmem:s20], [sflag:$0x2] =	stream.linear.gather [hbm4b:s11+s12], $0x50, $0x38;
	[tilespmem:$0x1F5C0] =	vst v63  }
0x2e: {  	s8 =	sadd.s32 s7, s8  }
0x2f: {  	[tilespmem:s23], [sflag:$0x2] =	stream.linear.gather [hbm4b:s8+s12], $0x50, $0x38;
	[tilespmem:$0x1F5C0] =	vst v63  }
0x30: {  	_ =	swait.ge [sflag:s24], $0x50  }
0x31: {  	[sflag:s24] =	ssyncset.done $0x0  }
0x32: {  	[sflag:s24] =	ssyncadd.s32 $0xFFFFFFB0  }
0x33: {  	_ =	swait.ge [sflag:s24], $0x50  }
0x34: {  	[sflag:s24] =	ssyncset.done $0x0  }
0x35: {  	[sflag:s24] =	ssyncadd.s32 $0xFFFFFFB0  }
0x36: {  	[tilespmem:s25], [sflag:$0x4] =	stream.indirect.gather [hbm4b:s4+s20], $0x90, s20, s20, $0xb8;
	[tilespmem:$0x1F5C0] =	vst v63  }
0x37: {  	_ = 	snop  }
0x38: {  	[tilespmem:s26], [sflag:$0x4] =	stream.indirect.gather [hbm4b:s5+s20], $0x10, s23, s20, $0xb8;
	[tilespmem:$0x1F5C0] =	vst v63  }
0x39: {  	_ =	swait.ge [sflag:s28], $0x2D00  }
0x3a: {  	[sflag:s28] =	ssyncset.done $0x0  }
0x3b: {  	[sflag:s28] =	ssyncadd.s32 $0xFFFFD300  }
0x3c: {  	_ =	swait.ge [sflag:s28], $0x500  }
0x3d: {  	[sflag:s28] =	ssyncset.done $0x0  }
0x3e: {  	s8 =	simm.s32 $0x0;
	[sflag:s28] =	ssyncadd.s32 $0xFFFFFB00  }
0x3f: {  	s11 =	simm.s32 $0x5B40;
	s12 =	simm.s32 $0x240;
	v0 =	vld [tilespmem:s8+$0x1C0]  }
.LBB2_3:
0x40: {  	p0 =	sne.s32 s12, $0xB1C0;
	v1 =	vld [tilespmem:s11+$0x0];
	_ =	sdelay $0x4  }
0x41: {  	v0 =	vadd.f32 v1, v0;
	_ =	sdelay $0x1  }
0x42: {  	v1 =	vmul.f32 $2.000000030e-01, v0  }
0x43: {  	vm0 =	vgt.f32 v0, $0.0e+00  }
0x44: {  	v0 =	vsel vm0, v0, v1  }
0x45: {  	v0 =	vmul.f32 $1.442695020e+00, v0;
	_ =	sdelay $0x1  }
0x46: {  	(erf) = vpow2.f32 v0  }
0x47: {  	v0 =	vld [tilespmem:s8+$0x140]  }
0x48: {  	v1 =	vld [tilespmem:s8+$0x150]  }
0x49: {  	v2 =	vld [tilespmem:s8+$0x160]  }
0x4a: {  	v3 =	vld [tilespmem:s8+$0x170]  }
0x4b: {  	v4 =	vld [tilespmem:s8+$0x180]  }
0x4c: {  	v5 =	vld [tilespmem:s8+$0x190]  }
0x4d: {  	v6 =	vld [tilespmem:s8+$0x1A0]  }
0x4e: {  	v7 =	vld [tilespmem:s8+$0x1B0]  }
0x4f: {  	v8 =	vpop (erf)  }
0x50: {  	[tilespmem:s8+$0x65C0] =	vst v8;
	v0 =	vmul.f32 v8, v0;
	v1 =	vmul.f32 v8, v1  }
0x51: {  	v2 =	vmul.f32 v2, v8;
	v3 =	vmul.f32 v3, v8  }
0x52: {  	[tilespmem:s8+$0x6540] =	vst v0;
	v0 =	vmul.f32 v4, v8;
	v4 =	vmul.f32 v5, v8  }
0x53: {  	[tilespmem:s8+$0x6550] =	vst v1;
	v1 =	vmul.f32 v6, v8;
	v5 =	vmul.f32 v7, v8  }
0x54: {  	[tilespmem:s8+$0x6560] =	vst v2  }
.Ltmp0:
0x55: {  	[tilespmem:s8+$0x6570] =	vst v3;
	(pc) =	sbr.rel @p0 .LBB2_3-.Ltmp0, $4  }
0x56: {  	[tilespmem:s8+$0x6580] =	vst v0  }
0x57: {  	[tilespmem:s8+$0x6590] =	vst v4  }
0x58: {  	s14 =	sshra.s32 s12, $0x2;
	[tilespmem:s8+$0x65A0] =	vst v1  }
0x59: {  	s12 =	sadd.s32 $0x240, s12;
	s11 =	sadd.s32 $0x10, s11;
	v0 =	vld [tilespmem:s14+$0x1C0];
	[tilespmem:s8+$0x65B0] =	vst v5;
	s8 =	smov.u32 s14  }
0x5a: {  	v1 =	vld [tilespmem:s11+$0x0];
	_ =	sdelay $0x4  }
0x5b: {  	v0 =	vadd.f32 v1, v0;
	_ =	sdelay $0x1  }
0x5c: {  	v1 =	vmul.f32 $2.000000030e-01, v0  }
0x5d: {  	vm0 =	vgt.f32 v0, $0.0e+00  }
0x5e: {  	v0 =	vsel vm0, v0, v1  }
0x5f: {  	v0 =	vmul.f32 $1.442695020e+00, v0;
	_ =	sdelay $0x1  }
0x60: {  	(erf) = vpow2.f32 v0;
	_ =	sdelay $0x4  }
0x61: {  	v0 =	vld [tilespmem:s8+$0x140]  }
0x62: {  	v1 =	vld [tilespmem:s8+$0x150]  }
0x63: {  	v2 =	vld [tilespmem:s8+$0x160]  }
0x64: {  	v3 =	vld [tilespmem:s8+$0x170]  }
0x65: {  	v4 =	vld [tilespmem:s8+$0x180];
	v7 =	vpop (erf)  }
0x66: {  	v5 =	vld [tilespmem:s8+$0x190];
	v0 =	vmul.f32 v7, v0  }
0x67: {  	v6 =	vld [tilespmem:s8+$0x1A0];
	[tilespmem:s8+$0x65C0] =	vst v7;
	v1 =	vmul.f32 v7, v1  }
0x68: {  	v8 =	vld [tilespmem:s8+$0x1B0];
	v2 =	vmul.f32 v2, v7;
	[tilespmem:s8+$0x6540] =	vst v0  }
0x69: {  	v0 =	vmul.f32 v3, v7;
	[tilespmem:s8+$0x6550] =	vst v1  }
0x6a: {  	v1 =	vmul.f32 v4, v7;
	[tilespmem:s8+$0x6560] =	vst v2  }
0x6b: {  	v2 =	vmul.f32 v5, v7;
	[tilespmem:s8+$0x6570] =	vst v0  }
0x6c: {  	v0 =	vmul.f32 v6, v7;
	[tilespmem:s8+$0x6580] =	vst v1  }
0x6d: {  	v1 =	vmul.f32 v8, v7;
	[tilespmem:s8+$0x6590] =	vst v2  }
0x6e: {  	s1 =	sadd.s32 s1, s13;
	[tilespmem:s8+$0x65A0] =	vst v0  }
0x6f: {  	s1 =	smul.u32 $0x50, s1;
	[tilespmem:s8+$0x65B0] =	vst v1  }
0x70: {  	[spmem:s2] =	stream.indirect.scatter.add.f32 [tilespmem:s29], [sflag:$0x5], $0x90, s18, s20, $0xb8;
	[tilespmem:$0x1F5C0] =	vst v63  }
0x71: {  	s1 =	sshrl.u32 s1, $0x3;
	_ =	swait.ge [sflag:s17], $0x2D00  }
0x72: {  	s1 =	sadd.s32 $0xA, s1;
	[sflag:s17] =	ssyncset.done $0x0  }
0x73: {  	s14 =	sadd.s32 s6, s1;
	[sflag:s17] =	ssyncadd.s32 $0xFFFFD300  }
0x74: {  	[tilespmem:s3], [sflag:$0x1] =	stream.linear.gather [hbm4b:s14+s3], $0x50, $0x38;
	[tilespmem:$0x1F5C0] =	vst v63  }
0x75: {  	s1 =	sadd.s32 s7, s1  }
0x76: {  	[tilespmem:s18], [sflag:$0x1] =	stream.linear.gather [hbm4b:s1+s3], $0x50, $0x38;
	[tilespmem:$0x1F5C0] =	vst v63  }
0x77: {  	_ =	swait.ge [sflag:s19], $0x50  }
0x78: {  	[sflag:s19] =	ssyncset.done $0x0  }
0x79: {  	[sflag:s19] =	ssyncadd.s32 $0xFFFFFFB0  }
0x7a: {  	_ =	swait.ge [sflag:s19], $0x50  }
0x7b: {  	[sflag:s19] =	ssyncset.done $0x0  }
0x7c: {  	[sflag:s19] =	ssyncadd.s32 $0xFFFFFFB0  }
0x7d: {  	[tilespmem:s21], [sflag:$0x3] =	stream.indirect.gather [hbm4b:s4+s20], $0x90, s3, s20, $0xb8;
	[tilespmem:$0x1F5C0] =	vst v63  }
0x7e: {  	_ = 	snop  }
0x7f: {  	[tilespmem:s22], [sflag:$0x3] =	stream.indirect.gather [hbm4b:s5+s20], $0x10, s18, s20, $0xb8;
	[tilespmem:$0x1F5C0] =	vst v63  }
0x80: {  	_ =	swait.ge [sflag:s30], $0x2D00  }
0x81: {  	[sflag:s30] =	ssyncset.done $0x0  }
0x82: {  	[sflag:s30] =	ssyncadd.s32 $0xFFFFD300  }
0x83: {  	_ =	swait.ge [sflag:s30], $0x500  }
0x84: {  	[sflag:s30] =	ssyncset.done $0x0  }
0x85: {  	s1 =	simm.s32 $0x40;
	[sflag:s30] =	ssyncadd.s32 $0xFFFFFB00  }
0x86: {  	s11 =	simm.s32 $0x340;
	s8 =	simm.s32 $0x6040;
	v0 =	vld [tilespmem:s1+$0x2E80]  }
.LBB2_5:
0x87: {  	p0 =	sne.s32 s11, $0xB2C0;
	v1 =	vld [tilespmem:s8+$0x0];
	_ =	sdelay $0x4  }
0x88: {  	v0 =	vadd.f32 v1, v0;
	_ =	sdelay $0x1  }
0x89: {  	v1 =	vmul.f32 $2.000000030e-01, v0  }
0x8a: {  	vm0 =	vgt.f32 v0, $0.0e+00  }
0x8b: {  	v0 =	vsel vm0, v0, v1  }
0x8c: {  	v0 =	vmul.f32 $1.442695020e+00, v0;
	_ =	sdelay $0x1  }
0x8d: {  	(erf) = vpow2.f32 v0  }
0x8e: {  	v0 =	vld [tilespmem:s1+$0x2E00]  }
0x8f: {  	v1 =	vld [tilespmem:s1+$0x2E10]  }
0x90: {  	v2 =	vld [tilespmem:s1+$0x2E20]  }
0x91: {  	v3 =	vld [tilespmem:s1+$0x2E30]  }
0x92: {  	v4 =	vld [tilespmem:s1+$0x2E40]  }
0x93: {  	v5 =	vld [tilespmem:s1+$0x2E50]  }
0x94: {  	v6 =	vld [tilespmem:s1+$0x2E60]  }
0x95: {  	v7 =	vld [tilespmem:s1+$0x2E70]  }
0x96: {  	v8 =	vpop (erf)  }
0x97: {  	[tilespmem:s1+$0x6580] =	vst v8;
	v0 =	vmul.f32 v8, v0;
	v1 =	vmul.f32 v8, v1  }
0x98: {  	v2 =	vmul.f32 v2, v8;
	v3 =	vmul.f32 v3, v8  }
0x99: {  	[tilespmem:s1+$0x6500] =	vst v0;
	v0 =	vmul.f32 v4, v8;
	v4 =	vmul.f32 v5, v8  }
0x9a: {  	[tilespmem:s1+$0x6510] =	vst v1;
	v1 =	vmul.f32 v6, v8;
	v5 =	vmul.f32 v7, v8  }
0x9b: {  	[tilespmem:s1+$0x6520] =	vst v2  }
.Ltmp1:
0x9c: {  	[tilespmem:s1+$0x6530] =	vst v3;
	(pc) =	sbr.rel @p0 .LBB2_5-.Ltmp1, $4  }
0x9d: {  	[tilespmem:s1+$0x6540] =	vst v0  }
0x9e: {  	[tilespmem:s1+$0x6550] =	vst v4  }
0x9f: {  	s12 =	sshra.s32 s11, $0x2;
	[tilespmem:s1+$0x6560] =	vst v1  }
0xa0: {  	s11 =	sadd.s32 $0x240, s11;
	s8 =	sadd.s32 $0x10, s8;
	v0 =	vld [tilespmem:s12+$0x2E80];
	[tilespmem:s1+$0x6570] =	vst v5;
	s1 =	smov.u32 s12  }
0xa1: {  	v1 =	vld [tilespmem:s8+$0x0];
	_ =	sdelay $0x4  }
0xa2: {  	v0 =	vadd.f32 v1, v0;
	_ =	sdelay $0x1  }
0xa3: {  	v1 =	vmul.f32 $2.000000030e-01, v0  }
0xa4: {  	vm0 =	vgt.f32 v0, $0.0e+00  }
0xa5: {  	v0 =	vsel vm0, v0, v1  }
0xa6: {  	v0 =	vmul.f32 $1.442695020e+00, v0;
	_ =	sdelay $0x1  }
0xa7: {  	(erf) = vpow2.f32 v0;
	_ =	sdelay $0x4  }
0xa8: {  	v57 =	vld [tilespmem:s1+$0x2E00]  }
0xa9: {  	v58 =	vld [tilespmem:s1+$0x2E10]  }
0xaa: {  	v2 =	vld [tilespmem:s1+$0x2E20]  }
0xab: {  	v3 =	vld [tilespmem:s1+$0x2E30]  }
0xac: {  	v4 =	vld [tilespmem:s1+$0x2E40];
	v7 =	vpop (erf)  }
0xad: {  	v5 =	vld [tilespmem:s1+$0x2E50];
	v0 =	vmul.f32 v7, v57  }
0xae: {  	v6 =	vld [tilespmem:s1+$0x2E60];
	[tilespmem:s1+$0x6580] =	vst v7;
	v1 =	vmul.f32 v7, v58  }
0xaf: {  	v8 =	vld [tilespmem:s1+$0x2E70];
	v2 =	vmul.f32 v2, v7;
	[tilespmem:s1+$0x6500] =	vst v0  }
0xb0: {  	v59 =	vmul.f32 v3, v7;
	[tilespmem:s1+$0x6510] =	vst v1  }
0xb1: {  	v60 =	vmul.f32 v4, v7;
	[tilespmem:s1+$0x6520] =	vst v2  }
0xb2: {  	v61 =	vmul.f32 v5, v7;
	[tilespmem:s1+$0x6530] =	vst v59  }
0xb3: {  	v62 =	vmul.f32 v6, v7;
	[tilespmem:s1+$0x6540] =	vst v60  }
0xb4: {  	s0 =	sadd.s32 $0x1, s0;
	v63 =	vmul.f32 v8, v7;
	[tilespmem:s1+$0x6550] =	vst v61  }
0xb5: {  	p0 =	sne.s32 s0, $0x3E;
	[tilespmem:s1+$0x6560] =	vst v62  }
.Ltmp2:
0xb6: {  	[tilespmem:s1+$0x6570] =	vst v63;
	(pc) =	sbr.rel @p0 .LBB2_2-.Ltmp2, $4  }
0xb7: {  	[spmem:s2] =	stream.indirect.scatter.add.f32 [tilespmem:s29], [sflag:$0x5], $0x90, s23, s20, $0xb8;
	[tilespmem:$0x1F5C0] =	vst v63  }
0xb8: {  	_ =	swait.ge [sflag:s17], $0x2D00  }
0xb9: {  	[sflag:s17] =	ssyncset.done $0x0  }
0xba: {  	[sflag:s17] =	ssyncadd.s32 $0xFFFFD300  }
0xbb: {  	_ =	swait.ge [sflag:s28], $0x2D00  }
0xbc: {  	[sflag:s28] =	ssyncset.done $0x0  }
0xbd: {  	[sflag:s28] =	ssyncadd.s32 $0xFFFFD300  }
0xbe: {  	_ =	swait.ge [sflag:s28], $0x500  }
0xbf: {  	[sflag:s28] =	ssyncset.done $0x0  }
0xc0: {  	s0 =	simm.s32 $0x0;
	[sflag:s28] =	ssyncadd.s32 $0xFFFFFB00  }
0xc1: {  	s1 =	simm.s32 $0x5B40;
	s8 =	simm.s32 $0x240;
	v0 =	vld [tilespmem:s0+$0x1C0]  }
.LBB2_8:
0xc2: {  	p0 =	sne.s32 s8, $0xB1C0;
	v1 =	vld [tilespmem:s1+$0x0];
	_ =	sdelay $0x4  }
0xc3: {  	v0 =	vadd.f32 v1, v0;
	_ =	sdelay $0x1  }
0xc4: {  	v1 =	vmul.f32 $2.000000030e-01, v0  }
0xc5: {  	vm0 =	vgt.f32 v0, $0.0e+00  }
0xc6: {  	v0 =	vsel vm0, v0, v1  }
0xc7: {  	v0 =	vmul.f32 $1.442695020e+00, v0;
	_ =	sdelay $0x1  }
0xc8: {  	(erf) = vpow2.f32 v0  }
0xc9: {  	v0 =	vld [tilespmem:s0+$0x140]  }
0xca: {  	v1 =	vld [tilespmem:s0+$0x150]  }
0xcb: {  	v2 =	vld [tilespmem:s0+$0x160]  }
0xcc: {  	v3 =	vld [tilespmem:s0+$0x170]  }
0xcd: {  	v4 =	vld [tilespmem:s0+$0x180]  }
0xce: {  	v5 =	vld [tilespmem:s0+$0x190]  }
0xcf: {  	v6 =	vld [tilespmem:s0+$0x1A0]  }
0xd0: {  	v7 =	vld [tilespmem:s0+$0x1B0]  }
0xd1: {  	v8 =	vpop (erf)  }
0xd2: {  	[tilespmem:s0+$0x65C0] =	vst v8;
	v0 =	vmul.f32 v8, v0;
	v1 =	vmul.f32 v8, v1  }
0xd3: {  	v2 =	vmul.f32 v2, v8;
	v3 =	vmul.f32 v3, v8  }
0xd4: {  	[tilespmem:s0+$0x6540] =	vst v0;
	v0 =	vmul.f32 v4, v8;
	v4 =	vmul.f32 v5, v8  }
0xd5: {  	[tilespmem:s0+$0x6550] =	vst v1;
	v1 =	vmul.f32 v6, v8;
	v5 =	vmul.f32 v7, v8  }
0xd6: {  	[tilespmem:s0+$0x6560] =	vst v2  }
.Ltmp3:
0xd7: {  	[tilespmem:s0+$0x6570] =	vst v3;
	(pc) =	sbr.rel @p0 .LBB2_8-.Ltmp3, $4  }
0xd8: {  	[tilespmem:s0+$0x6580] =	vst v0  }
0xd9: {  	[tilespmem:s0+$0x6590] =	vst v4  }
0xda: {  	s11 =	sshra.s32 s8, $0x2;
	[tilespmem:s0+$0x65A0] =	vst v1  }
0xdb: {  	s8 =	sadd.s32 $0x240, s8;
	s1 =	sadd.s32 $0x10, s1;
	v0 =	vld [tilespmem:s11+$0x1C0];
	[tilespmem:s0+$0x65B0] =	vst v5;
	s0 =	smov.u32 s11  }
0xdc: {  	v1 =	vld [tilespmem:s1+$0x0];
	_ =	sdelay $0x4  }
0xdd: {  	v0 =	vadd.f32 v1, v0;
	_ =	sdelay $0x1  }
0xde: {  	v1 =	vmul.f32 $2.000000030e-01, v0  }
0xdf: {  	vm0 =	vgt.f32 v0, $0.0e+00  }
0xe0: {  	v0 =	vsel vm0, v0, v1  }
0xe1: {  	v0 =	vmul.f32 $1.442695020e+00, v0;
	_ =	sdelay $0x1  }
0xe2: {  	(erf) = vpow2.f32 v0;
	_ =	sdelay $0x4  }
0xe3: {  	v57 =	vld [tilespmem:s0+$0x140]  }
0xe4: {  	v58 =	vld [tilespmem:s0+$0x150]  }
0xe5: {  	v2 =	vld [tilespmem:s0+$0x160]  }
0xe6: {  	v3 =	vld [tilespmem:s0+$0x170]  }
0xe7: {  	v4 =	vld [tilespmem:s0+$0x180];
	v7 =	vpop (erf)  }
0xe8: {  	v5 =	vld [tilespmem:s0+$0x190];
	v0 =	vmul.f32 v7, v57  }
0xe9: {  	v6 =	vld [tilespmem:s0+$0x1A0];
	[tilespmem:s0+$0x65C0] =	vst v7;
	v1 =	vmul.f32 v7, v58  }
0xea: {  	v8 =	vld [tilespmem:s0+$0x1B0];
	v2 =	vmul.f32 v2, v7;
	[tilespmem:s0+$0x6540] =	vst v0  }
0xeb: {  	v59 =	vmul.f32 v3, v7;
	[tilespmem:s0+$0x6550] =	vst v1  }
0xec: {  	v60 =	vmul.f32 v4, v7;
	[tilespmem:s0+$0x6560] =	vst v2  }
0xed: {  	v61 =	vmul.f32 v5, v7;
	[tilespmem:s0+$0x6570] =	vst v59  }
0xee: {  	v62 =	vmul.f32 v6, v7;
	[tilespmem:s0+$0x6580] =	vst v60  }
0xef: {  	v63 =	vmul.f32 v8, v7;
	[tilespmem:s0+$0x6590] =	vst v61  }
0xf0: {  	[tilespmem:s0+$0x65A0] =	vst v62  }
0xf1: {  	[tilespmem:s0+$0x65B0] =	vst v63  }
0xf2: {  	[spmem:s2] =	stream.indirect.scatter.add.f32 [tilespmem:s29], [sflag:$0x5], $0x90, s18, s20, $0xb8;
	[tilespmem:$0x1F5C0] =	vst v63  }
0xf3: {  	_ =	swait.ge [sflag:s17], $0x2D00  }
0xf4: {  	[sflag:s17] =	ssyncset.done $0x0  }
0xf5: {  	s31 =	sadd.s32 $0x1, s31;
	[sflag:s17] =	ssyncadd.s32 $0xFFFFD300  }
0xf6: {  	p0 =	sne.s32 s31, s15;
	[bflag:$0x0] =	sbarrier.arrive $0xFFFF  }
.Ltmp4:
0xf7: {  	s14 =	rddreg [dreg:$0x6];
	(pc) =	sbr.rel @p0 .LBB2_1-.Ltmp4, $4  }
0xf8: {  	[hbm:s14], [sflag:s10] =	dma.local [spmem:s16], $0x2C70  }
0xf9: {  	_ =	swait.ge [sflag:s17], $0x2C70  }
0xfa: {  	[sflag:s17] =	ssyncset.done $0x0  }
0xfb: {  	[sflag:s17] =	ssyncadd.s32 $0xFFFFD390  }
0xfc: {  	_ =	sfence.sel $0x180000  }
0xfd: {  	[bflag:$0x0] =	sbarrier.arrive $0xFFFF  }
0xfe: {  	_ =	strace $0x9000004A  }
0xff: {  	s0 =	stileid.u32;
	[bflag:$0x2] =	sbarrier.arrive $0xFFFF  }
0x100: {  	p0 =	sne.s32 s0, $0x0;
	s0 =	rddreg [dreg:$0x2]  }
0x101: {  	s0 =	sadd.s32 @!p0 $0x100000, s0  }
0x102: {  	[sflag:s0] =	ssyncadd.tile.s32 @!p0 $0x1;
	_ =	shalt  }
.Lfunc_end2:
_tile_overlayer_lowered:
.L_overlay_start_2:
0x103: {  	(tag) =	ssettag $0x2  }
0x104: {  	s0 =	rddreg [dreg:$0x0];
	s2 =	stileid.u32  }
0x105: {  	s1 =	rddreg [dreg:$0x1];
	p0 =	sne.s32 s2, $0x0  }
0x106: {  	s3 =	rddreg [dreg:$0x2];
	[bflag:$0x3] =	sbarrier.arrive $0xFFFF;
	s2 =	simm.s32 @!p0 $0x1C05  }
0x107: {  	[timem:s3], [sflag:s2] =	dma.local @!p0 [hbm:s0], s1  }
0x108: {  	s0 =	simm.s32 @!p0 $0x5  }
0x109: {  	_ =	swait.ge @!p0 [sflag:s0], s1  }
0x10a: {  	s1 =	ssub.s32 @!p0 $0x0, s1;
	[sflag:s0] =	ssyncset.done @!p0 $0x0  }
0x10b: {  	[sflag:s0] =	ssyncadd.s32 @!p0 s1  }
0x10c: {  	[bflag:$0x3] =	sbarrier.arrive $0xFFFF  }
0x10d: {  	_ =	shalt  }

</sc_bundles>
